<compile_context>
chip_gen: v7x
topology: tpu7x:2x2x1
jax: 0.10.2.dev20260603
libtpu: 0.0.44.dev20260713+nightly
codegen_flags: <defaults>
</compile_context>

<pallas_src>
import functools

import jax
import jax.numpy as jnp
from jax import lax
from jax.experimental import pallas as pl
from jax.experimental.pallas import tpu as pltpu
from jax.experimental.pallas import tpu_sc as plsc

B = 4
C = 192
S = 48
K = 4
H = 224
W = 224
HW = H * W
NCH = 56
T = HW // NCH
HNCH = NCH // 2
QUADS = (B * S) // K
SQ = S // K
GRPS = HNCH
NITEMS = QUADS * GRPS

NC = 2
NS = 16
NW = NC * NS
IPW = NITEMS // NW
NBUF = 3
NSTEP = IPW // NBUF


def _sc_kernel(x_hbm, idx_hbm, out_hbm, idx_v, gidx, gbuf, obuf,
               semg0, semg1, semg2, sems0, sems1, sems2):
    wid = lax.axis_index("s") * NC + lax.axis_index("c")
    base_item = wid * IPW
    semg = (semg0, semg1, semg2)
    sems = (sems0, sems1, sems2)

    pltpu.sync_copy(idx_hbm, idx_v)

    def split(item):
        quad = item // GRPS
        grp = item % GRPS
        b = quad // SQ
        sbase = (quad % SQ) * K
        return b, sbase, grp

    def gather_item(item, slot):
        b, sbase, grp = split(item)
        ch = idx_v[pl.ds(sbase * K, 16)]
        gidx[slot, :] = (b * C + ch) * HNCH + grp
        pltpu.async_copy(x_hbm.at[gidx.at[slot]], gbuf.at[slot], semg[slot])

    def drain_gather(slot):
        pltpu.make_async_copy(
            x_hbm.at[pl.ds(0, 16)], gbuf.at[slot], semg[slot]).wait()

    def drain_store(slot):
        pltpu.make_async_copy(
            obuf.at[slot], out_hbm.at[pl.ds(0, K)], sems[slot]).wait()

    def compute_store(item, slot):
        b, sbase, grp = split(item)

        def body(k, _):
            sl = pl.ds(k * 16, 16)
            for q in range(K):
                for tt in range(2):
                    m0 = jnp.maximum(gbuf[slot, 4 * q, tt, sl],
                                     gbuf[slot, 4 * q + 1, tt, sl])
                    m1 = jnp.maximum(gbuf[slot, 4 * q + 2, tt, sl],
                                     gbuf[slot, 4 * q + 3, tt, sl])
                    obuf[slot, q, tt, sl] = jnp.maximum(m0, m1)
            return 0

        lax.fori_loop(0, T // 16, body, 0)
        for q in range(K):
            orow = (b * S + sbase + q) * HNCH + grp
            pltpu.async_copy(obuf.at[slot, q], out_hbm.at[orow], sems[slot])

    gather_item(base_item, 0)
    gather_item(base_item + 1, 1)

    def step(i, _):
        for u in range(NBUF):
            n = i * NBUF + u
            su = (u + 2) % NBUF
            pl.when(n + 2 < IPW)(
                lambda n=n, su=su: gather_item(base_item + n + 2, su))
            drain_gather(u)
            pl.when(n >= NBUF)(lambda u=u: drain_store(u))
            compute_store(base_item + n, u)
        return 0

    lax.fori_loop(0, NSTEP, step, 0)
    for u in range(NBUF):
        drain_store(u)


@jax.jit
def _fused_multi_pool(x3, idx_flat):
    mesh = plsc.VectorSubcoreMesh(core_axis_name="c", subcore_axis_name="s")
    run = functools.partial(
        pl.kernel,
        out_type=jax.ShapeDtypeStruct((B * S * HNCH, 2, T), jnp.float32),
        mesh=mesh,
        scratch_types=[
            pltpu.VMEM((S * K,), jnp.int32),
            pltpu.VMEM((NBUF, 16), jnp.int32),
            pltpu.VMEM((NBUF, 16, 2, T), jnp.float32),
            pltpu.VMEM((NBUF, K, 2, T), jnp.float32),
            pltpu.SemaphoreType.DMA,
            pltpu.SemaphoreType.DMA,
            pltpu.SemaphoreType.DMA,
            pltpu.SemaphoreType.DMA,
            pltpu.SemaphoreType.DMA,
            pltpu.SemaphoreType.DMA,
        ],
    )(_sc_kernel)
    return run(x3, idx_flat)


def kernel(input, channel_idx_sets):
    x3 = input.reshape(B * C * HNCH, 2, T)
    out = _fused_multi_pool(x3, channel_idx_sets.reshape(S * K))
    return out.reshape(B, S, H, W)

# --- scband reference (transcript-rebuilt; emitter-appended) ---
"""Pipeline reference for scband-fused-multi-pool-2645699854881 (READ-ONLY COPY).

The authoritative reference and input builder live on the scoring server;
editing this copy changes nothing except your own understanding.
"""

import jax, jax.numpy as jnp
import numpy as np


def setup_inputs(seed: int = 0) -> dict:
    key = jax.random.key(seed)
    k_in, _ = jax.random.split(key)
    # input feature map [B, C, H, W]
    x = jax.random.normal(k_in, (4, 192, 224, 224), dtype=jnp.float32)
    # channel index sets [NUM_CHANNEL_SETS, MAX_CHANNELS_PER_SET]
    # arange fill: 0..191 reshaped -> set s holds channels [4s, 4s+1, 4s+2, 4s+3]
    channel_idx_sets = jnp.arange(48 * 4, dtype=jnp.int32).reshape(48, 4)
    return {"input": x, "channel_idx_sets": channel_idx_sets}


def reference(input, channel_idx_sets):
    # Fused multi-pool: for each channel set s, at each (b, h, w),
    # out[b, s, h, w] = max_{j} input[b, channel_idx_sets[s, j], h, w]
    # This mirrors the CUDA KERNEL_max_multi semantics (max over the
    # gathered channels of each set, per spatial location, per batch).
    gathered = jnp.take(input, channel_idx_sets, axis=1)  # [B, S, K, H, W]
    out = jnp.max(gathered, axis=2)                        # [B, S, H, W]
    return out

if __name__ == "__main__":
    import jax
    _d = setup_inputs()
    print(jax.jit(kernel)(*tuple(_d.values())))

</pallas_src>

<mosaic_0001>
#map = affine_map<(d0, d1) -> (0, 0, 0)>
#map1 = affine_map<(d0, d1) -> (0)>
module attributes {stable_mosaic.version = 14 : i64} {
  func.func @_sc_kernel(%arg0: i32, %arg1: i32, %arg2: memref<21504x2x896xf32, #tpu.memory_space<hbm>>, %arg3: memref<192xi32, #tpu.memory_space<hbm>>, %arg4: memref<5376x2x896xf32, #tpu.memory_space<hbm>>, %arg5: memref<192xi32, #tpu.memory_space<vmem>>, %arg6: memref<3x16xi32, #tpu.memory_space<vmem>>, %arg7: memref<3x16x2x896xf32, #tpu.memory_space<vmem>>, %arg8: memref<3x4x2x896xf32, #tpu.memory_space<vmem>>, %arg9: memref<!tpu.dma_semaphore, #tpu.memory_space<semaphore_mem>>, %arg10: memref<!tpu.dma_semaphore, #tpu.memory_space<semaphore_mem>>, %arg11: memref<!tpu.dma_semaphore, #tpu.memory_space<semaphore_mem>>, %arg12: memref<!tpu.dma_semaphore, #tpu.memory_space<semaphore_mem>>, %arg13: memref<!tpu.dma_semaphore, #tpu.memory_space<semaphore_mem>>, %arg14: memref<!tpu.dma_semaphore, #tpu.memory_space<semaphore_mem>>) attributes {dimension_semantics = [#tpu.dimension_semantics<core_parallel>, #tpu.dimension_semantics<subcore_parallel>], iteration_bounds = array<i64: 2, 16>, scalar_prefetch = 0 : i64, scratch_operands = 10 : i64, tpu.core_type = #tpu.core_type<sc_vector_subcore>, window_params = [{transform_indices = #map}, {transform_indices = #map1}, {transform_indices = #map}]} {
    %mul3A = arith.constant 2 : i32
    %mul3A_0 = arith.muli %arg1, %mul3A : i32
    %add3A = arith.addi %mul3A_0, %arg0 : i32
    %mul3A_1 = arith.constant 42 : i32
    %mul3A_2 = arith.muli %add3A, %mul3A_1 : i32
    "tpu.region"() ({
      %run_scoped3A = tpu.sem_alloc : memref<!tpu.dma_semaphore, #tpu.memory_space<semaphore_mem>>
      tpu.enqueue_dma source(%arg3 : memref<192xi32, #tpu.memory_space<hbm>>) target(%arg5 : memref<192xi32, #tpu.memory_space<vmem>>) target_semaphore(%run_scoped3A : memref<!tpu.dma_semaphore, #tpu.memory_space<semaphore_mem>>)
      tpu.wait_dma2 semaphore(%run_scoped3A : memref<!tpu.dma_semaphore, #tpu.memory_space<semaphore_mem>>) src(%arg3 : memref<192xi32, #tpu.memory_space<hbm>>) dst(%arg5 : memref<192xi32, #tpu.memory_space<vmem>>)
      tpu.yield
    }) : () -> ()
    %jit3A = arith.constant 28 : i32
    %div3A = arith.divsi %mul3A_2, %jit3A : i32
    %sign3A = arith.constant 0 : i32
    %sign3A_3 = arith.cmpi sgt, %mul3A_2, %sign3A : i32
    %sign3A_4 = arith.extui %sign3A_3 : i1 to i32
    %sign3A_5 = arith.constant 0 : i32
    %sign3A_6 = arith.cmpi slt, %mul3A_2, %sign3A_5 : i32
    %sign3A_7 = arith.extui %sign3A_6 : i1 to i32
    %sign3A_8 = arith.subi %sign3A_4, %sign3A_7 : i32
    %sign3A_9 = arith.constant 0 : i32
    %sign3A_10 = arith.cmpi sgt, %jit3A, %sign3A_9 : i32
    %sign3A_11 = arith.extui %sign3A_10 : i1 to i32
    %sign3A_12 = arith.constant 0 : i32
    %sign3A_13 = arith.cmpi slt, %jit3A, %sign3A_12 : i32
    %sign3A_14 = arith.extui %sign3A_13 : i1 to i32
    %sign3A_15 = arith.subi %sign3A_11, %sign3A_14 : i32
    %ne3A = arith.cmpi ne, %sign3A_8, %sign3A_15 : i32
    %rem3A = arith.remsi %mul3A_2, %jit3A : i32
    %ne3A_16 = arith.constant 0 : i32
    %ne3A_17 = arith.cmpi ne, %rem3A, %ne3A_16 : i32
    %and3A = arith.andi %ne3A, %ne3A_17 : i1
    %sub3A = arith.constant 1 : i32
    %sub3A_18 = arith.subi %div3A, %sub3A : i32
    %select_n3A = arith.select %and3A, %sub3A_18, %div3A : i32
    %jit3A_19 = arith.constant 28 : i32
    %eq3A = arith.constant 0 : i32
    %eq3A_20 = arith.cmpi eq, %jit3A_19, %eq3A : i32
    %jit3A_21 = arith.constant 1 : i32
    %select_n3A_22 = arith.select %eq3A_20, %jit3A_21, %jit3A_19 : i32
    %rem3A_23 = arith.remsi %mul3A_2, %select_n3A_22 : i32
    %ne3A_24 = arith.constant 0 : i32
    %ne3A_25 = arith.cmpi ne, %rem3A_23, %ne3A_24 : i32
    %lt3A = arith.constant 0 : i32
    %lt3A_26 = arith.cmpi slt, %rem3A_23, %lt3A : i32
    %lt3A_27 = arith.constant 0 : i32
    %lt3A_28 = arith.cmpi slt, %select_n3A_22, %lt3A_27 : i32
    %ne3A_29 = arith.xori %lt3A_26, %lt3A_28 : i1
    %and3A_30 = arith.andi %ne3A_29, %ne3A_25 : i1
    %add3A_31 = arith.addi %rem3A_23, %select_n3A_22 : i32
    %select_n3A_32 = arith.select %and3A_30, %add3A_31, %rem3A_23 : i32
    %jit3A_33 = arith.constant 12 : i32
    %div3A_34 = arith.divsi %select_n3A, %jit3A_33 : i32
    %sign3A_35 = arith.constant 0 : i32
    %sign3A_36 = arith.cmpi sgt, %select_n3A, %sign3A_35 : i32
    %sign3A_37 = arith.extui %sign3A_36 : i1 to i32
    %sign3A_38 = arith.constant 0 : i32
    %sign3A_39 = arith.cmpi slt, %select_n3A, %sign3A_38 : i32
    %sign3A_40 = arith.extui %sign3A_39 : i1 to i32
    %sign3A_41 = arith.subi %sign3A_37, %sign3A_40 : i32
    %sign3A_42 = arith.constant 0 : i32
    %sign3A_43 = arith.cmpi sgt, %jit3A_33, %sign3A_42 : i32
    %sign3A_44 = arith.extui %sign3A_43 : i1 to i32
    %sign3A_45 = arith.constant 0 : i32
    %sign3A_46 = arith.cmpi slt, %jit3A_33, %sign3A_45 : i32
    %sign3A_47 = arith.extui %sign3A_46 : i1 to i32
    %sign3A_48 = arith.subi %sign3A_44, %sign3A_47 : i32
    %ne3A_49 = arith.cmpi ne, %sign3A_41, %sign3A_48 : i32
    %rem3A_50 = arith.remsi %select_n3A, %jit3A_33 : i32
    %ne3A_51 = arith.constant 0 : i32
    %ne3A_52 = arith.cmpi ne, %rem3A_50, %ne3A_51 : i32
    %and3A_53 = arith.andi %ne3A_49, %ne3A_52 : i1
    %sub3A_54 = arith.constant 1 : i32
    %sub3A_55 = arith.subi %div3A_34, %sub3A_54 : i32
    %select_n3A_56 = arith.select %and3A_53, %sub3A_55, %div3A_34 : i32
    %jit3A_57 = arith.constant 12 : i32
    %eq3A_58 = arith.constant 0 : i32
    %eq3A_59 = arith.cmpi eq, %jit3A_57, %eq3A_58 : i32
    %jit3A_60 = arith.constant 1 : i32
    %select_n3A_61 = arith.select %eq3A_59, %jit3A_60, %jit3A_57 : i32
    %rem3A_62 = arith.remsi %select_n3A, %select_n3A_61 : i32
    %ne3A_63 = arith.constant 0 : i32
    %ne3A_64 = arith.cmpi ne, %rem3A_62, %ne3A_63 : i32
    %lt3A_65 = arith.constant 0 : i32
    %lt3A_66 = arith.cmpi slt, %rem3A_62, %lt3A_65 : i32
    %lt3A_67 = arith.constant 0 : i32
    %lt3A_68 = arith.cmpi slt, %select_n3A_61, %lt3A_67 : i32
    %ne3A_69 = arith.xori %lt3A_66, %lt3A_68 : i1
    %and3A_70 = arith.andi %ne3A_69, %ne3A_64 : i1
    %add3A_71 = arith.addi %rem3A_62, %select_n3A_61 : i32
    %select_n3A_72 = arith.select %and3A_70, %add3A_71, %rem3A_62 : i32
    %mul3A_73 = arith.constant 4 : i32
    %mul3A_74 = arith.muli %select_n3A_72, %mul3A_73 : i32
    %mul3A_75 = arith.constant 4 : i32
    %mul3A_76 = arith.muli %mul3A_74, %mul3A_75 : i32
    %get3A = arith.index_cast %mul3A_76 : i32 to index
    %get3A_77 = tpu.vector_load %arg5[%get3A] {strides = array<i32>} : memref<192xi32, #tpu.memory_space<vmem>>, vector<16xi32>,
    %get3A_78 = vector.shape_cast %get3A_77 : vector<16xi32> to vector<16xi32>
    %mul3A_79 = arith.constant 192 : i32
    %mul3A_80 = arith.muli %select_n3A_56, %mul3A_79 : i32
    %add3A_81 = vector.broadcast %mul3A_80 : i32 to vector<16xi32>
    %add3A_82 = arith.addi %add3A_81, %get3A_78 : vector<16xi32>
    %mul3A_83 = arith.constant 28 : i32
    %mul3A_84 = vector.broadcast %mul3A_83 : i32 to vector<16xi32>
    %mul3A_85 = arith.muli %add3A_82, %mul3A_84 : vector<16xi32>
    %add3A_86 = vector.broadcast %select_n3A_32 : i32 to vector<16xi32>
    %add3A_87 = arith.addi %mul3A_85, %add3A_86 : vector<16xi32>
    %swap3A = arith.constant 0 : i32
    %swap3A_88 = arith.index_cast %swap3A : i32 to index
    %swap3A_89 = arith.constant 0 : index
    %swap3A_90 = tpu.vector_load %arg6[%swap3A_88, %swap3A_89] {strides = array<i32>} : memref<3x16xi32, #tpu.memory_space<vmem>>, vector<1x16xi32>,
    %swap3A_91 = vector.shape_cast %swap3A_90 : vector<1x16xi32> to vector<16xi32>
    %swap3A_92 = vector.shape_cast %add3A_87 : vector<16xi32> to vector<1x16xi32>
    tpu.vector_store %arg6[%swap3A_88, %swap3A_89], %swap3A_92 {strides = array<i32>} : memref<3x16xi32, #tpu.memory_space<vmem>>, vector<1x16xi32>,
    %dma_start3A = arith.constant 0 : i32
    %dma_start3A_93 = arith.constant 0 : i32
    %dma_start3A_94 = arith.constant 0 : i32
    %dma_start3A_95 = arith.constant 0 : i32
    %dma_start3A_96 = arith.constant 0 : i32
    %dma_start3A_97 = tpu.memref_slice %arg7[%dma_start3A_93, %dma_start3A_94, %dma_start3A_95, %dma_start3A_96] : memref<3x16x2x896xf32, #tpu.memory_space<vmem>> -> memref<1x16x2x896xf32, #tpu.memory_space<vmem>>
    %dma_start3A_98 = tpu.memref_squeeze %dma_start3A_97 : memref<1x16x2x896xf32, #tpu.memory_space<vmem>> -> memref<16x2x896xf32, #tpu.memory_space<vmem>>
    %dma_start3A_99 = arith.constant 0 : i32
    %dma_start3A_100 = tpu.memref_slice %arg6[%dma_start3A, %dma_start3A_99] : memref<3x16xi32, #tpu.memory_space<vmem>> -> memref<1x16xi32, #tpu.memory_space<vmem>>
    %dma_start3A_101 = tpu.memref_squeeze %dma_start3A_100 : memref<1x16xi32, #tpu.memory_space<vmem>> -> memref<16xi32, #tpu.memory_space<vmem>>
    %dma_start3A_102 = arith.constant 0 : i32
    %dma_start3A_103 = arith.constant 0 : i32
    %dma_start3A_104 = arith.constant 0 : i32
    %dma_start3A_105 = tpu.memref_slice %arg2[%dma_start3A_102, %dma_start3A_103, %dma_start3A_104] : memref<21504x2x896xf32, #tpu.memory_space<hbm>> -> memref<21504x2x896xf32, #tpu.memory_space<hbm>>
    tpu.enqueue_indirect_dma source(%dma_start3A_105 : memref<21504x2x896xf32, #tpu.memory_space<hbm>>) target(%dma_start3A_98 : memref<16x2x896xf32, #tpu.memory_space<vmem>>) offsets(%dma_start3A_101 : memref<16xi32, #tpu.memory_space<vmem>>) semaphore(%arg9 : memref<!tpu.dma_semaphore, #tpu.memory_space<semaphore_mem>>)
    %add3A_106 = arith.constant 1 : i32
    %add3A_107 = arith.addi %mul3A_2, %add3A_106 : i32
    %jit3A_108 = arith.constant 28 : i32
    %div3A_109 = arith.divsi %add3A_107, %jit3A_108 : i32
    %sign3A_110 = arith.constant 0 : i32
    %sign3A_111 = arith.cmpi sgt, %add3A_107, %sign3A_110 : i32
    %sign3A_112 = arith.extui %sign3A_111 : i1 to i32
    %sign3A_113 = arith.constant 0 : i32
    %sign3A_114 = arith.cmpi slt, %add3A_107, %sign3A_113 : i32
    %sign3A_115 = arith.extui %sign3A_114 : i1 to i32
    %sign3A_116 = arith.subi %sign3A_112, %sign3A_115 : i32
    %sign3A_117 = arith.constant 0 : i32
    %sign3A_118 = arith.cmpi sgt, %jit3A_108, %sign3A_117 : i32
    %sign3A_119 = arith.extui %sign3A_118 : i1 to i32
    %sign3A_120 = arith.constant 0 : i32
    %sign3A_121 = arith.cmpi slt, %jit3A_108, %sign3A_120 : i32
    %sign3A_122 = arith.extui %sign3A_121 : i1 to i32
    %sign3A_123 = arith.subi %sign3A_119, %sign3A_122 : i32
    %ne3A_124 = arith.cmpi ne, %sign3A_116, %sign3A_123 : i32
    %rem3A_125 = arith.remsi %add3A_107, %jit3A_108 : i32
    %ne3A_126 = arith.constant 0 : i32
    %ne3A_127 = arith.cmpi ne, %rem3A_125, %ne3A_126 : i32
    %and3A_128 = arith.andi %ne3A_124, %ne3A_127 : i1
    %sub3A_129 = arith.constant 1 : i32
    %sub3A_130 = arith.subi %div3A_109, %sub3A_129 : i32
    %select_n3A_131 = arith.select %and3A_128, %sub3A_130, %div3A_109 : i32
    %jit3A_132 = arith.constant 28 : i32
    %eq3A_133 = arith.constant 0 : i32
    %eq3A_134 = arith.cmpi eq, %jit3A_132, %eq3A_133 : i32
    %jit3A_135 = arith.constant 1 : i32
    %select_n3A_136 = arith.select %eq3A_134, %jit3A_135, %jit3A_132 : i32
    %rem3A_137 = arith.remsi %add3A_107, %select_n3A_136 : i32
    %ne3A_138 = arith.constant 0 : i32
    %ne3A_139 = arith.cmpi ne, %rem3A_137, %ne3A_138 : i32
    %lt3A_140 = arith.constant 0 : i32
    %lt3A_141 = arith.cmpi slt, %rem3A_137, %lt3A_140 : i32
    %lt3A_142 = arith.constant 0 : i32
    %lt3A_143 = arith.cmpi slt, %select_n3A_136, %lt3A_142 : i32
    %ne3A_144 = arith.xori %lt3A_141, %lt3A_143 : i1
    %and3A_145 = arith.andi %ne3A_144, %ne3A_139 : i1
    %add3A_146 = arith.addi %rem3A_137, %select_n3A_136 : i32
    %select_n3A_147 = arith.select %and3A_145, %add3A_146, %rem3A_137 : i32
    %jit3A_148 = arith.constant 12 : i32
    %div3A_149 = arith.divsi %select_n3A_131, %jit3A_148 : i32
    %sign3A_150 = arith.constant 0 : i32
    %sign3A_151 = arith.cmpi sgt, %select_n3A_131, %sign3A_150 : i32
    %sign3A_152 = arith.extui %sign3A_151 : i1 to i32
    %sign3A_153 = arith.constant 0 : i32
    %sign3A_154 = arith.cmpi slt, %select_n3A_131, %sign3A_153 : i32
    %sign3A_155 = arith.extui %sign3A_154 : i1 to i32
    %sign3A_156 = arith.subi %sign3A_152, %sign3A_155 : i32
    %sign3A_157 = arith.constant 0 : i32
    %sign3A_158 = arith.cmpi sgt, %jit3A_148, %sign3A_157 : i32
    %sign3A_159 = arith.extui %sign3A_158 : i1 to i32
    %sign3A_160 = arith.constant 0 : i32
    %sign3A_161 = arith.cmpi slt, %jit3A_148, %sign3A_160 : i32
    %sign3A_162 = arith.extui %sign3A_161 : i1 to i32
    %sign3A_163 = arith.subi %sign3A_159, %sign3A_162 : i32
    %ne3A_164 = arith.cmpi ne, %sign3A_156, %sign3A_163 : i32
    %rem3A_165 = arith.remsi %select_n3A_131, %jit3A_148 : i32
    %ne3A_166 = arith.constant 0 : i32
    %ne3A_167 = arith.cmpi ne, %rem3A_165, %ne3A_166 : i32
    %and3A_168 = arith.andi %ne3A_164, %ne3A_167 : i1
    %sub3A_169 = arith.constant 1 : i32
    %sub3A_170 = arith.subi %div3A_149, %sub3A_169 : i32
    %select_n3A_171 = arith.select %and3A_168, %sub3A_170, %div3A_149 : i32
    %jit3A_172 = arith.constant 12 : i32
    %eq3A_173 = arith.constant 0 : i32
    %eq3A_174 = arith.cmpi eq, %jit3A_172, %eq3A_173 : i32
    %jit3A_175 = arith.constant 1 : i32
    %select_n3A_176 = arith.select %eq3A_174, %jit3A_175, %jit3A_172 : i32
    %rem3A_177 = arith.remsi %select_n3A_131, %select_n3A_176 : i32
    %ne3A_178 = arith.constant 0 : i32
    %ne3A_179 = arith.cmpi ne, %rem3A_177, %ne3A_178 : i32
    %lt3A_180 = arith.constant 0 : i32
    %lt3A_181 = arith.cmpi slt, %rem3A_177, %lt3A_180 : i32
    %lt3A_182 = arith.constant 0 : i32
    %lt3A_183 = arith.cmpi slt, %select_n3A_176, %lt3A_182 : i32
    %ne3A_184 = arith.xori %lt3A_181, %lt3A_183 : i1
    %and3A_185 = arith.andi %ne3A_184, %ne3A_179 : i1
    %add3A_186 = arith.addi %rem3A_177, %select_n3A_176 : i32
    %select_n3A_187 = arith.select %and3A_185, %add3A_186, %rem3A_177 : i32
    %mul3A_188 = arith.constant 4 : i32
    %mul3A_189 = arith.muli %select_n3A_187, %mul3A_188 : i32
    %mul3A_190 = arith.constant 4 : i32
    %mul3A_191 = arith.muli %mul3A_189, %mul3A_190 : i32
    %get3A_192 = arith.index_cast %mul3A_191 : i32 to index
    %get3A_193 = tpu.vector_load %arg5[%get3A_192] {strides = array<i32>} : memref<192xi32, #tpu.memory_space<vmem>>, vector<16xi32>,
    %get3A_194 = vector.shape_cast %get3A_193 : vector<16xi32> to vector<16xi32>
    %mul3A_195 = arith.constant 192 : i32
    %mul3A_196 = arith.muli %select_n3A_171, %mul3A_195 : i32
    %add3A_197 = vector.broadcast %mul3A_196 : i32 to vector<16xi32>
    %add3A_198 = arith.addi %add3A_197, %get3A_194 : vector<16xi32>
    %mul3A_199 = arith.constant 28 : i32
    %mul3A_200 = vector.broadcast %mul3A_199 : i32 to vector<16xi32>
    %mul3A_201 = arith.muli %add3A_198, %mul3A_200 : vector<16xi32>
    %add3A_202 = vector.broadcast %select_n3A_147 : i32 to vector<16xi32>
    %add3A_203 = arith.addi %mul3A_201, %add3A_202 : vector<16xi32>
    %swap3A_204 = arith.constant 1 : i32
    %swap3A_205 = arith.index_cast %swap3A_204 : i32 to index
    %swap3A_206 = arith.constant 0 : index
    %swap3A_207 = tpu.vector_load %arg6[%swap3A_205, %swap3A_206] {strides = array<i32>} : memref<3x16xi32, #tpu.memory_space<vmem>>, vector<1x16xi32>,
    %swap3A_208 = vector.shape_cast %swap3A_207 : vector<1x16xi32> to vector<16xi32>
    %swap3A_209 = vector.shape_cast %add3A_203 : vector<16xi32> to vector<1x16xi32>
    tpu.vector_store %arg6[%swap3A_205, %swap3A_206], %swap3A_209 {strides = array<i32>} : memref<3x16xi32, #tpu.memory_space<vmem>>, vector<1x16xi32>,
    %dma_start3A_210 = arith.constant 1 : i32
    %dma_start3A_211 = arith.constant 1 : i32
    %dma_start3A_212 = arith.constant 0 : i32
    %dma_start3A_213 = arith.constant 0 : i32
    %dma_start3A_214 = arith.constant 0 : i32
    %dma_start3A_215 = tpu.memref_slice %arg7[%dma_start3A_211, %dma_start3A_212, %dma_start3A_213, %dma_start3A_214] : memref<3x16x2x896xf32, #tpu.memory_space<vmem>> -> memref<1x16x2x896xf32, #tpu.memory_space<vmem>>
    %dma_start3A_216 = tpu.memref_squeeze %dma_start3A_215 : memref<1x16x2x896xf32, #tpu.memory_space<vmem>> -> memref<16x2x896xf32, #tpu.memory_space<vmem>>
    %dma_start3A_217 = arith.constant 0 : i32
    %dma_start3A_218 = tpu.memref_slice %arg6[%dma_start3A_210, %dma_start3A_217] : memref<3x16xi32, #tpu.memory_space<vmem>> -> memref<1x16xi32, #tpu.memory_space<vmem>>
    %dma_start3A_219 = tpu.memref_squeeze %dma_start3A_218 : memref<1x16xi32, #tpu.memory_space<vmem>> -> memref<16xi32, #tpu.memory_space<vmem>>
    %dma_start3A_220 = arith.constant 0 : i32
    %dma_start3A_221 = arith.constant 0 : i32
    %dma_start3A_222 = arith.constant 0 : i32
    %dma_start3A_223 = tpu.memref_slice %arg2[%dma_start3A_220, %dma_start3A_221, %dma_start3A_222] : memref<21504x2x896xf32, #tpu.memory_space<hbm>> -> memref<21504x2x896xf32, #tpu.memory_space<hbm>>
    tpu.enqueue_indirect_dma source(%dma_start3A_223 : memref<21504x2x896xf32, #tpu.memory_space<hbm>>) target(%dma_start3A_216 : memref<16x2x896xf32, #tpu.memory_space<vmem>>) offsets(%dma_start3A_219 : memref<16xi32, #tpu.memory_space<vmem>>) semaphore(%arg10 : memref<!tpu.dma_semaphore, #tpu.memory_space<semaphore_mem>>)
    %scan3A = arith.constant 0 : i32
    %scan3A_224 = arith.constant 0 : i32
    %scan3A_225 = arith.constant 14 : i32
    %scan3A_226 = arith.addi %scan3A_224, %scan3A_225 : i32
    %scan3A_227 = arith.constant 1 : i32
    %scan3A_228 = scf.for %scan3A_286 = %scan3A_224 to %scan3A_226 step %scan3A_227 iter_args(%scan3A_287 = %scan3A) -> (i32)  : i32 {
      %mul3A_288 = arith.constant 3 : i32
      %mul3A_289 = arith.muli %scan3A_286, %mul3A_288 : i32
      %add3A_290 = arith.constant 0 : i32
      %add3A_291 = arith.addi %mul3A_289, %add3A_290 : i32
      %add3A_292 = arith.constant 2 : i32
      %add3A_293 = arith.addi %add3A_291, %add3A_292 : i32
      %lt3A_294 = arith.constant 42 : i32
      %lt3A_295 = arith.cmpi slt, %add3A_293, %lt3A_294 : i32
      %convert_element_type3A = arith.extui %lt3A_295 : i1 to i32
      %cond3A = arith.constant 0 : i32
      %cond3A_296 = arith.cmpi ne, %convert_element_type3A, %cond3A : i32
      scf.if %cond3A_296 {
        %add3A_973 = arith.addi %mul3A_2, %add3A_291 : i32
        %add3A_974 = arith.constant 2 : i32
        %add3A_975 = arith.addi %add3A_973, %add3A_974 : i32
        %jit3A_976 = arith.constant 28 : i32
        %div3A_977 = arith.divsi %add3A_975, %jit3A_976 : i32
        %sign3A_978 = arith.constant 0 : i32
        %sign3A_979 = arith.cmpi sgt, %add3A_975, %sign3A_978 : i32
        %sign3A_980 = arith.extui %sign3A_979 : i1 to i32
        %sign3A_981 = arith.constant 0 : i32
        %sign3A_982 = arith.cmpi slt, %add3A_975, %sign3A_981 : i32
        %sign3A_983 = arith.extui %sign3A_982 : i1 to i32
        %sign3A_984 = arith.subi %sign3A_980, %sign3A_983 : i32
        %sign3A_985 = arith.constant 0 : i32
        %sign3A_986 = arith.cmpi sgt, %jit3A_976, %sign3A_985 : i32
        %sign3A_987 = arith.extui %sign3A_986 : i1 to i32
        %sign3A_988 = arith.constant 0 : i32
        %sign3A_989 = arith.cmpi slt, %jit3A_976, %sign3A_988 : i32
        %sign3A_990 = arith.extui %sign3A_989 : i1 to i32
        %sign3A_991 = arith.subi %sign3A_987, %sign3A_990 : i32
        %ne3A_992 = arith.cmpi ne, %sign3A_984, %sign3A_991 : i32
        %rem3A_993 = arith.remsi %add3A_975, %jit3A_976 : i32
        %ne3A_994 = arith.constant 0 : i32
        %ne3A_995 = arith.cmpi ne, %rem3A_993, %ne3A_994 : i32
        %and3A_996 = arith.andi %ne3A_992, %ne3A_995 : i1
        %sub3A_997 = arith.constant 1 : i32
        %sub3A_998 = arith.subi %div3A_977, %sub3A_997 : i32
        %select_n3A_999 = arith.select %and3A_996, %sub3A_998, %div3A_977 : i32
        %jit3A_1000 = arith.constant 28 : i32
        %eq3A_1001 = arith.constant 0 : i32
        %eq3A_1002 = arith.cmpi eq, %jit3A_1000, %eq3A_1001 : i32
        %jit3A_1003 = arith.constant 1 : i32
        %select_n3A_1004 = arith.select %eq3A_1002, %jit3A_1003, %jit3A_1000 : i32
        %rem3A_1005 = arith.remsi %add3A_975, %select_n3A_1004 : i32
        %ne3A_1006 = arith.constant 0 : i32
        %ne3A_1007 = arith.cmpi ne, %rem3A_1005, %ne3A_1006 : i32
        %lt3A_1008 = arith.constant 0 : i32
        %lt3A_1009 = arith.cmpi slt, %rem3A_1005, %lt3A_1008 : i32
        %lt3A_1010 = arith.constant 0 : i32
        %lt3A_1011 = arith.cmpi slt, %select_n3A_1004, %lt3A_1010 : i32
        %ne3A_1012 = arith.xori %lt3A_1009, %lt3A_1011 : i1
        %and3A_1013 = arith.andi %ne3A_1012, %ne3A_1007 : i1
        %add3A_1014 = arith.addi %rem3A_1005, %select_n3A_1004 : i32
        %select_n3A_1015 = arith.select %and3A_1013, %add3A_1014, %rem3A_1005 : i32
        %jit3A_1016 = arith.constant 12 : i32
        %div3A_1017 = arith.divsi %select_n3A_999, %jit3A_1016 : i32
        %sign3A_1018 = arith.constant 0 : i32
        %sign3A_1019 = arith.cmpi sgt, %select_n3A_999, %sign3A_1018 : i32
        %sign3A_1020 = arith.extui %sign3A_1019 : i1 to i32
        %sign3A_1021 = arith.constant 0 : i32
        %sign3A_1022 = arith.cmpi slt, %select_n3A_999, %sign3A_1021 : i32
        %sign3A_1023 = arith.extui %sign3A_1022 : i1 to i32
        %sign3A_1024 = arith.subi %sign3A_1020, %sign3A_1023 : i32
        %sign3A_1025 = arith.constant 0 : i32
        %sign3A_1026 = arith.cmpi sgt, %jit3A_1016, %sign3A_1025 : i32
        %sign3A_1027 = arith.extui %sign3A_1026 : i1 to i32
        %sign3A_1028 = arith.constant 0 : i32
        %sign3A_1029 = arith.cmpi slt, %jit3A_1016, %sign3A_1028 : i32
        %sign3A_1030 = arith.extui %sign3A_1029 : i1 to i32
        %sign3A_1031 = arith.subi %sign3A_1027, %sign3A_1030 : i32
        %ne3A_1032 = arith.cmpi ne, %sign3A_1024, %sign3A_1031 : i32
        %rem3A_1033 = arith.remsi %select_n3A_999, %jit3A_1016 : i32
        %ne3A_1034 = arith.constant 0 : i32
        %ne3A_1035 = arith.cmpi ne, %rem3A_1033, %ne3A_1034 : i32
        %and3A_1036 = arith.andi %ne3A_1032, %ne3A_1035 : i1
        %sub3A_1037 = arith.constant 1 : i32
        %sub3A_1038 = arith.subi %div3A_1017, %sub3A_1037 : i32
        %select_n3A_1039 = arith.select %and3A_1036, %sub3A_1038, %div3A_1017 : i32
        %jit3A_1040 = arith.constant 12 : i32
        %eq3A_1041 = arith.constant 0 : i32
        %eq3A_1042 = arith.cmpi eq, %jit3A_1040, %eq3A_1041 : i32
        %jit3A_1043 = arith.constant 1 : i32
        %select_n3A_1044 = arith.select %eq3A_1042, %jit3A_1043, %jit3A_1040 : i32
        %rem3A_1045 = arith.remsi %select_n3A_999, %select_n3A_1044 : i32
        %ne3A_1046 = arith.constant 0 : i32
        %ne3A_1047 = arith.cmpi ne, %rem3A_1045, %ne3A_1046 : i32
        %lt3A_1048 = arith.constant 0 : i32
        %lt3A_1049 = arith.cmpi slt, %rem3A_1045, %lt3A_1048 : i32
        %lt3A_1050 = arith.constant 0 : i32
        %lt3A_1051 = arith.cmpi slt, %select_n3A_1044, %lt3A_1050 : i32
        %ne3A_1052 = arith.xori %lt3A_1049, %lt3A_1051 : i1
        %and3A_1053 = arith.andi %ne3A_1052, %ne3A_1047 : i1
        %add3A_1054 = arith.addi %rem3A_1045, %select_n3A_1044 : i32
        %select_n3A_1055 = arith.select %and3A_1053, %add3A_1054, %rem3A_1045 : i32
        %mul3A_1056 = arith.constant 4 : i32
        %mul3A_1057 = arith.muli %select_n3A_1055, %mul3A_1056 : i32
        %mul3A_1058 = arith.constant 4 : i32
        %mul3A_1059 = arith.muli %mul3A_1057, %mul3A_1058 : i32
        %get3A_1060 = arith.index_cast %mul3A_1059 : i32 to index
        %get3A_1061 = tpu.vector_load %arg5[%get3A_1060] {strides = array<i32>} : memref<192xi32, #tpu.memory_space<vmem>>, vector<16xi32>,
        %get3A_1062 = vector.shape_cast %get3A_1061 : vector<16xi32> to vector<16xi32>
        %mul3A_1063 = arith.constant 192 : i32
        %mul3A_1064 = arith.muli %select_n3A_1039, %mul3A_1063 : i32
        %add3A_1065 = vector.broadcast %mul3A_1064 : i32 to vector<16xi32>
        %add3A_1066 = arith.addi %add3A_1065, %get3A_1062 : vector<16xi32>
        %mul3A_1067 = arith.constant 28 : i32
        %mul3A_1068 = vector.broadcast %mul3A_1067 : i32 to vector<16xi32>
        %mul3A_1069 = arith.muli %add3A_1066, %mul3A_1068 : vector<16xi32>
        %add3A_1070 = vector.broadcast %select_n3A_1015 : i32 to vector<16xi32>
        %add3A_1071 = arith.addi %mul3A_1069, %add3A_1070 : vector<16xi32>
        %swap3A_1072 = arith.constant 2 : i32
        %swap3A_1073 = arith.index_cast %swap3A_1072 : i32 to index
        %swap3A_1074 = arith.constant 0 : index
        %swap3A_1075 = tpu.vector_load %arg6[%swap3A_1073, %swap3A_1074] {strides = array<i32>} : memref<3x16xi32, #tpu.memory_space<vmem>>, vector<1x16xi32>,
        %swap3A_1076 = vector.shape_cast %swap3A_1075 : vector<1x16xi32> to vector<16xi32>
        %swap3A_1077 = vector.shape_cast %add3A_1071 : vector<16xi32> to vector<1x16xi32>
        tpu.vector_store %arg6[%swap3A_1073, %swap3A_1074], %swap3A_1077 {strides = array<i32>} : memref<3x16xi32, #tpu.memory_space<vmem>>, vector<1x16xi32>,
        %dma_start3A_1078 = arith.constant 2 : i32
        %dma_start3A_1079 = arith.constant 2 : i32
        %dma_start3A_1080 = arith.constant 0 : i32
        %dma_start3A_1081 = arith.constant 0 : i32
        %dma_start3A_1082 = arith.constant 0 : i32
        %dma_start3A_1083 = tpu.memref_slice %arg7[%dma_start3A_1079, %dma_start3A_1080, %dma_start3A_1081, %dma_start3A_1082] : memref<3x16x2x896xf32, #tpu.memory_space<vmem>> -> memref<1x16x2x896xf32, #tpu.memory_space<vmem>>
        %dma_start3A_1084 = tpu.memref_squeeze %dma_start3A_1083 : memref<1x16x2x896xf32, #tpu.memory_space<vmem>> -> memref<16x2x896xf32, #tpu.memory_space<vmem>>
        %dma_start3A_1085 = arith.constant 0 : i32
        %dma_start3A_1086 = tpu.memref_slice %arg6[%dma_start3A_1078, %dma_start3A_1085] : memref<3x16xi32, #tpu.memory_space<vmem>> -> memref<1x16xi32, #tpu.memory_space<vmem>>
        %dma_start3A_1087 = tpu.memref_squeeze %dma_start3A_1086 : memref<1x16xi32, #tpu.memory_space<vmem>> -> memref<16xi32, #tpu.memory_space<vmem>>
        %dma_start3A_1088 = arith.constant 0 : i32
        %dma_start3A_1089 = arith.constant 0 : i32
        %dma_start3A_1090 = arith.constant 0 : i32
        %dma_start3A_1091 = tpu.memref_slice %arg2[%dma_start3A_1088, %dma_start3A_1089, %dma_start3A_1090] : memref<21504x2x896xf32, #tpu.memory_space<hbm>> -> memref<21504x2x896xf32, #tpu.memory_space<hbm>>
        tpu.enqueue_indirect_dma source(%dma_start3A_1091 : memref<21504x2x896xf32, #tpu.memory_space<hbm>>) target(%dma_start3A_1084 : memref<16x2x896xf32, #tpu.memory_space<vmem>>) offsets(%dma_start3A_1087 : memref<16xi32, #tpu.memory_space<vmem>>) semaphore(%arg11 : memref<!tpu.dma_semaphore, #tpu.memory_space<semaphore_mem>>)
      } else {
      }
      %dma_wait3A_297 = arith.constant 0 : i32
      %dma_wait3A_298 = arith.constant 0 : i32
      %dma_wait3A_299 = arith.constant 0 : i32
      %dma_wait3A_300 = arith.constant 0 : i32
      %dma_wait3A_301 = tpu.memref_slice %arg7[%dma_wait3A_297, %dma_wait3A_298, %dma_wait3A_299, %dma_wait3A_300] : memref<3x16x2x896xf32, #tpu.memory_space<vmem>> -> memref<1x16x2x896xf32, #tpu.memory_space<vmem>>
      %dma_wait3A_302 = tpu.memref_squeeze %dma_wait3A_301 : memref<1x16x2x896xf32, #tpu.memory_space<vmem>> -> memref<16x2x896xf32, #tpu.memory_space<vmem>>
      %dma_wait3A_303 = arith.constant 0 : i32
      %dma_wait3A_304 = arith.constant 0 : i32
      %dma_wait3A_305 = arith.constant 0 : i32
      %dma_wait3A_306 = tpu.memref_slice %arg2[%dma_wait3A_303, %dma_wait3A_304, %dma_wait3A_305] : memref<21504x2x896xf32, #tpu.memory_space<hbm>> -> memref<16x2x896xf32, #tpu.memory_space<hbm>>
      %dma_wait3A_307 = arith.constant 0 : i32
      %dma_wait3A_308 = arith.constant 0 : i32
      %dma_wait3A_309 = arith.constant 0 : i32
      %dma_wait3A_310 = tpu.memref_slice %arg7[%dma_wait3A_297, %dma_wait3A_307, %dma_wait3A_308, %dma_wait3A_309] : memref<3x16x2x896xf32, #tpu.memory_space<vmem>> -> memref<1x16x2x896xf32, #tpu.memory_space<vmem>>
      %dma_wait3A_311 = tpu.memref_squeeze %dma_wait3A_310 : memref<1x16x2x896xf32, #tpu.memory_space<vmem>> -> memref<16x2x896xf32, #tpu.memory_space<vmem>>
      %dma_wait3A_312 = arith.constant 0 : i32
      %dma_wait3A_313 = arith.constant 0 : i32
      %dma_wait3A_314 = arith.constant 0 : i32
      %dma_wait3A_315 = tpu.memref_slice %arg2[%dma_wait3A_312, %dma_wait3A_313, %dma_wait3A_314] : memref<21504x2x896xf32, #tpu.memory_space<hbm>> -> memref<16x2x896xf32, #tpu.memory_space<hbm>>
      tpu.wait_dma2 semaphore(%arg9 : memref<!tpu.dma_semaphore, #tpu.memory_space<semaphore_mem>>) src(%dma_wait3A_315 : memref<16x2x896xf32, #tpu.memory_space<hbm>>) dst(%dma_wait3A_311 : memref<16x2x896xf32, #tpu.memory_space<vmem>>)
      %ge3A = arith.constant 3 : i32
      %ge3A_316 = arith.cmpi sge, %add3A_291, %ge3A : i32
      %convert_element_type3A_317 = arith.extui %ge3A_316 : i1 to i32
      %cond3A_318 = arith.constant 0 : i32
      %cond3A_319 = arith.cmpi ne, %convert_element_type3A_317, %cond3A_318 : i32
      scf.if %cond3A_319 {
        %dma_wait3A_973 = arith.constant 0 : i32
        %dma_wait3A_974 = arith.constant 0 : i32
        %dma_wait3A_975 = arith.constant 0 : i32
        %dma_wait3A_976 = arith.constant 0 : i32
        %dma_wait3A_977 = tpu.memref_slice %arg8[%dma_wait3A_973, %dma_wait3A_974, %dma_wait3A_975, %dma_wait3A_976] : memref<3x4x2x896xf32, #tpu.memory_space<vmem>> -> memref<1x4x2x896xf32, #tpu.memory_space<vmem>>
        %dma_wait3A_978 = tpu.memref_squeeze %dma_wait3A_977 : memref<1x4x2x896xf32, #tpu.memory_space<vmem>> -> memref<4x2x896xf32, #tpu.memory_space<vmem>>
        %dma_wait3A_979 = arith.constant 0 : i32
        %dma_wait3A_980 = arith.constant 0 : i32
        %dma_wait3A_981 = arith.constant 0 : i32
        %dma_wait3A_982 = tpu.memref_slice %arg4[%dma_wait3A_979, %dma_wait3A_980, %dma_wait3A_981] : memref<5376x2x896xf32, #tpu.memory_space<hbm>> -> memref<4x2x896xf32, #tpu.memory_space<hbm>>
        %dma_wait3A_983 = arith.constant 0 : i32
        %dma_wait3A_984 = arith.constant 0 : i32
        %dma_wait3A_985 = arith.constant 0 : i32
        %dma_wait3A_986 = tpu.memref_slice %arg4[%dma_wait3A_983, %dma_wait3A_984, %dma_wait3A_985] : memref<5376x2x896xf32, #tpu.memory_space<hbm>> -> memref<4x2x896xf32, #tpu.memory_space<hbm>>
        %dma_wait3A_987 = arith.constant 0 : i32
        %dma_wait3A_988 = arith.constant 0 : i32
        %dma_wait3A_989 = arith.constant 0 : i32
        %dma_wait3A_990 = tpu.memref_slice %arg8[%dma_wait3A_973, %dma_wait3A_987, %dma_wait3A_988, %dma_wait3A_989] : memref<3x4x2x896xf32, #tpu.memory_space<vmem>> -> memref<1x4x2x896xf32, #tpu.memory_space<vmem>>
        %dma_wait3A_991 = tpu.memref_squeeze %dma_wait3A_990 : memref<1x4x2x896xf32, #tpu.memory_space<vmem>> -> memref<4x2x896xf32, #tpu.memory_space<vmem>>
        tpu.wait_dma2 semaphore(%arg12 : memref<!tpu.dma_semaphore, #tpu.memory_space<semaphore_mem>>) src(%dma_wait3A_991 : memref<4x2x896xf32, #tpu.memory_space<vmem>>) dst(%dma_wait3A_986 : memref<4x2x896xf32, #tpu.memory_space<hbm>>)
      } else {
      }
      %add3A_320 = arith.addi %mul3A_2, %add3A_291 : i32
      %jit3A_321 = arith.constant 28 : i32
      %div3A_322 = arith.divsi %add3A_320, %jit3A_321 : i32
      %sign3A_323 = arith.constant 0 : i32
      %sign3A_324 = arith.cmpi sgt, %add3A_320, %sign3A_323 : i32
      %sign3A_325 = arith.extui %sign3A_324 : i1 to i32
      %sign3A_326 = arith.constant 0 : i32
      %sign3A_327 = arith.cmpi slt, %add3A_320, %sign3A_326 : i32
      %sign3A_328 = arith.extui %sign3A_327 : i1 to i32
      %sign3A_329 = arith.subi %sign3A_325, %sign3A_328 : i32
      %sign3A_330 = arith.constant 0 : i32
      %sign3A_331 = arith.cmpi sgt, %jit3A_321, %sign3A_330 : i32
      %sign3A_332 = arith.extui %sign3A_331 : i1 to i32
      %sign3A_333 = arith.constant 0 : i32
      %sign3A_334 = arith.cmpi slt, %jit3A_321, %sign3A_333 : i32
      %sign3A_335 = arith.extui %sign3A_334 : i1 to i32
      %sign3A_336 = arith.subi %sign3A_332, %sign3A_335 : i32
      %ne3A_337 = arith.cmpi ne, %sign3A_329, %sign3A_336 : i32
      %rem3A_338 = arith.remsi %add3A_320, %jit3A_321 : i32
      %ne3A_339 = arith.constant 0 : i32
      %ne3A_340 = arith.cmpi ne, %rem3A_338, %ne3A_339 : i32
      %and3A_341 = arith.andi %ne3A_337, %ne3A_340 : i1
      %sub3A_342 = arith.constant 1 : i32
      %sub3A_343 = arith.subi %div3A_322, %sub3A_342 : i32
      %select_n3A_344 = arith.select %and3A_341, %sub3A_343, %div3A_322 : i32
      %jit3A_345 = arith.constant 28 : i32
      %eq3A_346 = arith.constant 0 : i32
      %eq3A_347 = arith.cmpi eq, %jit3A_345, %eq3A_346 : i32
      %jit3A_348 = arith.constant 1 : i32
      %select_n3A_349 = arith.select %eq3A_347, %jit3A_348, %jit3A_345 : i32
      %rem3A_350 = arith.remsi %add3A_320, %select_n3A_349 : i32
      %ne3A_351 = arith.constant 0 : i32
      %ne3A_352 = arith.cmpi ne, %rem3A_350, %ne3A_351 : i32
      %lt3A_353 = arith.constant 0 : i32
      %lt3A_354 = arith.cmpi slt, %rem3A_350, %lt3A_353 : i32
      %lt3A_355 = arith.constant 0 : i32
      %lt3A_356 = arith.cmpi slt, %select_n3A_349, %lt3A_355 : i32
      %ne3A_357 = arith.xori %lt3A_354, %lt3A_356 : i1
      %and3A_358 = arith.andi %ne3A_357, %ne3A_352 : i1
      %add3A_359 = arith.addi %rem3A_350, %select_n3A_349 : i32
      %select_n3A_360 = arith.select %and3A_358, %add3A_359, %rem3A_350 : i32
      %jit3A_361 = arith.constant 12 : i32
      %div3A_362 = arith.divsi %select_n3A_344, %jit3A_361 : i32
      %sign3A_363 = arith.constant 0 : i32
      %sign3A_364 = arith.cmpi sgt, %select_n3A_344, %sign3A_363 : i32
      %sign3A_365 = arith.extui %sign3A_364 : i1 to i32
      %sign3A_366 = arith.constant 0 : i32
      %sign3A_367 = arith.cmpi slt, %select_n3A_344, %sign3A_366 : i32
      %sign3A_368 = arith.extui %sign3A_367 : i1 to i32
      %sign3A_369 = arith.subi %sign3A_365, %sign3A_368 : i32
      %sign3A_370 = arith.constant 0 : i32
      %sign3A_371 = arith.cmpi sgt, %jit3A_361, %sign3A_370 : i32
      %sign3A_372 = arith.extui %sign3A_371 : i1 to i32
      %sign3A_373 = arith.constant 0 : i32
      %sign3A_374 = arith.cmpi slt, %jit3A_361, %sign3A_373 : i32
      %sign3A_375 = arith.extui %sign3A_374 : i1 to i32
      %sign3A_376 = arith.subi %sign3A_372, %sign3A_375 : i32
      %ne3A_377 = arith.cmpi ne, %sign3A_369, %sign3A_376 : i32
      %rem3A_378 = arith.remsi %select_n3A_344, %jit3A_361 : i32
      %ne3A_379 = arith.constant 0 : i32
      %ne3A_380 = arith.cmpi ne, %rem3A_378, %ne3A_379 : i32
      %and3A_381 = arith.andi %ne3A_377, %ne3A_380 : i1
      %sub3A_382 = arith.constant 1 : i32
      %sub3A_383 = arith.subi %div3A_362, %sub3A_382 : i32
      %select_n3A_384 = arith.select %and3A_381, %sub3A_383, %div3A_362 : i32
      %jit3A_385 = arith.constant 12 : i32
      %eq3A_386 = arith.constant 0 : i32
      %eq3A_387 = arith.cmpi eq, %jit3A_385, %eq3A_386 : i32
      %jit3A_388 = arith.constant 1 : i32
      %select_n3A_389 = arith.select %eq3A_387, %jit3A_388, %jit3A_385 : i32
      %rem3A_390 = arith.remsi %select_n3A_344, %select_n3A_389 : i32
      %ne3A_391 = arith.constant 0 : i32
      %ne3A_392 = arith.cmpi ne, %rem3A_390, %ne3A_391 : i32
      %lt3A_393 = arith.constant 0 : i32
      %lt3A_394 = arith.cmpi slt, %rem3A_390, %lt3A_393 : i32
      %lt3A_395 = arith.constant 0 : i32
      %lt3A_396 = arith.cmpi slt, %select_n3A_389, %lt3A_395 : i32
      %ne3A_397 = arith.xori %lt3A_394, %lt3A_396 : i1
      %and3A_398 = arith.andi %ne3A_397, %ne3A_392 : i1
      %add3A_399 = arith.addi %rem3A_390, %select_n3A_389 : i32
      %select_n3A_400 = arith.select %and3A_398, %add3A_399, %rem3A_390 : i32
      %mul3A_401 = arith.constant 4 : i32
      %mul3A_402 = arith.muli %select_n3A_400, %mul3A_401 : i32
      %scan3A_403 = arith.constant 0 : i32
      %scan3A_404 = arith.constant 0 : i32
      %scan3A_405 = arith.constant 56 : i32
      %scan3A_406 = arith.addi %scan3A_404, %scan3A_405 : i32
      %scan3A_407 = arith.constant 1 : i32
      %scan3A_408 = scf.for %scan3A_973 = %scan3A_404 to %scan3A_406 step %scan3A_407 iter_args(%scan3A_974 = %scan3A_403) -> (i32)  : i32 {
        %mul3A_975 = arith.constant 16 : i32
        %mul3A_976 = arith.muli %scan3A_973, %mul3A_975 : i32
        %get3A_977 = arith.constant 0 : i32
        %get3A_978 = arith.constant 0 : i32
        %get3A_979 = arith.constant 0 : i32
        %get3A_980 = arith.index_cast %get3A_977 : i32 to index
        %get3A_981 = arith.index_cast %get3A_978 : i32 to index
        %get3A_982 = arith.index_cast %get3A_979 : i32 to index
        %get3A_983 = arith.index_cast %mul3A_976 : i32 to index
        %get3A_984 = tpu.vector_load %arg7[%get3A_980, %get3A_981, %get3A_982, %get3A_983] {strides = array<i32>} : memref<3x16x2x896xf32, #tpu.memory_space<vmem>>, vector<1x1x1x16xf32>,
        %get3A_985 = vector.shape_cast %get3A_984 : vector<1x1x1x16xf32> to vector<16xf32>
        %get3A_986 = arith.constant 0 : i32
        %get3A_987 = arith.constant 1 : i32
        %get3A_988 = arith.constant 0 : i32
        %get3A_989 = arith.index_cast %get3A_986 : i32 to index
        %get3A_990 = arith.index_cast %get3A_987 : i32 to index
        %get3A_991 = arith.index_cast %get3A_988 : i32 to index
        %get3A_992 = arith.index_cast %mul3A_976 : i32 to index
        %get3A_993 = tpu.vector_load %arg7[%get3A_989, %get3A_990, %get3A_991, %get3A_992] {strides = array<i32>} : memref<3x16x2x896xf32, #tpu.memory_space<vmem>>, vector<1x1x1x16xf32>,
        %get3A_994 = vector.shape_cast %get3A_993 : vector<1x1x1x16xf32> to vector<16xf32>
        %max3A = arith.maximumf %get3A_985, %get3A_994 : vector<16xf32>
        %get3A_995 = arith.constant 0 : i32
        %get3A_996 = arith.constant 2 : i32
        %get3A_997 = arith.constant 0 : i32
        %get3A_998 = arith.index_cast %get3A_995 : i32 to index
        %get3A_999 = arith.index_cast %get3A_996 : i32 to index
        %get3A_1000 = arith.index_cast %get3A_997 : i32 to index
        %get3A_1001 = arith.index_cast %mul3A_976 : i32 to index
        %get3A_1002 = tpu.vector_load %arg7[%get3A_998, %get3A_999, %get3A_1000, %get3A_1001] {strides = array<i32>} : memref<3x16x2x896xf32, #tpu.memory_space<vmem>>, vector<1x1x1x16xf32>,
        %get3A_1003 = vector.shape_cast %get3A_1002 : vector<1x1x1x16xf32> to vector<16xf32>
        %get3A_1004 = arith.constant 0 : i32
        %get3A_1005 = arith.constant 3 : i32
        %get3A_1006 = arith.constant 0 : i32
        %get3A_1007 = arith.index_cast %get3A_1004 : i32 to index
        %get3A_1008 = arith.index_cast %get3A_1005 : i32 to index
        %get3A_1009 = arith.index_cast %get3A_1006 : i32 to index
        %get3A_1010 = arith.index_cast %mul3A_976 : i32 to index
        %get3A_1011 = tpu.vector_load %arg7[%get3A_1007, %get3A_1008, %get3A_1009, %get3A_1010] {strides = array<i32>} : memref<3x16x2x896xf32, #tpu.memory_space<vmem>>, vector<1x1x1x16xf32>,
        %get3A_1012 = vector.shape_cast %get3A_1011 : vector<1x1x1x16xf32> to vector<16xf32>
        %max3A_1013 = arith.maximumf %get3A_1003, %get3A_1012 : vector<16xf32>
        %max3A_1014 = arith.maximumf %max3A, %max3A_1013 : vector<16xf32>
        %swap3A_1015 = arith.constant 0 : i32
        %swap3A_1016 = arith.constant 0 : i32
        %swap3A_1017 = arith.constant 0 : i32
        %swap3A_1018 = arith.index_cast %swap3A_1015 : i32 to index
        %swap3A_1019 = arith.index_cast %swap3A_1016 : i32 to index
        %swap3A_1020 = arith.index_cast %swap3A_1017 : i32 to index
        %swap3A_1021 = arith.index_cast %mul3A_976 : i32 to index
        %swap3A_1022 = tpu.vector_load %arg8[%swap3A_1018, %swap3A_1019, %swap3A_1020, %swap3A_1021] {strides = array<i32>} : memref<3x4x2x896xf32, #tpu.memory_space<vmem>>, vector<1x1x1x16xf32>,
        %swap3A_1023 = vector.shape_cast %swap3A_1022 : vector<1x1x1x16xf32> to vector<16xf32>
        %swap3A_1024 = vector.shape_cast %max3A_1014 : vector<16xf32> to vector<1x1x1x16xf32>
        tpu.vector_store %arg8[%swap3A_1018, %swap3A_1019, %swap3A_1020, %swap3A_1021], %swap3A_1024 {strides = array<i32>} : memref<3x4x2x896xf32, #tpu.memory_space<vmem>>, vector<1x1x1x16xf32>,
        %get3A_1025 = arith.constant 0 : i32
        %get3A_1026 = arith.constant 0 : i32
        %get3A_1027 = arith.constant 1 : i32
        %get3A_1028 = arith.index_cast %get3A_1025 : i32 to index
        %get3A_1029 = arith.index_cast %get3A_1026 : i32 to index
        %get3A_1030 = arith.index_cast %get3A_1027 : i32 to index
        %get3A_1031 = arith.index_cast %mul3A_976 : i32 to index
        %get3A_1032 = tpu.vector_load %arg7[%get3A_1028, %get3A_1029, %get3A_1030, %get3A_1031] {strides = array<i32>} : memref<3x16x2x896xf32, #tpu.memory_space<vmem>>, vector<1x1x1x16xf32>,
        %get3A_1033 = vector.shape_cast %get3A_1032 : vector<1x1x1x16xf32> to vector<16xf32>
        %get3A_1034 = arith.constant 0 : i32
        %get3A_1035 = arith.constant 1 : i32
        %get3A_1036 = arith.constant 1 : i32
        %get3A_1037 = arith.index_cast %get3A_1034 : i32 to index
        %get3A_1038 = arith.index_cast %get3A_1035 : i32 to index
        %get3A_1039 = arith.index_cast %get3A_1036 : i32 to index
        %get3A_1040 = arith.index_cast %mul3A_976 : i32 to index
        %get3A_1041 = tpu.vector_load %arg7[%get3A_1037, %get3A_1038, %get3A_1039, %get3A_1040] {strides = array<i32>} : memref<3x16x2x896xf32, #tpu.memory_space<vmem>>, vector<1x1x1x16xf32>,
        %get3A_1042 = vector.shape_cast %get3A_1041 : vector<1x1x1x16xf32> to vector<16xf32>
        %max3A_1043 = arith.maximumf %get3A_1033, %get3A_1042 : vector<16xf32>
        %get3A_1044 = arith.constant 0 : i32
        %get3A_1045 = arith.constant 2 : i32
        %get3A_1046 = arith.constant 1 : i32
        %get3A_1047 = arith.index_cast %get3A_1044 : i32 to index
        %get3A_1048 = arith.index_cast %get3A_1045 : i32 to index
        %get3A_1049 = arith.index_cast %get3A_1046 : i32 to index
        %get3A_1050 = arith.index_cast %mul3A_976 : i32 to index
        %get3A_1051 = tpu.vector_load %arg7[%get3A_1047, %get3A_1048, %get3A_1049, %get3A_1050] {strides = array<i32>} : memref<3x16x2x896xf32, #tpu.memory_space<vmem>>, vector<1x1x1x16xf32>,
        %get3A_1052 = vector.shape_cast %get3A_1051 : vector<1x1x1x16xf32> to vector<16xf32>
        %get3A_1053 = arith.constant 0 : i32
        %get3A_1054 = arith.constant 3 : i32
        %get3A_1055 = arith.constant 1 : i32
        %get3A_1056 = arith.index_cast %get3A_1053 : i32 to index
        %get3A_1057 = arith.index_cast %get3A_1054 : i32 to index
        %get3A_1058 = arith.index_cast %get3A_1055 : i32 to index
        %get3A_1059 = arith.index_cast %mul3A_976 : i32 to index
        %get3A_1060 = tpu.vector_load %arg7[%get3A_1056, %get3A_1057, %get3A_1058, %get3A_1059] {strides = array<i32>} : memref<3x16x2x896xf32, #tpu.memory_space<vmem>>, vector<1x1x1x16xf32>,
        %get3A_1061 = vector.shape_cast %get3A_1060 : vector<1x1x1x16xf32> to vector<16xf32>
        %max3A_1062 = arith.maximumf %get3A_1052, %get3A_1061 : vector<16xf32>
        %max3A_1063 = arith.maximumf %max3A_1043, %max3A_1062 : vector<16xf32>
        %swap3A_1064 = arith.constant 0 : i32
        %swap3A_1065 = arith.constant 0 : i32
        %swap3A_1066 = arith.constant 1 : i32
        %swap3A_1067 = arith.index_cast %swap3A_1064 : i32 to index
        %swap3A_1068 = arith.index_cast %swap3A_1065 : i32 to index
        %swap3A_1069 = arith.index_cast %swap3A_1066 : i32 to index
        %swap3A_1070 = arith.index_cast %mul3A_976 : i32 to index
        %swap3A_1071 = tpu.vector_load %arg8[%swap3A_1067, %swap3A_1068, %swap3A_1069, %swap3A_1070] {strides = array<i32>} : memref<3x4x2x896xf32, #tpu.memory_space<vmem>>, vector<1x1x1x16xf32>,
        %swap3A_1072 = vector.shape_cast %swap3A_1071 : vector<1x1x1x16xf32> to vector<16xf32>
        %swap3A_1073 = vector.shape_cast %max3A_1063 : vector<16xf32> to vector<1x1x1x16xf32>
        tpu.vector_store %arg8[%swap3A_1067, %swap3A_1068, %swap3A_1069, %swap3A_1070], %swap3A_1073 {strides = array<i32>} : memref<3x4x2x896xf32, #tpu.memory_space<vmem>>, vector<1x1x1x16xf32>,
        %get3A_1074 = arith.constant 0 : i32
        %get3A_1075 = arith.constant 4 : i32
        %get3A_1076 = arith.constant 0 : i32
        %get3A_1077 = arith.index_cast %get3A_1074 : i32 to index
        %get3A_1078 = arith.index_cast %get3A_1075 : i32 to index
        %get3A_1079 = arith.index_cast %get3A_1076 : i32 to index
        %get3A_1080 = arith.index_cast %mul3A_976 : i32 to index
        %get3A_1081 = tpu.vector_load %arg7[%get3A_1077, %get3A_1078, %get3A_1079, %get3A_1080] {strides = array<i32>} : memref<3x16x2x896xf32, #tpu.memory_space<vmem>>, vector<1x1x1x16xf32>,
        %get3A_1082 = vector.shape_cast %get3A_1081 : vector<1x1x1x16xf32> to vector<16xf32>
        %get3A_1083 = arith.constant 0 : i32
        %get3A_1084 = arith.constant 5 : i32
        %get3A_1085 = arith.constant 0 : i32
        %get3A_1086 = arith.index_cast %get3A_1083 : i32 to index
        %get3A_1087 = arith.index_cast %get3A_1084 : i32 to index
        %get3A_1088 = arith.index_cast %get3A_1085 : i32 to index
        %get3A_1089 = arith.index_cast %mul3A_976 : i32 to index
        %get3A_1090 = tpu.vector_load %arg7[%get3A_1086, %get3A_1087, %get3A_1088, %get3A_1089] {strides = array<i32>} : memref<3x16x2x896xf32, #tpu.memory_space<vmem>>, vector<1x1x1x16xf32>,
        %get3A_1091 = vector.shape_cast %get3A_1090 : vector<1x1x1x16xf32> to vector<16xf32>
        %max3A_1092 = arith.maximumf %get3A_1082, %get3A_1091 : vector<16xf32>
        %get3A_1093 = arith.constant 0 : i32
        %get3A_1094 = arith.constant 6 : i32
        %get3A_1095 = arith.constant 0 : i32
        %get3A_1096 = arith.index_cast %get3A_1093 : i32 to index
        %get3A_1097 = arith.index_cast %get3A_1094 : i32 to index
        %get3A_1098 = arith.index_cast %get3A_1095 : i32 to index
        %get3A_1099 = arith.index_cast %mul3A_976 : i32 to index
        %get3A_1100 = tpu.vector_load %arg7[%get3A_1096, %get3A_1097, %get3A_1098, %get3A_1099] {strides = array<i32>} : memref<3x16x2x896xf32, #tpu.memory_space<vmem>>, vector<1x1x1x16xf32>,
        %get3A_1101 = vector.shape_cast %get3A_1100 : vector<1x1x1x16xf32> to vector<16xf32>
        %get3A_1102 = arith.constant 0 : i32
        %get3A_1103 = arith.constant 7 : i32
        %get3A_1104 = arith.constant 0 : i32
        %get3A_1105 = arith.index_cast %get3A_1102 : i32 to index
        %get3A_1106 = arith.index_cast %get3A_1103 : i32 to index
        %get3A_1107 = arith.index_cast %get3A_1104 : i32 to index
        %get3A_1108 = arith.index_cast %mul3A_976 : i32 to index
        %get3A_1109 = tpu.vector_load %arg7[%get3A_1105, %get3A_1106, %get3A_1107, %get3A_1108] {strides = array<i32>} : memref<3x16x2x896xf32, #tpu.memory_space<vmem>>, vector<1x1x1x16xf32>,
        %get3A_1110 = vector.shape_cast %get3A_1109 : vector<1x1x1x16xf32> to vector<16xf32>
        %max3A_1111 = arith.maximumf %get3A_1101, %get3A_1110 : vector<16xf32>
        %max3A_1112 = arith.maximumf %max3A_1092, %max3A_1111 : vector<16xf32>
        %swap3A_1113 = arith.constant 0 : i32
        %swap3A_1114 = arith.constant 1 : i32
        %swap3A_1115 = arith.constant 0 : i32
        %swap3A_1116 = arith.index_cast %swap3A_1113 : i32 to index
        %swap3A_1117 = arith.index_cast %swap3A_1114 : i32 to index
        %swap3A_1118 = arith.index_cast %swap3A_1115 : i32 to index
        %swap3A_1119 = arith.index_cast %mul3A_976 : i32 to index
        %swap3A_1120 = tpu.vector_load %arg8[%swap3A_1116, %swap3A_1117, %swap3A_1118, %swap3A_1119] {strides = array<i32>} : memref<3x4x2x896xf32, #tpu.memory_space<vmem>>, vector<1x1x1x16xf32>,
        %swap3A_1121 = vector.shape_cast %swap3A_1120 : vector<1x1x1x16xf32> to vector<16xf32>
        %swap3A_1122 = vector.shape_cast %max3A_1112 : vector<16xf32> to vector<1x1x1x16xf32>
        tpu.vector_store %arg8[%swap3A_1116, %swap3A_1117, %swap3A_1118, %swap3A_1119], %swap3A_1122 {strides = array<i32>} : memref<3x4x2x896xf32, #tpu.memory_space<vmem>>, vector<1x1x1x16xf32>,
        %get3A_1123 = arith.constant 0 : i32
        %get3A_1124 = arith.constant 4 : i32
        %get3A_1125 = arith.constant 1 : i32
        %get3A_1126 = arith.index_cast %get3A_1123 : i32 to index
        %get3A_1127 = arith.index_cast %get3A_1124 : i32 to index
        %get3A_1128 = arith.index_cast %get3A_1125 : i32 to index
        %get3A_1129 = arith.index_cast %mul3A_976 : i32 to index
        %get3A_1130 = tpu.vector_load %arg7[%get3A_1126, %get3A_1127, %get3A_1128, %get3A_1129] {strides = array<i32>} : memref<3x16x2x896xf32, #tpu.memory_space<vmem>>, vector<1x1x1x16xf32>,
        %get3A_1131 = vector.shape_cast %get3A_1130 : vector<1x1x1x16xf32> to vector<16xf32>
        %get3A_1132 = arith.constant 0 : i32
        %get3A_1133 = arith.constant 5 : i32
        %get3A_1134 = arith.constant 1 : i32
        %get3A_1135 = arith.index_cast %get3A_1132 : i32 to index
        %get3A_1136 = arith.index_cast %get3A_1133 : i32 to index
        %get3A_1137 = arith.index_cast %get3A_1134 : i32 to index
        %get3A_1138 = arith.index_cast %mul3A_976 : i32 to index
        %get3A_1139 = tpu.vector_load %arg7[%get3A_1135, %get3A_1136, %get3A_1137, %get3A_1138] {strides = array<i32>} : memref<3x16x2x896xf32, #tpu.memory_space<vmem>>, vector<1x1x1x16xf32>,
        %get3A_1140 = vector.shape_cast %get3A_1139 : vector<1x1x1x16xf32> to vector<16xf32>
        %max3A_1141 = arith.maximumf %get3A_1131, %get3A_1140 : vector<16xf32>
        %get3A_1142 = arith.constant 0 : i32
        %get3A_1143 = arith.constant 6 : i32
        %get3A_1144 = arith.constant 1 : i32
        %get3A_1145 = arith.index_cast %get3A_1142 : i32 to index
        %get3A_1146 = arith.index_cast %get3A_1143 : i32 to index
        %get3A_1147 = arith.index_cast %get3A_1144 : i32 to index
        %get3A_1148 = arith.index_cast %mul3A_976 : i32 to index
        %get3A_1149 = tpu.vector_load %arg7[%get3A_1145, %get3A_1146, %get3A_1147, %get3A_1148] {strides = array<i32>} : memref<3x16x2x896xf32, #tpu.memory_space<vmem>>, vector<1x1x1x16xf32>,
        %get3A_1150 = vector.shape_cast %get3A_1149 : vector<1x1x1x16xf32> to vector<16xf32>
        %get3A_1151 = arith.constant 0 : i32
        %get3A_1152 = arith.constant 7 : i32
        %get3A_1153 = arith.constant 1 : i32
        %get3A_1154 = arith.index_cast %get3A_1151 : i32 to index
        %get3A_1155 = arith.index_cast %get3A_1152 : i32 to index
        %get3A_1156 = arith.index_cast %get3A_1153 : i32 to index
        %get3A_1157 = arith.index_cast %mul3A_976 : i32 to index
        %get3A_1158 = tpu.vector_load %arg7[%get3A_1154, %get3A_1155, %get3A_1156, %get3A_1157] {strides = array<i32>} : memref<3x16x2x896xf32, #tpu.memory_space<vmem>>, vector<1x1x1x16xf32>,
        %get3A_1159 = vector.shape_cast %get3A_1158 : vector<1x1x1x16xf32> to vector<16xf32>
        %max3A_1160 = arith.maximumf %get3A_1150, %get3A_1159 : vector<16xf32>
        %max3A_1161 = arith.maximumf %max3A_1141, %max3A_1160 : vector<16xf32>
        %swap3A_1162 = arith.constant 0 : i32
        %swap3A_1163 = arith.constant 1 : i32
        %swap3A_1164 = arith.constant 1 : i32
        %swap3A_1165 = arith.index_cast %swap3A_1162 : i32 to index
        %swap3A_1166 = arith.index_cast %swap3A_1163 : i32 to index
        %swap3A_1167 = arith.index_cast %swap3A_1164 : i32 to index
        %swap3A_1168 = arith.index_cast %mul3A_976 : i32 to index
        %swap3A_1169 = tpu.vector_load %arg8[%swap3A_1165, %swap3A_1166, %swap3A_1167, %swap3A_1168] {strides = array<i32>} : memref<3x4x2x896xf32, #tpu.memory_space<vmem>>, vector<1x1x1x16xf32>,
        %swap3A_1170 = vector.shape_cast %swap3A_1169 : vector<1x1x1x16xf32> to vector<16xf32>
        %swap3A_1171 = vector.shape_cast %max3A_1161 : vector<16xf32> to vector<1x1x1x16xf32>
        tpu.vector_store %arg8[%swap3A_1165, %swap3A_1166, %swap3A_1167, %swap3A_1168], %swap3A_1171 {strides = array<i32>} : memref<3x4x2x896xf32, #tpu.memory_space<vmem>>, vector<1x1x1x16xf32>,
        %get3A_1172 = arith.constant 0 : i32
        %get3A_1173 = arith.constant 8 : i32
        %get3A_1174 = arith.constant 0 : i32
        %get3A_1175 = arith.index_cast %get3A_1172 : i32 to index
        %get3A_1176 = arith.index_cast %get3A_1173 : i32 to index
        %get3A_1177 = arith.index_cast %get3A_1174 : i32 to index
        %get3A_1178 = arith.index_cast %mul3A_976 : i32 to index
        %get3A_1179 = tpu.vector_load %arg7[%get3A_1175, %get3A_1176, %get3A_1177, %get3A_1178] {strides = array<i32>} : memref<3x16x2x896xf32, #tpu.memory_space<vmem>>, vector<1x1x1x16xf32>,
        %get3A_1180 = vector.shape_cast %get3A_1179 : vector<1x1x1x16xf32> to vector<16xf32>
        %get3A_1181 = arith.constant 0 : i32
        %get3A_1182 = arith.constant 9 : i32
        %get3A_1183 = arith.constant 0 : i32
        %get3A_1184 = arith.index_cast %get3A_1181 : i32 to index
        %get3A_1185 = arith.index_cast %get3A_1182 : i32 to index
        %get3A_1186 = arith.index_cast %get3A_1183 : i32 to index
        %get3A_1187 = arith.index_cast %mul3A_976 : i32 to index
        %get3A_1188 = tpu.vector_load %arg7[%get3A_1184, %get3A_1185, %get3A_1186, %get3A_1187] {strides = array<i32>} : memref<3x16x2x896xf32, #tpu.memory_space<vmem>>, vector<1x1x1x16xf32>,
        %get3A_1189 = vector.shape_cast %get3A_1188 : vector<1x1x1x16xf32> to vector<16xf32>
        %max3A_1190 = arith.maximumf %get3A_1180, %get3A_1189 : vector<16xf32>
        %get3A_1191 = arith.constant 0 : i32
        %get3A_1192 = arith.constant 10 : i32
        %get3A_1193 = arith.constant 0 : i32
        %get3A_1194 = arith.index_cast %get3A_1191 : i32 to index
        %get3A_1195 = arith.index_cast %get3A_1192 : i32 to index
        %get3A_1196 = arith.index_cast %get3A_1193 : i32 to index
        %get3A_1197 = arith.index_cast %mul3A_976 : i32 to index
        %get3A_1198 = tpu.vector_load %arg7[%get3A_1194, %get3A_1195, %get3A_1196, %get3A_1197] {strides = array<i32>} : memref<3x16x2x896xf32, #tpu.memory_space<vmem>>, vector<1x1x1x16xf32>,
        %get3A_1199 = vector.shape_cast %get3A_1198 : vector<1x1x1x16xf32> to vector<16xf32>
        %get3A_1200 = arith.constant 0 : i32
        %get3A_1201 = arith.constant 11 : i32
        %get3A_1202 = arith.constant 0 : i32
        %get3A_1203 = arith.index_cast %get3A_1200 : i32 to index
        %get3A_1204 = arith.index_cast %get3A_1201 : i32 to index
        %get3A_1205 = arith.index_cast %get3A_1202 : i32 to index
        %get3A_1206 = arith.index_cast %mul3A_976 : i32 to index
        %get3A_1207 = tpu.vector_load %arg7[%get3A_1203, %get3A_1204, %get3A_1205, %get3A_1206] {strides = array<i32>} : memref<3x16x2x896xf32, #tpu.memory_space<vmem>>, vector<1x1x1x16xf32>,
        %get3A_1208 = vector.shape_cast %get3A_1207 : vector<1x1x1x16xf32> to vector<16xf32>
        %max3A_1209 = arith.maximumf %get3A_1199, %get3A_1208 : vector<16xf32>
        %max3A_1210 = arith.maximumf %max3A_1190, %max3A_1209 : vector<16xf32>
        %swap3A_1211 = arith.constant 0 : i32
        %swap3A_1212 = arith.constant 2 : i32
        %swap3A_1213 = arith.constant 0 : i32
        %swap3A_1214 = arith.index_cast %swap3A_1211 : i32 to index
        %swap3A_1215 = arith.index_cast %swap3A_1212 : i32 to index
        %swap3A_1216 = arith.index_cast %swap3A_1213 : i32 to index
        %swap3A_1217 = arith.index_cast %mul3A_976 : i32 to index
        %swap3A_1218 = tpu.vector_load %arg8[%swap3A_1214, %swap3A_1215, %swap3A_1216, %swap3A_1217] {strides = array<i32>} : memref<3x4x2x896xf32, #tpu.memory_space<vmem>>, vector<1x1x1x16xf32>,
        %swap3A_1219 = vector.shape_cast %swap3A_1218 : vector<1x1x1x16xf32> to vector<16xf32>
        %swap3A_1220 = vector.shape_cast %max3A_1210 : vector<16xf32> to vector<1x1x1x16xf32>
        tpu.vector_store %arg8[%swap3A_1214, %swap3A_1215, %swap3A_1216, %swap3A_1217], %swap3A_1220 {strides = array<i32>} : memref<3x4x2x896xf32, #tpu.memory_space<vmem>>, vector<1x1x1x16xf32>,
        %get3A_1221 = arith.constant 0 : i32
        %get3A_1222 = arith.constant 8 : i32
        %get3A_1223 = arith.constant 1 : i32
        %get3A_1224 = arith.index_cast %get3A_1221 : i32 to index
        %get3A_1225 = arith.index_cast %get3A_1222 : i32 to index
        %get3A_1226 = arith.index_cast %get3A_1223 : i32 to index
        %get3A_1227 = arith.index_cast %mul3A_976 : i32 to index
        %get3A_1228 = tpu.vector_load %arg7[%get3A_1224, %get3A_1225, %get3A_1226, %get3A_1227] {strides = array<i32>} : memref<3x16x2x896xf32, #tpu.memory_space<vmem>>, vector<1x1x1x16xf32>,
        %get3A_1229 = vector.shape_cast %get3A_1228 : vector<1x1x1x16xf32> to vector<16xf32>
        %get3A_1230 = arith.constant 0 : i32
        %get3A_1231 = arith.constant 9 : i32
        %get3A_1232 = arith.constant 1 : i32
        %get3A_1233 = arith.index_cast %get3A_1230 : i32 to index
        %get3A_1234 = arith.index_cast %get3A_1231 : i32 to index
        %get3A_1235 = arith.index_cast %get3A_1232 : i32 to index
        %get3A_1236 = arith.index_cast %mul3A_976 : i32 to index
        %get3A_1237 = tpu.vector_load %arg7[%get3A_1233, %get3A_1234, %get3A_1235, %get3A_1236] {strides = array<i32>} : memref<3x16x2x896xf32, #tpu.memory_space<vmem>>, vector<1x1x1x16xf32>,
        %get3A_1238 = vector.shape_cast %get3A_1237 : vector<1x1x1x16xf32> to vector<16xf32>
        %max3A_1239 = arith.maximumf %get3A_1229, %get3A_1238 : vector<16xf32>
        %get3A_1240 = arith.constant 0 : i32
        %get3A_1241 = arith.constant 10 : i32
        %get3A_1242 = arith.constant 1 : i32
        %get3A_1243 = arith.index_cast %get3A_1240 : i32 to index
        %get3A_1244 = arith.index_cast %get3A_1241 : i32 to index
        %get3A_1245 = arith.index_cast %get3A_1242 : i32 to index
        %get3A_1246 = arith.index_cast %mul3A_976 : i32 to index
        %get3A_1247 = tpu.vector_load %arg7[%get3A_1243, %get3A_1244, %get3A_1245, %get3A_1246] {strides = array<i32>} : memref<3x16x2x896xf32, #tpu.memory_space<vmem>>, vector<1x1x1x16xf32>,
        %get3A_1248 = vector.shape_cast %get3A_1247 : vector<1x1x1x16xf32> to vector<16xf32>
        %get3A_1249 = arith.constant 0 : i32
        %get3A_1250 = arith.constant 11 : i32
        %get3A_1251 = arith.constant 1 : i32
        %get3A_1252 = arith.index_cast %get3A_1249 : i32 to index
        %get3A_1253 = arith.index_cast %get3A_1250 : i32 to index
        %get3A_1254 = arith.index_cast %get3A_1251 : i32 to index
        %get3A_1255 = arith.index_cast %mul3A_976 : i32 to index
        %get3A_1256 = tpu.vector_load %arg7[%get3A_1252, %get3A_1253, %get3A_1254, %get3A_1255] {strides = array<i32>} : memref<3x16x2x896xf32, #tpu.memory_space<vmem>>, vector<1x1x1x16xf32>,
        %get3A_1257 = vector.shape_cast %get3A_1256 : vector<1x1x1x16xf32> to vector<16xf32>
        %max3A_1258 = arith.maximumf %get3A_1248, %get3A_1257 : vector<16xf32>
        %max3A_1259 = arith.maximumf %max3A_1239, %max3A_1258 : vector<16xf32>
        %swap3A_1260 = arith.constant 0 : i32
        %swap3A_1261 = arith.constant 2 : i32
        %swap3A_1262 = arith.constant 1 : i32
        %swap3A_1263 = arith.index_cast %swap3A_1260 : i32 to index
        %swap3A_1264 = arith.index_cast %swap3A_1261 : i32 to index
        %swap3A_1265 = arith.index_cast %swap3A_1262 : i32 to index
        %swap3A_1266 = arith.index_cast %mul3A_976 : i32 to index
        %swap3A_1267 = tpu.vector_load %arg8[%swap3A_1263, %swap3A_1264, %swap3A_1265, %swap3A_1266] {strides = array<i32>} : memref<3x4x2x896xf32, #tpu.memory_space<vmem>>, vector<1x1x1x16xf32>,
        %swap3A_1268 = vector.shape_cast %swap3A_1267 : vector<1x1x1x16xf32> to vector<16xf32>
        %swap3A_1269 = vector.shape_cast %max3A_1259 : vector<16xf32> to vector<1x1x1x16xf32>
        tpu.vector_store %arg8[%swap3A_1263, %swap3A_1264, %swap3A_1265, %swap3A_1266], %swap3A_1269 {strides = array<i32>} : memref<3x4x2x896xf32, #tpu.memory_space<vmem>>, vector<1x1x1x16xf32>,
        %get3A_1270 = arith.constant 0 : i32
        %get3A_1271 = arith.constant 12 : i32
        %get3A_1272 = arith.constant 0 : i32
        %get3A_1273 = arith.index_cast %get3A_1270 : i32 to index
        %get3A_1274 = arith.index_cast %get3A_1271 : i32 to index
        %get3A_1275 = arith.index_cast %get3A_1272 : i32 to index
        %get3A_1276 = arith.index_cast %mul3A_976 : i32 to index
        %get3A_1277 = tpu.vector_load %arg7[%get3A_1273, %get3A_1274, %get3A_1275, %get3A_1276] {strides = array<i32>} : memref<3x16x2x896xf32, #tpu.memory_space<vmem>>, vector<1x1x1x16xf32>,
        %get3A_1278 = vector.shape_cast %get3A_1277 : vector<1x1x1x16xf32> to vector<16xf32>
        %get3A_1279 = arith.constant 0 : i32
        %get3A_1280 = arith.constant 13 : i32
        %get3A_1281 = arith.constant 0 : i32
        %get3A_1282 = arith.index_cast %get3A_1279 : i32 to index
        %get3A_1283 = arith.index_cast %get3A_1280 : i32 to index
        %get3A_1284 = arith.index_cast %get3A_1281 : i32 to index
        %get3A_1285 = arith.index_cast %mul3A_976 : i32 to index
        %get3A_1286 = tpu.vector_load %arg7[%get3A_1282, %get3A_1283, %get3A_1284, %get3A_1285] {strides = array<i32>} : memref<3x16x2x896xf32, #tpu.memory_space<vmem>>, vector<1x1x1x16xf32>,
        %get3A_1287 = vector.shape_cast %get3A_1286 : vector<1x1x1x16xf32> to vector<16xf32>
        %max3A_1288 = arith.maximumf %get3A_1278, %get3A_1287 : vector<16xf32>
        %get3A_1289 = arith.constant 0 : i32
        %get3A_1290 = arith.constant 14 : i32
        %get3A_1291 = arith.constant 0 : i32
        %get3A_1292 = arith.index_cast %get3A_1289 : i32 to index
        %get3A_1293 = arith.index_cast %get3A_1290 : i32 to index
        %get3A_1294 = arith.index_cast %get3A_1291 : i32 to index
        %get3A_1295 = arith.index_cast %mul3A_976 : i32 to index
        %get3A_1296 = tpu.vector_load %arg7[%get3A_1292, %get3A_1293, %get3A_1294, %get3A_1295] {strides = array<i32>} : memref<3x16x2x896xf32, #tpu.memory_space<vmem>>, vector<1x1x1x16xf32>,
        %get3A_1297 = vector.shape_cast %get3A_1296 : vector<1x1x1x16xf32> to vector<16xf32>
        %get3A_1298 = arith.constant 0 : i32
        %get3A_1299 = arith.constant 15 : i32
        %get3A_1300 = arith.constant 0 : i32
        %get3A_1301 = arith.index_cast %get3A_1298 : i32 to index
        %get3A_1302 = arith.index_cast %get3A_1299 : i32 to index
        %get3A_1303 = arith.index_cast %get3A_1300 : i32 to index
        %get3A_1304 = arith.index_cast %mul3A_976 : i32 to index
        %get3A_1305 = tpu.vector_load %arg7[%get3A_1301, %get3A_1302, %get3A_1303, %get3A_1304] {strides = array<i32>} : memref<3x16x2x896xf32, #tpu.memory_space<vmem>>, vector<1x1x1x16xf32>,
        %get3A_1306 = vector.shape_cast %get3A_1305 : vector<1x1x1x16xf32> to vector<16xf32>
        %max3A_1307 = arith.maximumf %get3A_1297, %get3A_1306 : vector<16xf32>
        %max3A_1308 = arith.maximumf %max3A_1288, %max3A_1307 : vector<16xf32>
        %swap3A_1309 = arith.constant 0 : i32
        %swap3A_1310 = arith.constant 3 : i32
        %swap3A_1311 = arith.constant 0 : i32
        %swap3A_1312 = arith.index_cast %swap3A_1309 : i32 to index
        %swap3A_1313 = arith.index_cast %swap3A_1310 : i32 to index
        %swap3A_1314 = arith.index_cast %swap3A_1311 : i32 to index
        %swap3A_1315 = arith.index_cast %mul3A_976 : i32 to index
        %swap3A_1316 = tpu.vector_load %arg8[%swap3A_1312, %swap3A_1313, %swap3A_1314, %swap3A_1315] {strides = array<i32>} : memref<3x4x2x896xf32, #tpu.memory_space<vmem>>, vector<1x1x1x16xf32>,
        %swap3A_1317 = vector.shape_cast %swap3A_1316 : vector<1x1x1x16xf32> to vector<16xf32>
        %swap3A_1318 = vector.shape_cast %max3A_1308 : vector<16xf32> to vector<1x1x1x16xf32>
        tpu.vector_store %arg8[%swap3A_1312, %swap3A_1313, %swap3A_1314, %swap3A_1315], %swap3A_1318 {strides = array<i32>} : memref<3x4x2x896xf32, #tpu.memory_space<vmem>>, vector<1x1x1x16xf32>,
        %get3A_1319 = arith.constant 0 : i32
        %get3A_1320 = arith.constant 12 : i32
        %get3A_1321 = arith.constant 1 : i32
        %get3A_1322 = arith.index_cast %get3A_1319 : i32 to index
        %get3A_1323 = arith.index_cast %get3A_1320 : i32 to index
        %get3A_1324 = arith.index_cast %get3A_1321 : i32 to index
        %get3A_1325 = arith.index_cast %mul3A_976 : i32 to index
        %get3A_1326 = tpu.vector_load %arg7[%get3A_1322, %get3A_1323, %get3A_1324, %get3A_1325] {strides = array<i32>} : memref<3x16x2x896xf32, #tpu.memory_space<vmem>>, vector<1x1x1x16xf32>,
        %get3A_1327 = vector.shape_cast %get3A_1326 : vector<1x1x1x16xf32> to vector<16xf32>
        %get3A_1328 = arith.constant 0 : i32
        %get3A_1329 = arith.constant 13 : i32
        %get3A_1330 = arith.constant 1 : i32
        %get3A_1331 = arith.index_cast %get3A_1328 : i32 to index
        %get3A_1332 = arith.index_cast %get3A_1329 : i32 to index
        %get3A_1333 = arith.index_cast %get3A_1330 : i32 to index
        %get3A_1334 = arith.index_cast %mul3A_976 : i32 to index
        %get3A_1335 = tpu.vector_load %arg7[%get3A_1331, %get3A_1332, %get3A_1333, %get3A_1334] {strides = array<i32>} : memref<3x16x2x896xf32, #tpu.memory_space<vmem>>, vector<1x1x1x16xf32>,
        %get3A_1336 = vector.shape_cast %get3A_1335 : vector<1x1x1x16xf32> to vector<16xf32>
        %max3A_1337 = arith.maximumf %get3A_1327, %get3A_1336 : vector<16xf32>
        %get3A_1338 = arith.constant 0 : i32
        %get3A_1339 = arith.constant 14 : i32
        %get3A_1340 = arith.constant 1 : i32
        %get3A_1341 = arith.index_cast %get3A_1338 : i32 to index
        %get3A_1342 = arith.index_cast %get3A_1339 : i32 to index
        %get3A_1343 = arith.index_cast %get3A_1340 : i32 to index
        %get3A_1344 = arith.index_cast %mul3A_976 : i32 to index
        %get3A_1345 = tpu.vector_load %arg7[%get3A_1341, %get3A_1342, %get3A_1343, %get3A_1344] {strides = array<i32>} : memref<3x16x2x896xf32, #tpu.memory_space<vmem>>, vector<1x1x1x16xf32>,
        %get3A_1346 = vector.shape_cast %get3A_1345 : vector<1x1x1x16xf32> to vector<16xf32>
        %get3A_1347 = arith.constant 0 : i32
        %get3A_1348 = arith.constant 15 : i32
        %get3A_1349 = arith.constant 1 : i32
        %get3A_1350 = arith.index_cast %get3A_1347 : i32 to index
        %get3A_1351 = arith.index_cast %get3A_1348 : i32 to index
        %get3A_1352 = arith.index_cast %get3A_1349 : i32 to index
        %get3A_1353 = arith.index_cast %mul3A_976 : i32 to index
        %get3A_1354 = tpu.vector_load %arg7[%get3A_1350, %get3A_1351, %get3A_1352, %get3A_1353] {strides = array<i32>} : memref<3x16x2x896xf32, #tpu.memory_space<vmem>>, vector<1x1x1x16xf32>,
        %get3A_1355 = vector.shape_cast %get3A_1354 : vector<1x1x1x16xf32> to vector<16xf32>
        %max3A_1356 = arith.maximumf %get3A_1346, %get3A_1355 : vector<16xf32>
        %max3A_1357 = arith.maximumf %max3A_1337, %max3A_1356 : vector<16xf32>
        %swap3A_1358 = arith.constant 0 : i32
        %swap3A_1359 = arith.constant 3 : i32
        %swap3A_1360 = arith.constant 1 : i32
        %swap3A_1361 = arith.index_cast %swap3A_1358 : i32 to index
        %swap3A_1362 = arith.index_cast %swap3A_1359 : i32 to index
        %swap3A_1363 = arith.index_cast %swap3A_1360 : i32 to index
        %swap3A_1364 = arith.index_cast %mul3A_976 : i32 to index
        %swap3A_1365 = tpu.vector_load %arg8[%swap3A_1361, %swap3A_1362, %swap3A_1363, %swap3A_1364] {strides = array<i32>} : memref<3x4x2x896xf32, #tpu.memory_space<vmem>>, vector<1x1x1x16xf32>,
        %swap3A_1366 = vector.shape_cast %swap3A_1365 : vector<1x1x1x16xf32> to vector<16xf32>
        %swap3A_1367 = vector.shape_cast %max3A_1357 : vector<16xf32> to vector<1x1x1x16xf32>
        tpu.vector_store %arg8[%swap3A_1361, %swap3A_1362, %swap3A_1363, %swap3A_1364], %swap3A_1367 {strides = array<i32>} : memref<3x4x2x896xf32, #tpu.memory_space<vmem>>, vector<1x1x1x16xf32>,
        %scan3A_1368 = arith.constant 0 : i32
        scf.yield %scan3A_1368 : i32
      }
      %scan3A_409 = arith.constant 56 : i32
      %mul3A_410 = arith.constant 48 : i32
      %mul3A_411 = arith.muli %select_n3A_384, %mul3A_410 : i32
      %add3A_412 = arith.addi %mul3A_411, %mul3A_402 : i32
      %add3A_413 = arith.constant 0 : i32
      %add3A_414 = arith.addi %add3A_412, %add3A_413 : i32
      %mul3A_415 = arith.constant 28 : i32
      %mul3A_416 = arith.muli %add3A_414, %mul3A_415 : i32
      %add3A_417 = arith.addi %mul3A_416, %select_n3A_360 : i32
      %dma_start3A_418 = arith.constant 0 : i32
      %dma_start3A_419 = arith.constant 0 : i32
      %dma_start3A_420 = arith.constant 0 : i32
      %dma_start3A_421 = arith.constant 0 : i32
      %dma_start3A_422 = tpu.memref_slice %arg8[%dma_start3A_418, %dma_start3A_419, %dma_start3A_420, %dma_start3A_421] : memref<3x4x2x896xf32, #tpu.memory_space<vmem>> -> memref<1x1x2x896xf32, #tpu.memory_space<vmem>>
      %dma_start3A_423 = tpu.memref_squeeze %dma_start3A_422 : memref<1x1x2x896xf32, #tpu.memory_space<vmem>> -> memref<2x896xf32, #tpu.memory_space<vmem>>
      %dma_start3A_424 = arith.constant 0 : i32
      %dma_start3A_425 = arith.constant 0 : i32
      %dma_start3A_426 = tpu.memref_slice %arg4[%add3A_417, %dma_start3A_424, %dma_start3A_425] : memref<5376x2x896xf32, #tpu.memory_space<hbm>> -> memref<1x2x896xf32, #tpu.memory_space<hbm>>
      %dma_start3A_427 = tpu.memref_squeeze %dma_start3A_426 : memref<1x2x896xf32, #tpu.memory_space<hbm>> -> memref<2x896xf32, #tpu.memory_space<hbm>>
      %dma_start3A_428 = arith.constant 0 : i32
      %dma_start3A_429 = arith.constant 0 : i32
      %dma_start3A_430 = tpu.memref_slice %arg4[%add3A_417, %dma_start3A_428, %dma_start3A_429] : memref<5376x2x896xf32, #tpu.memory_space<hbm>> -> memref<1x2x896xf32, #tpu.memory_space<hbm>>
      %dma_start3A_431 = tpu.memref_squeeze %dma_start3A_430 : memref<1x2x896xf32, #tpu.memory_space<hbm>> -> memref<2x896xf32, #tpu.memory_space<hbm>>
      %dma_start3A_432 = arith.constant 0 : i32
      %dma_start3A_433 = arith.constant 0 : i32
      %dma_start3A_434 = tpu.memref_slice %arg8[%dma_start3A_418, %dma_start3A_419, %dma_start3A_432, %dma_start3A_433] : memref<3x4x2x896xf32, #tpu.memory_space<vmem>> -> memref<1x1x2x896xf32, #tpu.memory_space<vmem>>
      %dma_start3A_435 = tpu.memref_squeeze %dma_start3A_434 : memref<1x1x2x896xf32, #tpu.memory_space<vmem>> -> memref<2x896xf32, #tpu.memory_space<vmem>>
      tpu.enqueue_dma source(%dma_start3A_435 : memref<2x896xf32, #tpu.memory_space<vmem>>) target(%dma_start3A_431 : memref<2x896xf32, #tpu.memory_space<hbm>>) target_semaphore(%arg12 : memref<!tpu.dma_semaphore, #tpu.memory_space<semaphore_mem>>)
      %mul3A_436 = arith.constant 48 : i32
      %mul3A_437 = arith.muli %select_n3A_384, %mul3A_436 : i32
      %add3A_438 = arith.addi %mul3A_437, %mul3A_402 : i32
      %add3A_439 = arith.constant 1 : i32
      %add3A_440 = arith.addi %add3A_438, %add3A_439 : i32
      %mul3A_441 = arith.constant 28 : i32
      %mul3A_442 = arith.muli %add3A_440, %mul3A_441 : i32
      %add3A_443 = arith.addi %mul3A_442, %select_n3A_360 : i32
      %dma_start3A_444 = arith.constant 0 : i32
      %dma_start3A_445 = arith.constant 1 : i32
      %dma_start3A_446 = arith.constant 0 : i32
      %dma_start3A_447 = arith.constant 0 : i32
      %dma_start3A_448 = tpu.memref_slice %arg8[%dma_start3A_444, %dma_start3A_445, %dma_start3A_446, %dma_start3A_447] : memref<3x4x2x896xf32, #tpu.memory_space<vmem>> -> memref<1x1x2x896xf32, #tpu.memory_space<vmem>>
      %dma_start3A_449 = tpu.memref_squeeze %dma_start3A_448 : memref<1x1x2x896xf32, #tpu.memory_space<vmem>> -> memref<2x896xf32, #tpu.memory_space<vmem>>
      %dma_start3A_450 = arith.constant 0 : i32
      %dma_start3A_451 = arith.constant 0 : i32
      %dma_start3A_452 = tpu.memref_slice %arg4[%add3A_443, %dma_start3A_450, %dma_start3A_451] : memref<5376x2x896xf32, #tpu.memory_space<hbm>> -> memref<1x2x896xf32, #tpu.memory_space<hbm>>
      %dma_start3A_453 = tpu.memref_squeeze %dma_start3A_452 : memref<1x2x896xf32, #tpu.memory_space<hbm>> -> memref<2x896xf32, #tpu.memory_space<hbm>>
      %dma_start3A_454 = arith.constant 0 : i32
      %dma_start3A_455 = arith.constant 0 : i32
      %dma_start3A_456 = tpu.memref_slice %arg4[%add3A_443, %dma_start3A_454, %dma_start3A_455] : memref<5376x2x896xf32, #tpu.memory_space<hbm>> -> memref<1x2x896xf32, #tpu.memory_space<hbm>>
      %dma_start3A_457 = tpu.memref_squeeze %dma_start3A_456 : memref<1x2x896xf32, #tpu.memory_space<hbm>> -> memref<2x896xf32, #tpu.memory_space<hbm>>
      %dma_start3A_458 = arith.constant 0 : i32
      %dma_start3A_459 = arith.constant 0 : i32
      %dma_start3A_460 = tpu.memref_slice %arg8[%dma_start3A_444, %dma_start3A_445, %dma_start3A_458, %dma_start3A_459] : memref<3x4x2x896xf32, #tpu.memory_space<vmem>> -> memref<1x1x2x896xf32, #tpu.memory_space<vmem>>
      %dma_start3A_461 = tpu.memref_squeeze %dma_start3A_460 : memref<1x1x2x896xf32, #tpu.memory_space<vmem>> -> memref<2x896xf32, #tpu.memory_space<vmem>>
      tpu.enqueue_dma source(%dma_start3A_461 : memref<2x896xf32, #tpu.memory_space<vmem>>) target(%dma_start3A_457 : memref<2x896xf32, #tpu.memory_space<hbm>>) target_semaphore(%arg12 : memref<!tpu.dma_semaphore, #tpu.memory_space<semaphore_mem>>)
      %mul3A_462 = arith.constant 48 : i32
      %mul3A_463 = arith.muli %select_n3A_384, %mul3A_462 : i32
      %add3A_464 = arith.addi %mul3A_463, %mul3A_402 : i32
      %add3A_465 = arith.constant 2 : i32
      %add3A_466 = arith.addi %add3A_464, %add3A_465 : i32
      %mul3A_467 = arith.constant 28 : i32
      %mul3A_468 = arith.muli %add3A_466, %mul3A_467 : i32
      %add3A_469 = arith.addi %mul3A_468, %select_n3A_360 : i32
      %dma_start3A_470 = arith.constant 0 : i32
      %dma_start3A_471 = arith.constant 2 : i32
      %dma_start3A_472 = arith.constant 0 : i32
      %dma_start3A_473 = arith.constant 0 : i32
      %dma_start3A_474 = tpu.memref_slice %arg8[%dma_start3A_470, %dma_start3A_471, %dma_start3A_472, %dma_start3A_473] : memref<3x4x2x896xf32, #tpu.memory_space<vmem>> -> memref<1x1x2x896xf32, #tpu.memory_space<vmem>>
      %dma_start3A_475 = tpu.memref_squeeze %dma_start3A_474 : memref<1x1x2x896xf32, #tpu.memory_space<vmem>> -> memref<2x896xf32, #tpu.memory_space<vmem>>
      %dma_start3A_476 = arith.constant 0 : i32
      %dma_start3A_477 = arith.constant 0 : i32
      %dma_start3A_478 = tpu.memref_slice %arg4[%add3A_469, %dma_start3A_476, %dma_start3A_477] : memref<5376x2x896xf32, #tpu.memory_space<hbm>> -> memref<1x2x896xf32, #tpu.memory_space<hbm>>
      %dma_start3A_479 = tpu.memref_squeeze %dma_start3A_478 : memref<1x2x896xf32, #tpu.memory_space<hbm>> -> memref<2x896xf32, #tpu.memory_space<hbm>>
      %dma_start3A_480 = arith.constant 0 : i32
      %dma_start3A_481 = arith.constant 0 : i32
      %dma_start3A_482 = tpu.memref_slice %arg4[%add3A_469, %dma_start3A_480, %dma_start3A_481] : memref<5376x2x896xf32, #tpu.memory_space<hbm>> -> memref<1x2x896xf32, #tpu.memory_space<hbm>>
      %dma_start3A_483 = tpu.memref_squeeze %dma_start3A_482 : memref<1x2x896xf32, #tpu.memory_space<hbm>> -> memref<2x896xf32, #tpu.memory_space<hbm>>
      %dma_start3A_484 = arith.constant 0 : i32
      %dma_start3A_485 = arith.constant 0 : i32
      %dma_start3A_486 = tpu.memref_slice %arg8[%dma_start3A_470, %dma_start3A_471, %dma_start3A_484, %dma_start3A_485] : memref<3x4x2x896xf32, #tpu.memory_space<vmem>> -> memref<1x1x2x896xf32, #tpu.memory_space<vmem>>
      %dma_start3A_487 = tpu.memref_squeeze %dma_start3A_486 : memref<1x1x2x896xf32, #tpu.memory_space<vmem>> -> memref<2x896xf32, #tpu.memory_space<vmem>>
      tpu.enqueue_dma source(%dma_start3A_487 : memref<2x896xf32, #tpu.memory_space<vmem>>) target(%dma_start3A_483 : memref<2x896xf32, #tpu.memory_space<hbm>>) target_semaphore(%arg12 : memref<!tpu.dma_semaphore, #tpu.memory_space<semaphore_mem>>)
      %mul3A_488 = arith.constant 48 : i32
      %mul3A_489 = arith.muli %select_n3A_384, %mul3A_488 : i32
      %add3A_490 = arith.addi %mul3A_489, %mul3A_402 : i32
      %add3A_491 = arith.constant 3 : i32
      %add3A_492 = arith.addi %add3A_490, %add3A_491 : i32
      %mul3A_493 = arith.constant 28 : i32
      %mul3A_494 = arith.muli %add3A_492, %mul3A_493 : i32
      %add3A_495 = arith.addi %mul3A_494, %select_n3A_360 : i32
      %dma_start3A_496 = arith.constant 0 : i32
      %dma_start3A_497 = arith.constant 3 : i32
      %dma_start3A_498 = arith.constant 0 : i32
      %dma_start3A_499 = arith.constant 0 : i32
      %dma_start3A_500 = tpu.memref_slice %arg8[%dma_start3A_496, %dma_start3A_497, %dma_start3A_498, %dma_start3A_499] : memref<3x4x2x896xf32, #tpu.memory_space<vmem>> -> memref<1x1x2x896xf32, #tpu.memory_space<vmem>>
      %dma_start3A_501 = tpu.memref_squeeze %dma_start3A_500 : memref<1x1x2x896xf32, #tpu.memory_space<vmem>> -> memref<2x896xf32, #tpu.memory_space<vmem>>
      %dma_start3A_502 = arith.constant 0 : i32
      %dma_start3A_503 = arith.constant 0 : i32
      %dma_start3A_504 = tpu.memref_slice %arg4[%add3A_495, %dma_start3A_502, %dma_start3A_503] : memref<5376x2x896xf32, #tpu.memory_space<hbm>> -> memref<1x2x896xf32, #tpu.memory_space<hbm>>
      %dma_start3A_505 = tpu.memref_squeeze %dma_start3A_504 : memref<1x2x896xf32, #tpu.memory_space<hbm>> -> memref<2x896xf32, #tpu.memory_space<hbm>>
      %dma_start3A_506 = arith.constant 0 : i32
      %dma_start3A_507 = arith.constant 0 : i32
      %dma_start3A_508 = tpu.memref_slice %arg4[%add3A_495, %dma_start3A_506, %dma_start3A_507] : memref<5376x2x896xf32, #tpu.memory_space<hbm>> -> memref<1x2x896xf32, #tpu.memory_space<hbm>>
      %dma_start3A_509 = tpu.memref_squeeze %dma_start3A_508 : memref<1x2x896xf32, #tpu.memory_space<hbm>> -> memref<2x896xf32, #tpu.memory_space<hbm>>
      %dma_start3A_510 = arith.constant 0 : i32
      %dma_start3A_511 = arith.constant 0 : i32
      %dma_start3A_512 = tpu.memref_slice %arg8[%dma_start3A_496, %dma_start3A_497, %dma_start3A_510, %dma_start3A_511] : memref<3x4x2x896xf32, #tpu.memory_space<vmem>> -> memref<1x1x2x896xf32, #tpu.memory_space<vmem>>
      %dma_start3A_513 = tpu.memref_squeeze %dma_start3A_512 : memref<1x1x2x896xf32, #tpu.memory_space<vmem>> -> memref<2x896xf32, #tpu.memory_space<vmem>>
      tpu.enqueue_dma source(%dma_start3A_513 : memref<2x896xf32, #tpu.memory_space<vmem>>) target(%dma_start3A_509 : memref<2x896xf32, #tpu.memory_space<hbm>>) target_semaphore(%arg12 : memref<!tpu.dma_semaphore, #tpu.memory_space<semaphore_mem>>)
      %mul3A_514 = arith.constant 3 : i32
      %mul3A_515 = arith.muli %scan3A_286, %mul3A_514 : i32
      %add3A_516 = arith.constant 1 : i32
      %add3A_517 = arith.addi %mul3A_515, %add3A_516 : i32
      %add3A_518 = arith.constant 2 : i32
      %add3A_519 = arith.addi %add3A_517, %add3A_518 : i32
      %lt3A_520 = arith.constant 42 : i32
      %lt3A_521 = arith.cmpi slt, %add3A_519, %lt3A_520 : i32
      %convert_element_type3A_522 = arith.extui %lt3A_521 : i1 to i32
      %cond3A_523 = arith.constant 0 : i32
      %cond3A_524 = arith.cmpi ne, %convert_element_type3A_522, %cond3A_523 : i32
      scf.if %cond3A_524 {
        %add3A_973 = arith.addi %mul3A_2, %add3A_517 : i32
        %add3A_974 = arith.constant 2 : i32
        %add3A_975 = arith.addi %add3A_973, %add3A_974 : i32
        %jit3A_976 = arith.constant 28 : i32
        %div3A_977 = arith.divsi %add3A_975, %jit3A_976 : i32
        %sign3A_978 = arith.constant 0 : i32
        %sign3A_979 = arith.cmpi sgt, %add3A_975, %sign3A_978 : i32
        %sign3A_980 = arith.extui %sign3A_979 : i1 to i32
        %sign3A_981 = arith.constant 0 : i32
        %sign3A_982 = arith.cmpi slt, %add3A_975, %sign3A_981 : i32
        %sign3A_983 = arith.extui %sign3A_982 : i1 to i32
        %sign3A_984 = arith.subi %sign3A_980, %sign3A_983 : i32
        %sign3A_985 = arith.constant 0 : i32
        %sign3A_986 = arith.cmpi sgt, %jit3A_976, %sign3A_985 : i32
        %sign3A_987 = arith.extui %sign3A_986 : i1 to i32
        %sign3A_988 = arith.constant 0 : i32
        %sign3A_989 = arith.cmpi slt, %jit3A_976, %sign3A_988 : i32
        %sign3A_990 = arith.extui %sign3A_989 : i1 to i32
        %sign3A_991 = arith.subi %sign3A_987, %sign3A_990 : i32
        %ne3A_992 = arith.cmpi ne, %sign3A_984, %sign3A_991 : i32
        %rem3A_993 = arith.remsi %add3A_975, %jit3A_976 : i32
        %ne3A_994 = arith.constant 0 : i32
        %ne3A_995 = arith.cmpi ne, %rem3A_993, %ne3A_994 : i32
        %and3A_996 = arith.andi %ne3A_992, %ne3A_995 : i1
        %sub3A_997 = arith.constant 1 : i32
        %sub3A_998 = arith.subi %div3A_977, %sub3A_997 : i32
        %select_n3A_999 = arith.select %and3A_996, %sub3A_998, %div3A_977 : i32
        %jit3A_1000 = arith.constant 28 : i32
        %eq3A_1001 = arith.constant 0 : i32
        %eq3A_1002 = arith.cmpi eq, %jit3A_1000, %eq3A_1001 : i32
        %jit3A_1003 = arith.constant 1 : i32
        %select_n3A_1004 = arith.select %eq3A_1002, %jit3A_1003, %jit3A_1000 : i32
        %rem3A_1005 = arith.remsi %add3A_975, %select_n3A_1004 : i32
        %ne3A_1006 = arith.constant 0 : i32
        %ne3A_1007 = arith.cmpi ne, %rem3A_1005, %ne3A_1006 : i32
        %lt3A_1008 = arith.constant 0 : i32
        %lt3A_1009 = arith.cmpi slt, %rem3A_1005, %lt3A_1008 : i32
        %lt3A_1010 = arith.constant 0 : i32
        %lt3A_1011 = arith.cmpi slt, %select_n3A_1004, %lt3A_1010 : i32
        %ne3A_1012 = arith.xori %lt3A_1009, %lt3A_1011 : i1
        %and3A_1013 = arith.andi %ne3A_1012, %ne3A_1007 : i1
        %add3A_1014 = arith.addi %rem3A_1005, %select_n3A_1004 : i32
        %select_n3A_1015 = arith.select %and3A_1013, %add3A_1014, %rem3A_1005 : i32
        %jit3A_1016 = arith.constant 12 : i32
        %div3A_1017 = arith.divsi %select_n3A_999, %jit3A_1016 : i32
        %sign3A_1018 = arith.constant 0 : i32
        %sign3A_1019 = arith.cmpi sgt, %select_n3A_999, %sign3A_1018 : i32
        %sign3A_1020 = arith.extui %sign3A_1019 : i1 to i32
        %sign3A_1021 = arith.constant 0 : i32
        %sign3A_1022 = arith.cmpi slt, %select_n3A_999, %sign3A_1021 : i32
        %sign3A_1023 = arith.extui %sign3A_1022 : i1 to i32
        %sign3A_1024 = arith.subi %sign3A_1020, %sign3A_1023 : i32
        %sign3A_1025 = arith.constant 0 : i32
        %sign3A_1026 = arith.cmpi sgt, %jit3A_1016, %sign3A_1025 : i32
        %sign3A_1027 = arith.extui %sign3A_1026 : i1 to i32
        %sign3A_1028 = arith.constant 0 : i32
        %sign3A_1029 = arith.cmpi slt, %jit3A_1016, %sign3A_1028 : i32
        %sign3A_1030 = arith.extui %sign3A_1029 : i1 to i32
        %sign3A_1031 = arith.subi %sign3A_1027, %sign3A_1030 : i32
        %ne3A_1032 = arith.cmpi ne, %sign3A_1024, %sign3A_1031 : i32
        %rem3A_1033 = arith.remsi %select_n3A_999, %jit3A_1016 : i32
        %ne3A_1034 = arith.constant 0 : i32
        %ne3A_1035 = arith.cmpi ne, %rem3A_1033, %ne3A_1034 : i32
        %and3A_1036 = arith.andi %ne3A_1032, %ne3A_1035 : i1
        %sub3A_1037 = arith.constant 1 : i32
        %sub3A_1038 = arith.subi %div3A_1017, %sub3A_1037 : i32
        %select_n3A_1039 = arith.select %and3A_1036, %sub3A_1038, %div3A_1017 : i32
        %jit3A_1040 = arith.constant 12 : i32
        %eq3A_1041 = arith.constant 0 : i32
        %eq3A_1042 = arith.cmpi eq, %jit3A_1040, %eq3A_1041 : i32
        %jit3A_1043 = arith.constant 1 : i32
        %select_n3A_1044 = arith.select %eq3A_1042, %jit3A_1043, %jit3A_1040 : i32
        %rem3A_1045 = arith.remsi %select_n3A_999, %select_n3A_1044 : i32
        %ne3A_1046 = arith.constant 0 : i32
        %ne3A_1047 = arith.cmpi ne, %rem3A_1045, %ne3A_1046 : i32
        %lt3A_1048 = arith.constant 0 : i32
        %lt3A_1049 = arith.cmpi slt, %rem3A_1045, %lt3A_1048 : i32
        %lt3A_1050 = arith.constant 0 : i32
        %lt3A_1051 = arith.cmpi slt, %select_n3A_1044, %lt3A_1050 : i32
        %ne3A_1052 = arith.xori %lt3A_1049, %lt3A_1051 : i1
        %and3A_1053 = arith.andi %ne3A_1052, %ne3A_1047 : i1
        %add3A_1054 = arith.addi %rem3A_1045, %select_n3A_1044 : i32
        %select_n3A_1055 = arith.select %and3A_1053, %add3A_1054, %rem3A_1045 : i32
        %mul3A_1056 = arith.constant 4 : i32
        %mul3A_1057 = arith.muli %select_n3A_1055, %mul3A_1056 : i32
        %mul3A_1058 = arith.constant 4 : i32
        %mul3A_1059 = arith.muli %mul3A_1057, %mul3A_1058 : i32
        %get3A_1060 = arith.index_cast %mul3A_1059 : i32 to index
        %get3A_1061 = tpu.vector_load %arg5[%get3A_1060] {strides = array<i32>} : memref<192xi32, #tpu.memory_space<vmem>>, vector<16xi32>,
        %get3A_1062 = vector.shape_cast %get3A_1061 : vector<16xi32> to vector<16xi32>
        %mul3A_1063 = arith.constant 192 : i32
        %mul3A_1064 = arith.muli %select_n3A_1039, %mul3A_1063 : i32
        %add3A_1065 = vector.broadcast %mul3A_1064 : i32 to vector<16xi32>
        %add3A_1066 = arith.addi %add3A_1065, %get3A_1062 : vector<16xi32>
        %mul3A_1067 = arith.constant 28 : i32
        %mul3A_1068 = vector.broadcast %mul3A_1067 : i32 to vector<16xi32>
        %mul3A_1069 = arith.muli %add3A_1066, %mul3A_1068 : vector<16xi32>
        %add3A_1070 = vector.broadcast %select_n3A_1015 : i32 to vector<16xi32>
        %add3A_1071 = arith.addi %mul3A_1069, %add3A_1070 : vector<16xi32>
        %swap3A_1072 = arith.constant 0 : i32
        %swap3A_1073 = arith.index_cast %swap3A_1072 : i32 to index
        %swap3A_1074 = arith.constant 0 : index
        %swap3A_1075 = tpu.vector_load %arg6[%swap3A_1073, %swap3A_1074] {strides = array<i32>} : memref<3x16xi32, #tpu.memory_space<vmem>>, vector<1x16xi32>,
        %swap3A_1076 = vector.shape_cast %swap3A_1075 : vector<1x16xi32> to vector<16xi32>
        %swap3A_1077 = vector.shape_cast %add3A_1071 : vector<16xi32> to vector<1x16xi32>
        tpu.vector_store %arg6[%swap3A_1073, %swap3A_1074], %swap3A_1077 {strides = array<i32>} : memref<3x16xi32, #tpu.memory_space<vmem>>, vector<1x16xi32>,
        %dma_start3A_1078 = arith.constant 0 : i32
        %dma_start3A_1079 = arith.constant 0 : i32
        %dma_start3A_1080 = arith.constant 0 : i32
        %dma_start3A_1081 = arith.constant 0 : i32
        %dma_start3A_1082 = arith.constant 0 : i32
        %dma_start3A_1083 = tpu.memref_slice %arg7[%dma_start3A_1079, %dma_start3A_1080, %dma_start3A_1081, %dma_start3A_1082] : memref<3x16x2x896xf32, #tpu.memory_space<vmem>> -> memref<1x16x2x896xf32, #tpu.memory_space<vmem>>
        %dma_start3A_1084 = tpu.memref_squeeze %dma_start3A_1083 : memref<1x16x2x896xf32, #tpu.memory_space<vmem>> -> memref<16x2x896xf32, #tpu.memory_space<vmem>>
        %dma_start3A_1085 = arith.constant 0 : i32
        %dma_start3A_1086 = tpu.memref_slice %arg6[%dma_start3A_1078, %dma_start3A_1085] : memref<3x16xi32, #tpu.memory_space<vmem>> -> memref<1x16xi32, #tpu.memory_space<vmem>>
        %dma_start3A_1087 = tpu.memref_squeeze %dma_start3A_1086 : memref<1x16xi32, #tpu.memory_space<vmem>> -> memref<16xi32, #tpu.memory_space<vmem>>
        %dma_start3A_1088 = arith.constant 0 : i32
        %dma_start3A_1089 = arith.constant 0 : i32
        %dma_start3A_1090 = arith.constant 0 : i32
        %dma_start3A_1091 = tpu.memref_slice %arg2[%dma_start3A_1088, %dma_start3A_1089, %dma_start3A_1090] : memref<21504x2x896xf32, #tpu.memory_space<hbm>> -> memref<21504x2x896xf32, #tpu.memory_space<hbm>>
        tpu.enqueue_indirect_dma source(%dma_start3A_1091 : memref<21504x2x896xf32, #tpu.memory_space<hbm>>) target(%dma_start3A_1084 : memref<16x2x896xf32, #tpu.memory_space<vmem>>) offsets(%dma_start3A_1087 : memref<16xi32, #tpu.memory_space<vmem>>) semaphore(%arg9 : memref<!tpu.dma_semaphore, #tpu.memory_space<semaphore_mem>>)
      } else {
      }
      %dma_wait3A_525 = arith.constant 1 : i32
      %dma_wait3A_526 = arith.constant 0 : i32
      %dma_wait3A_527 = arith.constant 0 : i32
      %dma_wait3A_528 = arith.constant 0 : i32
      %dma_wait3A_529 = tpu.memref_slice %arg7[%dma_wait3A_525, %dma_wait3A_526, %dma_wait3A_527, %dma_wait3A_528] : memref<3x16x2x896xf32, #tpu.memory_space<vmem>> -> memref<1x16x2x896xf32, #tpu.memory_space<vmem>>
      %dma_wait3A_530 = tpu.memref_squeeze %dma_wait3A_529 : memref<1x16x2x896xf32, #tpu.memory_space<vmem>> -> memref<16x2x896xf32, #tpu.memory_space<vmem>>
      %dma_wait3A_531 = arith.constant 0 : i32
      %dma_wait3A_532 = arith.constant 0 : i32
      %dma_wait3A_533 = arith.constant 0 : i32
      %dma_wait3A_534 = tpu.memref_slice %arg2[%dma_wait3A_531, %dma_wait3A_532, %dma_wait3A_533] : memref<21504x2x896xf32, #tpu.memory_space<hbm>> -> memref<16x2x896xf32, #tpu.memory_space<hbm>>
      %dma_wait3A_535 = arith.constant 0 : i32
      %dma_wait3A_536 = arith.constant 0 : i32
      %dma_wait3A_537 = arith.constant 0 : i32
      %dma_wait3A_538 = tpu.memref_slice %arg7[%dma_wait3A_525, %dma_wait3A_535, %dma_wait3A_536, %dma_wait3A_537] : memref<3x16x2x896xf32, #tpu.memory_space<vmem>> -> memref<1x16x2x896xf32, #tpu.memory_space<vmem>>
      %dma_wait3A_539 = tpu.memref_squeeze %dma_wait3A_538 : memref<1x16x2x896xf32, #tpu.memory_space<vmem>> -> memref<16x2x896xf32, #tpu.memory_space<vmem>>
      %dma_wait3A_540 = arith.constant 0 : i32
      %dma_wait3A_541 = arith.constant 0 : i32
      %dma_wait3A_542 = arith.constant 0 : i32
      %dma_wait3A_543 = tpu.memref_slice %arg2[%dma_wait3A_540, %dma_wait3A_541, %dma_wait3A_542] : memref<21504x2x896xf32, #tpu.memory_space<hbm>> -> memref<16x2x896xf32, #tpu.memory_space<hbm>>
      tpu.wait_dma2 semaphore(%arg10 : memref<!tpu.dma_semaphore, #tpu.memory_space<semaphore_mem>>) src(%dma_wait3A_543 : memref<16x2x896xf32, #tpu.memory_space<hbm>>) dst(%dma_wait3A_539 : memref<16x2x896xf32, #tpu.memory_space<vmem>>)
      %ge3A_544 = arith.constant 3 : i32
      %ge3A_545 = arith.cmpi sge, %add3A_517, %ge3A_544 : i32
      %convert_element_type3A_546 = arith.extui %ge3A_545 : i1 to i32
      %cond3A_547 = arith.constant 0 : i32
      %cond3A_548 = arith.cmpi ne, %convert_element_type3A_546, %cond3A_547 : i32
      scf.if %cond3A_548 {
        %dma_wait3A_973 = arith.constant 1 : i32
        %dma_wait3A_974 = arith.constant 0 : i32
        %dma_wait3A_975 = arith.constant 0 : i32
        %dma_wait3A_976 = arith.constant 0 : i32
        %dma_wait3A_977 = tpu.memref_slice %arg8[%dma_wait3A_973, %dma_wait3A_974, %dma_wait3A_975, %dma_wait3A_976] : memref<3x4x2x896xf32, #tpu.memory_space<vmem>> -> memref<1x4x2x896xf32, #tpu.memory_space<vmem>>
        %dma_wait3A_978 = tpu.memref_squeeze %dma_wait3A_977 : memref<1x4x2x896xf32, #tpu.memory_space<vmem>> -> memref<4x2x896xf32, #tpu.memory_space<vmem>>
        %dma_wait3A_979 = arith.constant 0 : i32
        %dma_wait3A_980 = arith.constant 0 : i32
        %dma_wait3A_981 = arith.constant 0 : i32
        %dma_wait3A_982 = tpu.memref_slice %arg4[%dma_wait3A_979, %dma_wait3A_980, %dma_wait3A_981] : memref<5376x2x896xf32, #tpu.memory_space<hbm>> -> memref<4x2x896xf32, #tpu.memory_space<hbm>>
        %dma_wait3A_983 = arith.constant 0 : i32
        %dma_wait3A_984 = arith.constant 0 : i32
        %dma_wait3A_985 = arith.constant 0 : i32
        %dma_wait3A_986 = tpu.memref_slice %arg4[%dma_wait3A_983, %dma_wait3A_984, %dma_wait3A_985] : memref<5376x2x896xf32, #tpu.memory_space<hbm>> -> memref<4x2x896xf32, #tpu.memory_space<hbm>>
        %dma_wait3A_987 = arith.constant 0 : i32
        %dma_wait3A_988 = arith.constant 0 : i32
        %dma_wait3A_989 = arith.constant 0 : i32
        %dma_wait3A_990 = tpu.memref_slice %arg8[%dma_wait3A_973, %dma_wait3A_987, %dma_wait3A_988, %dma_wait3A_989] : memref<3x4x2x896xf32, #tpu.memory_space<vmem>> -> memref<1x4x2x896xf32, #tpu.memory_space<vmem>>
        %dma_wait3A_991 = tpu.memref_squeeze %dma_wait3A_990 : memref<1x4x2x896xf32, #tpu.memory_space<vmem>> -> memref<4x2x896xf32, #tpu.memory_space<vmem>>
        tpu.wait_dma2 semaphore(%arg13 : memref<!tpu.dma_semaphore, #tpu.memory_space<semaphore_mem>>) src(%dma_wait3A_991 : memref<4x2x896xf32, #tpu.memory_space<vmem>>) dst(%dma_wait3A_986 : memref<4x2x896xf32, #tpu.memory_space<hbm>>)
      } else {
      }
      %add3A_549 = arith.addi %mul3A_2, %add3A_517 : i32
      %jit3A_550 = arith.constant 28 : i32
      %div3A_551 = arith.divsi %add3A_549, %jit3A_550 : i32
      %sign3A_552 = arith.constant 0 : i32
      %sign3A_553 = arith.cmpi sgt, %add3A_549, %sign3A_552 : i32
      %sign3A_554 = arith.extui %sign3A_553 : i1 to i32
      %sign3A_555 = arith.constant 0 : i32
      %sign3A_556 = arith.cmpi slt, %add3A_549, %sign3A_555 : i32
      %sign3A_557 = arith.extui %sign3A_556 : i1 to i32
      %sign3A_558 = arith.subi %sign3A_554, %sign3A_557 : i32
      %sign3A_559 = arith.constant 0 : i32
      %sign3A_560 = arith.cmpi sgt, %jit3A_550, %sign3A_559 : i32
      %sign3A_561 = arith.extui %sign3A_560 : i1 to i32
      %sign3A_562 = arith.constant 0 : i32
      %sign3A_563 = arith.cmpi slt, %jit3A_550, %sign3A_562 : i32
      %sign3A_564 = arith.extui %sign3A_563 : i1 to i32
      %sign3A_565 = arith.subi %sign3A_561, %sign3A_564 : i32
      %ne3A_566 = arith.cmpi ne, %sign3A_558, %sign3A_565 : i32
      %rem3A_567 = arith.remsi %add3A_549, %jit3A_550 : i32
      %ne3A_568 = arith.constant 0 : i32
      %ne3A_569 = arith.cmpi ne, %rem3A_567, %ne3A_568 : i32
      %and3A_570 = arith.andi %ne3A_566, %ne3A_569 : i1
      %sub3A_571 = arith.constant 1 : i32
      %sub3A_572 = arith.subi %div3A_551, %sub3A_571 : i32
      %select_n3A_573 = arith.select %and3A_570, %sub3A_572, %div3A_551 : i32
      %jit3A_574 = arith.constant 28 : i32
      %eq3A_575 = arith.constant 0 : i32
      %eq3A_576 = arith.cmpi eq, %jit3A_574, %eq3A_575 : i32
      %jit3A_577 = arith.constant 1 : i32
      %select_n3A_578 = arith.select %eq3A_576, %jit3A_577, %jit3A_574 : i32
      %rem3A_579 = arith.remsi %add3A_549, %select_n3A_578 : i32
      %ne3A_580 = arith.constant 0 : i32
      %ne3A_581 = arith.cmpi ne, %rem3A_579, %ne3A_580 : i32
      %lt3A_582 = arith.constant 0 : i32
      %lt3A_583 = arith.cmpi slt, %rem3A_579, %lt3A_582 : i32
      %lt3A_584 = arith.constant 0 : i32
      %lt3A_585 = arith.cmpi slt, %select_n3A_578, %lt3A_584 : i32
      %ne3A_586 = arith.xori %lt3A_583, %lt3A_585 : i1
      %and3A_587 = arith.andi %ne3A_586, %ne3A_581 : i1
      %add3A_588 = arith.addi %rem3A_579, %select_n3A_578 : i32
      %select_n3A_589 = arith.select %and3A_587, %add3A_588, %rem3A_579 : i32
      %jit3A_590 = arith.constant 12 : i32
      %div3A_591 = arith.divsi %select_n3A_573, %jit3A_590 : i32
      %sign3A_592 = arith.constant 0 : i32
      %sign3A_593 = arith.cmpi sgt, %select_n3A_573, %sign3A_592 : i32
      %sign3A_594 = arith.extui %sign3A_593 : i1 to i32
      %sign3A_595 = arith.constant 0 : i32
      %sign3A_596 = arith.cmpi slt, %select_n3A_573, %sign3A_595 : i32
      %sign3A_597 = arith.extui %sign3A_596 : i1 to i32
      %sign3A_598 = arith.subi %sign3A_594, %sign3A_597 : i32
      %sign3A_599 = arith.constant 0 : i32
      %sign3A_600 = arith.cmpi sgt, %jit3A_590, %sign3A_599 : i32
      %sign3A_601 = arith.extui %sign3A_600 : i1 to i32
      %sign3A_602 = arith.constant 0 : i32
      %sign3A_603 = arith.cmpi slt, %jit3A_590, %sign3A_602 : i32
      %sign3A_604 = arith.extui %sign3A_603 : i1 to i32
      %sign3A_605 = arith.subi %sign3A_601, %sign3A_604 : i32
      %ne3A_606 = arith.cmpi ne, %sign3A_598, %sign3A_605 : i32
      %rem3A_607 = arith.remsi %select_n3A_573, %jit3A_590 : i32
      %ne3A_608 = arith.constant 0 : i32
      %ne3A_609 = arith.cmpi ne, %rem3A_607, %ne3A_608 : i32
      %and3A_610 = arith.andi %ne3A_606, %ne3A_609 : i1
      %sub3A_611 = arith.constant 1 : i32
      %sub3A_612 = arith.subi %div3A_591, %sub3A_611 : i32
      %select_n3A_613 = arith.select %and3A_610, %sub3A_612, %div3A_591 : i32
      %jit3A_614 = arith.constant 12 : i32
      %eq3A_615 = arith.constant 0 : i32
      %eq3A_616 = arith.cmpi eq, %jit3A_614, %eq3A_615 : i32
      %jit3A_617 = arith.constant 1 : i32
      %select_n3A_618 = arith.select %eq3A_616, %jit3A_617, %jit3A_614 : i32
      %rem3A_619 = arith.remsi %select_n3A_573, %select_n3A_618 : i32
      %ne3A_620 = arith.constant 0 : i32
      %ne3A_621 = arith.cmpi ne, %rem3A_619, %ne3A_620 : i32
      %lt3A_622 = arith.constant 0 : i32
      %lt3A_623 = arith.cmpi slt, %rem3A_619, %lt3A_622 : i32
      %lt3A_624 = arith.constant 0 : i32
      %lt3A_625 = arith.cmpi slt, %select_n3A_618, %lt3A_624 : i32
      %ne3A_626 = arith.xori %lt3A_623, %lt3A_625 : i1
      %and3A_627 = arith.andi %ne3A_626, %ne3A_621 : i1
      %add3A_628 = arith.addi %rem3A_619, %select_n3A_618 : i32
      %select_n3A_629 = arith.select %and3A_627, %add3A_628, %rem3A_619 : i32
      %mul3A_630 = arith.constant 4 : i32
      %mul3A_631 = arith.muli %select_n3A_629, %mul3A_630 : i32
      %scan3A_632 = arith.constant 0 : i32
      %scan3A_633 = arith.constant 0 : i32
      %scan3A_634 = arith.constant 56 : i32
      %scan3A_635 = arith.addi %scan3A_633, %scan3A_634 : i32
      %scan3A_636 = arith.constant 1 : i32
      %scan3A_637 = scf.for %scan3A_973 = %scan3A_633 to %scan3A_635 step %scan3A_636 iter_args(%scan3A_974 = %scan3A_632) -> (i32)  : i32 {
        %mul3A_975 = arith.constant 16 : i32
        %mul3A_976 = arith.muli %scan3A_973, %mul3A_975 : i32
        %get3A_977 = arith.constant 1 : i32
        %get3A_978 = arith.constant 0 : i32
        %get3A_979 = arith.constant 0 : i32
        %get3A_980 = arith.index_cast %get3A_977 : i32 to index
        %get3A_981 = arith.index_cast %get3A_978 : i32 to index
        %get3A_982 = arith.index_cast %get3A_979 : i32 to index
        %get3A_983 = arith.index_cast %mul3A_976 : i32 to index
        %get3A_984 = tpu.vector_load %arg7[%get3A_980, %get3A_981, %get3A_982, %get3A_983] {strides = array<i32>} : memref<3x16x2x896xf32, #tpu.memory_space<vmem>>, vector<1x1x1x16xf32>,
        %get3A_985 = vector.shape_cast %get3A_984 : vector<1x1x1x16xf32> to vector<16xf32>
        %get3A_986 = arith.constant 1 : i32
        %get3A_987 = arith.constant 1 : i32
        %get3A_988 = arith.constant 0 : i32
        %get3A_989 = arith.index_cast %get3A_986 : i32 to index
        %get3A_990 = arith.index_cast %get3A_987 : i32 to index
        %get3A_991 = arith.index_cast %get3A_988 : i32 to index
        %get3A_992 = arith.index_cast %mul3A_976 : i32 to index
        %get3A_993 = tpu.vector_load %arg7[%get3A_989, %get3A_990, %get3A_991, %get3A_992] {strides = array<i32>} : memref<3x16x2x896xf32, #tpu.memory_space<vmem>>, vector<1x1x1x16xf32>,
        %get3A_994 = vector.shape_cast %get3A_993 : vector<1x1x1x16xf32> to vector<16xf32>
        %max3A = arith.maximumf %get3A_985, %get3A_994 : vector<16xf32>
        %get3A_995 = arith.constant 1 : i32
        %get3A_996 = arith.constant 2 : i32
        %get3A_997 = arith.constant 0 : i32
        %get3A_998 = arith.index_cast %get3A_995 : i32 to index
        %get3A_999 = arith.index_cast %get3A_996 : i32 to index
        %get3A_1000 = arith.index_cast %get3A_997 : i32 to index
        %get3A_1001 = arith.index_cast %mul3A_976 : i32 to index
        %get3A_1002 = tpu.vector_load %arg7[%get3A_998, %get3A_999, %get3A_1000, %get3A_1001] {strides = array<i32>} : memref<3x16x2x896xf32, #tpu.memory_space<vmem>>, vector<1x1x1x16xf32>,
        %get3A_1003 = vector.shape_cast %get3A_1002 : vector<1x1x1x16xf32> to vector<16xf32>
        %get3A_1004 = arith.constant 1 : i32
        %get3A_1005 = arith.constant 3 : i32
        %get3A_1006 = arith.constant 0 : i32
        %get3A_1007 = arith.index_cast %get3A_1004 : i32 to index
        %get3A_1008 = arith.index_cast %get3A_1005 : i32 to index
        %get3A_1009 = arith.index_cast %get3A_1006 : i32 to index
        %get3A_1010 = arith.index_cast %mul3A_976 : i32 to index
        %get3A_1011 = tpu.vector_load %arg7[%get3A_1007, %get3A_1008, %get3A_1009, %get3A_1010] {strides = array<i32>} : memref<3x16x2x896xf32, #tpu.memory_space<vmem>>, vector<1x1x1x16xf32>,
        %get3A_1012 = vector.shape_cast %get3A_1011 : vector<1x1x1x16xf32> to vector<16xf32>
        %max3A_1013 = arith.maximumf %get3A_1003, %get3A_1012 : vector<16xf32>
        %max3A_1014 = arith.maximumf %max3A, %max3A_1013 : vector<16xf32>
        %swap3A_1015 = arith.constant 1 : i32
        %swap3A_1016 = arith.constant 0 : i32
        %swap3A_1017 = arith.constant 0 : i32
        %swap3A_1018 = arith.index_cast %swap3A_1015 : i32 to index
        %swap3A_1019 = arith.index_cast %swap3A_1016 : i32 to index
        %swap3A_1020 = arith.index_cast %swap3A_1017 : i32 to index
        %swap3A_1021 = arith.index_cast %mul3A_976 : i32 to index
        %swap3A_1022 = tpu.vector_load %arg8[%swap3A_1018, %swap3A_1019, %swap3A_1020, %swap3A_1021] {strides = array<i32>} : memref<3x4x2x896xf32, #tpu.memory_space<vmem>>, vector<1x1x1x16xf32>,
        %swap3A_1023 = vector.shape_cast %swap3A_1022 : vector<1x1x1x16xf32> to vector<16xf32>
        %swap3A_1024 = vector.shape_cast %max3A_1014 : vector<16xf32> to vector<1x1x1x16xf32>
        tpu.vector_store %arg8[%swap3A_1018, %swap3A_1019, %swap3A_1020, %swap3A_1021], %swap3A_1024 {strides = array<i32>} : memref<3x4x2x896xf32, #tpu.memory_space<vmem>>, vector<1x1x1x16xf32>,
        %get3A_1025 = arith.constant 1 : i32
        %get3A_1026 = arith.constant 0 : i32
        %get3A_1027 = arith.constant 1 : i32
        %get3A_1028 = arith.index_cast %get3A_1025 : i32 to index
        %get3A_1029 = arith.index_cast %get3A_1026 : i32 to index
        %get3A_1030 = arith.index_cast %get3A_1027 : i32 to index
        %get3A_1031 = arith.index_cast %mul3A_976 : i32 to index
        %get3A_1032 = tpu.vector_load %arg7[%get3A_1028, %get3A_1029, %get3A_1030, %get3A_1031] {strides = array<i32>} : memref<3x16x2x896xf32, #tpu.memory_space<vmem>>, vector<1x1x1x16xf32>,
        %get3A_1033 = vector.shape_cast %get3A_1032 : vector<1x1x1x16xf32> to vector<16xf32>
        %get3A_1034 = arith.constant 1 : i32
        %get3A_1035 = arith.constant 1 : i32
        %get3A_1036 = arith.constant 1 : i32
        %get3A_1037 = arith.index_cast %get3A_1034 : i32 to index
        %get3A_1038 = arith.index_cast %get3A_1035 : i32 to index
        %get3A_1039 = arith.index_cast %get3A_1036 : i32 to index
        %get3A_1040 = arith.index_cast %mul3A_976 : i32 to index
        %get3A_1041 = tpu.vector_load %arg7[%get3A_1037, %get3A_1038, %get3A_1039, %get3A_1040] {strides = array<i32>} : memref<3x16x2x896xf32, #tpu.memory_space<vmem>>, vector<1x1x1x16xf32>,
        %get3A_1042 = vector.shape_cast %get3A_1041 : vector<1x1x1x16xf32> to vector<16xf32>
        %max3A_1043 = arith.maximumf %get3A_1033, %get3A_1042 : vector<16xf32>
        %get3A_1044 = arith.constant 1 : i32
        %get3A_1045 = arith.constant 2 : i32
        %get3A_1046 = arith.constant 1 : i32
        %get3A_1047 = arith.index_cast %get3A_1044 : i32 to index
        %get3A_1048 = arith.index_cast %get3A_1045 : i32 to index
        %get3A_1049 = arith.index_cast %get3A_1046 : i32 to index
        %get3A_1050 = arith.index_cast %mul3A_976 : i32 to index
        %get3A_1051 = tpu.vector_load %arg7[%get3A_1047, %get3A_1048, %get3A_1049, %get3A_1050] {strides = array<i32>} : memref<3x16x2x896xf32, #tpu.memory_space<vmem>>, vector<1x1x1x16xf32>,
        %get3A_1052 = vector.shape_cast %get3A_1051 : vector<1x1x1x16xf32> to vector<16xf32>
        %get3A_1053 = arith.constant 1 : i32
        %get3A_1054 = arith.constant 3 : i32
        %get3A_1055 = arith.constant 1 : i32
        %get3A_1056 = arith.index_cast %get3A_1053 : i32 to index
        %get3A_1057 = arith.index_cast %get3A_1054 : i32 to index
        %get3A_1058 = arith.index_cast %get3A_1055 : i32 to index
        %get3A_1059 = arith.index_cast %mul3A_976 : i32 to index
        %get3A_1060 = tpu.vector_load %arg7[%get3A_1056, %get3A_1057, %get3A_1058, %get3A_1059] {strides = array<i32>} : memref<3x16x2x896xf32, #tpu.memory_space<vmem>>, vector<1x1x1x16xf32>,
        %get3A_1061 = vector.shape_cast %get3A_1060 : vector<1x1x1x16xf32> to vector<16xf32>
        %max3A_1062 = arith.maximumf %get3A_1052, %get3A_1061 : vector<16xf32>
        %max3A_1063 = arith.maximumf %max3A_1043, %max3A_1062 : vector<16xf32>
        %swap3A_1064 = arith.constant 1 : i32
        %swap3A_1065 = arith.constant 0 : i32
        %swap3A_1066 = arith.constant 1 : i32
        %swap3A_1067 = arith.index_cast %swap3A_1064 : i32 to index
        %swap3A_1068 = arith.index_cast %swap3A_1065 : i32 to index
        %swap3A_1069 = arith.index_cast %swap3A_1066 : i32 to index
        %swap3A_1070 = arith.index_cast %mul3A_976 : i32 to index
        %swap3A_1071 = tpu.vector_load %arg8[%swap3A_1067, %swap3A_1068, %swap3A_1069, %swap3A_1070] {strides = array<i32>} : memref<3x4x2x896xf32, #tpu.memory_space<vmem>>, vector<1x1x1x16xf32>,
        %swap3A_1072 = vector.shape_cast %swap3A_1071 : vector<1x1x1x16xf32> to vector<16xf32>
        %swap3A_1073 = vector.shape_cast %max3A_1063 : vector<16xf32> to vector<1x1x1x16xf32>
        tpu.vector_store %arg8[%swap3A_1067, %swap3A_1068, %swap3A_1069, %swap3A_1070], %swap3A_1073 {strides = array<i32>} : memref<3x4x2x896xf32, #tpu.memory_space<vmem>>, vector<1x1x1x16xf32>,
        %get3A_1074 = arith.constant 1 : i32
        %get3A_1075 = arith.constant 4 : i32
        %get3A_1076 = arith.constant 0 : i32
        %get3A_1077 = arith.index_cast %get3A_1074 : i32 to index
        %get3A_1078 = arith.index_cast %get3A_1075 : i32 to index
        %get3A_1079 = arith.index_cast %get3A_1076 : i32 to index
        %get3A_1080 = arith.index_cast %mul3A_976 : i32 to index
        %get3A_1081 = tpu.vector_load %arg7[%get3A_1077, %get3A_1078, %get3A_1079, %get3A_1080] {strides = array<i32>} : memref<3x16x2x896xf32, #tpu.memory_space<vmem>>, vector<1x1x1x16xf32>,
        %get3A_1082 = vector.shape_cast %get3A_1081 : vector<1x1x1x16xf32> to vector<16xf32>
        %get3A_1083 = arith.constant 1 : i32
        %get3A_1084 = arith.constant 5 : i32
        %get3A_1085 = arith.constant 0 : i32
        %get3A_1086 = arith.index_cast %get3A_1083 : i32 to index
        %get3A_1087 = arith.index_cast %get3A_1084 : i32 to index
        %get3A_1088 = arith.index_cast %get3A_1085 : i32 to index
        %get3A_1089 = arith.index_cast %mul3A_976 : i32 to index
        %get3A_1090 = tpu.vector_load %arg7[%get3A_1086, %get3A_1087, %get3A_1088, %get3A_1089] {strides = array<i32>} : memref<3x16x2x896xf32, #tpu.memory_space<vmem>>, vector<1x1x1x16xf32>,
        %get3A_1091 = vector.shape_cast %get3A_1090 : vector<1x1x1x16xf32> to vector<16xf32>
        %max3A_1092 = arith.maximumf %get3A_1082, %get3A_1091 : vector<16xf32>
        %get3A_1093 = arith.constant 1 : i32
        %get3A_1094 = arith.constant 6 : i32
        %get3A_1095 = arith.constant 0 : i32
        %get3A_1096 = arith.index_cast %get3A_1093 : i32 to index
        %get3A_1097 = arith.index_cast %get3A_1094 : i32 to index
        %get3A_1098 = arith.index_cast %get3A_1095 : i32 to index
        %get3A_1099 = arith.index_cast %mul3A_976 : i32 to index
        %get3A_1100 = tpu.vector_load %arg7[%get3A_1096, %get3A_1097, %get3A_1098, %get3A_1099] {strides = array<i32>} : memref<3x16x2x896xf32, #tpu.memory_space<vmem>>, vector<1x1x1x16xf32>,
        %get3A_1101 = vector.shape_cast %get3A_1100 : vector<1x1x1x16xf32> to vector<16xf32>
        %get3A_1102 = arith.constant 1 : i32
        %get3A_1103 = arith.constant 7 : i32
        %get3A_1104 = arith.constant 0 : i32
        %get3A_1105 = arith.index_cast %get3A_1102 : i32 to index
        %get3A_1106 = arith.index_cast %get3A_1103 : i32 to index
        %get3A_1107 = arith.index_cast %get3A_1104 : i32 to index
        %get3A_1108 = arith.index_cast %mul3A_976 : i32 to index
        %get3A_1109 = tpu.vector_load %arg7[%get3A_1105, %get3A_1106, %get3A_1107, %get3A_1108] {strides = array<i32>} : memref<3x16x2x896xf32, #tpu.memory_space<vmem>>, vector<1x1x1x16xf32>,
        %get3A_1110 = vector.shape_cast %get3A_1109 : vector<1x1x1x16xf32> to vector<16xf32>
        %max3A_1111 = arith.maximumf %get3A_1101, %get3A_1110 : vector<16xf32>
        %max3A_1112 = arith.maximumf %max3A_1092, %max3A_1111 : vector<16xf32>
        %swap3A_1113 = arith.constant 1 : i32
        %swap3A_1114 = arith.constant 1 : i32
        %swap3A_1115 = arith.constant 0 : i32
        %swap3A_1116 = arith.index_cast %swap3A_1113 : i32 to index
        %swap3A_1117 = arith.index_cast %swap3A_1114 : i32 to index
        %swap3A_1118 = arith.index_cast %swap3A_1115 : i32 to index
        %swap3A_1119 = arith.index_cast %mul3A_976 : i32 to index
        %swap3A_1120 = tpu.vector_load %arg8[%swap3A_1116, %swap3A_1117, %swap3A_1118, %swap3A_1119] {strides = array<i32>} : memref<3x4x2x896xf32, #tpu.memory_space<vmem>>, vector<1x1x1x16xf32>,
        %swap3A_1121 = vector.shape_cast %swap3A_1120 : vector<1x1x1x16xf32> to vector<16xf32>
        %swap3A_1122 = vector.shape_cast %max3A_1112 : vector<16xf32> to vector<1x1x1x16xf32>
        tpu.vector_store %arg8[%swap3A_1116, %swap3A_1117, %swap3A_1118, %swap3A_1119], %swap3A_1122 {strides = array<i32>} : memref<3x4x2x896xf32, #tpu.memory_space<vmem>>, vector<1x1x1x16xf32>,
        %get3A_1123 = arith.constant 1 : i32
        %get3A_1124 = arith.constant 4 : i32
        %get3A_1125 = arith.constant 1 : i32
        %get3A_1126 = arith.index_cast %get3A_1123 : i32 to index
        %get3A_1127 = arith.index_cast %get3A_1124 : i32 to index
        %get3A_1128 = arith.index_cast %get3A_1125 : i32 to index
        %get3A_1129 = arith.index_cast %mul3A_976 : i32 to index
        %get3A_1130 = tpu.vector_load %arg7[%get3A_1126, %get3A_1127, %get3A_1128, %get3A_1129] {strides = array<i32>} : memref<3x16x2x896xf32, #tpu.memory_space<vmem>>, vector<1x1x1x16xf32>,
        %get3A_1131 = vector.shape_cast %get3A_1130 : vector<1x1x1x16xf32> to vector<16xf32>
        %get3A_1132 = arith.constant 1 : i32
        %get3A_1133 = arith.constant 5 : i32
        %get3A_1134 = arith.constant 1 : i32
        %get3A_1135 = arith.index_cast %get3A_1132 : i32 to index
        %get3A_1136 = arith.index_cast %get3A_1133 : i32 to index
        %get3A_1137 = arith.index_cast %get3A_1134 : i32 to index
        %get3A_1138 = arith.index_cast %mul3A_976 : i32 to index
        %get3A_1139 = tpu.vector_load %arg7[%get3A_1135, %get3A_1136, %get3A_1137, %get3A_1138] {strides = array<i32>} : memref<3x16x2x896xf32, #tpu.memory_space<vmem>>, vector<1x1x1x16xf32>,
        %get3A_1140 = vector.shape_cast %get3A_1139 : vector<1x1x1x16xf32> to vector<16xf32>
        %max3A_1141 = arith.maximumf %get3A_1131, %get3A_1140 : vector<16xf32>
        %get3A_1142 = arith.constant 1 : i32
        %get3A_1143 = arith.constant 6 : i32
        %get3A_1144 = arith.constant 1 : i32
        %get3A_1145 = arith.index_cast %get3A_1142 : i32 to index
        %get3A_1146 = arith.index_cast %get3A_1143 : i32 to index
        %get3A_1147 = arith.index_cast %get3A_1144 : i32 to index
        %get3A_1148 = arith.index_cast %mul3A_976 : i32 to index
        %get3A_1149 = tpu.vector_load %arg7[%get3A_1145, %get3A_1146, %get3A_1147, %get3A_1148] {strides = array<i32>} : memref<3x16x2x896xf32, #tpu.memory_space<vmem>>, vector<1x1x1x16xf32>,
        %get3A_1150 = vector.shape_cast %get3A_1149 : vector<1x1x1x16xf32> to vector<16xf32>
        %get3A_1151 = arith.constant 1 : i32
        %get3A_1152 = arith.constant 7 : i32
        %get3A_1153 = arith.constant 1 : i32
        %get3A_1154 = arith.index_cast %get3A_1151 : i32 to index
        %get3A_1155 = arith.index_cast %get3A_1152 : i32 to index
        %get3A_1156 = arith.index_cast %get3A_1153 : i32 to index
        %get3A_1157 = arith.index_cast %mul3A_976 : i32 to index
        %get3A_1158 = tpu.vector_load %arg7[%get3A_1154, %get3A_1155, %get3A_1156, %get3A_1157] {strides = array<i32>} : memref<3x16x2x896xf32, #tpu.memory_space<vmem>>, vector<1x1x1x16xf32>,
        %get3A_1159 = vector.shape_cast %get3A_1158 : vector<1x1x1x16xf32> to vector<16xf32>
        %max3A_1160 = arith.maximumf %get3A_1150, %get3A_1159 : vector<16xf32>
        %max3A_1161 = arith.maximumf %max3A_1141, %max3A_1160 : vector<16xf32>
        %swap3A_1162 = arith.constant 1 : i32
        %swap3A_1163 = arith.constant 1 : i32
        %swap3A_1164 = arith.constant 1 : i32
        %swap3A_1165 = arith.index_cast %swap3A_1162 : i32 to index
        %swap3A_1166 = arith.index_cast %swap3A_1163 : i32 to index
        %swap3A_1167 = arith.index_cast %swap3A_1164 : i32 to index
        %swap3A_1168 = arith.index_cast %mul3A_976 : i32 to index
        %swap3A_1169 = tpu.vector_load %arg8[%swap3A_1165, %swap3A_1166, %swap3A_1167, %swap3A_1168] {strides = array<i32>} : memref<3x4x2x896xf32, #tpu.memory_space<vmem>>, vector<1x1x1x16xf32>,
        %swap3A_1170 = vector.shape_cast %swap3A_1169 : vector<1x1x1x16xf32> to vector<16xf32>
        %swap3A_1171 = vector.shape_cast %max3A_1161 : vector<16xf32> to vector<1x1x1x16xf32>
        tpu.vector_store %arg8[%swap3A_1165, %swap3A_1166, %swap3A_1167, %swap3A_1168], %swap3A_1171 {strides = array<i32>} : memref<3x4x2x896xf32, #tpu.memory_space<vmem>>, vector<1x1x1x16xf32>,
        %get3A_1172 = arith.constant 1 : i32
        %get3A_1173 = arith.constant 8 : i32
        %get3A_1174 = arith.constant 0 : i32
        %get3A_1175 = arith.index_cast %get3A_1172 : i32 to index
        %get3A_1176 = arith.index_cast %get3A_1173 : i32 to index
        %get3A_1177 = arith.index_cast %get3A_1174 : i32 to index
        %get3A_1178 = arith.index_cast %mul3A_976 : i32 to index
        %get3A_1179 = tpu.vector_load %arg7[%get3A_1175, %get3A_1176, %get3A_1177, %get3A_1178] {strides = array<i32>} : memref<3x16x2x896xf32, #tpu.memory_space<vmem>>, vector<1x1x1x16xf32>,
        %get3A_1180 = vector.shape_cast %get3A_1179 : vector<1x1x1x16xf32> to vector<16xf32>
        %get3A_1181 = arith.constant 1 : i32
        %get3A_1182 = arith.constant 9 : i32
        %get3A_1183 = arith.constant 0 : i32
        %get3A_1184 = arith.index_cast %get3A_1181 : i32 to index
        %get3A_1185 = arith.index_cast %get3A_1182 : i32 to index
        %get3A_1186 = arith.index_cast %get3A_1183 : i32 to index
        %get3A_1187 = arith.index_cast %mul3A_976 : i32 to index
        %get3A_1188 = tpu.vector_load %arg7[%get3A_1184, %get3A_1185, %get3A_1186, %get3A_1187] {strides = array<i32>} : memref<3x16x2x896xf32, #tpu.memory_space<vmem>>, vector<1x1x1x16xf32>,
        %get3A_1189 = vector.shape_cast %get3A_1188 : vector<1x1x1x16xf32> to vector<16xf32>
        %max3A_1190 = arith.maximumf %get3A_1180, %get3A_1189 : vector<16xf32>
        %get3A_1191 = arith.constant 1 : i32
        %get3A_1192 = arith.constant 10 : i32
        %get3A_1193 = arith.constant 0 : i32
        %get3A_1194 = arith.index_cast %get3A_1191 : i32 to index
        %get3A_1195 = arith.index_cast %get3A_1192 : i32 to index
        %get3A_1196 = arith.index_cast %get3A_1193 : i32 to index
        %get3A_1197 = arith.index_cast %mul3A_976 : i32 to index
        %get3A_1198 = tpu.vector_load %arg7[%get3A_1194, %get3A_1195, %get3A_1196, %get3A_1197] {strides = array<i32>} : memref<3x16x2x896xf32, #tpu.memory_space<vmem>>, vector<1x1x1x16xf32>,
        %get3A_1199 = vector.shape_cast %get3A_1198 : vector<1x1x1x16xf32> to vector<16xf32>
        %get3A_1200 = arith.constant 1 : i32
        %get3A_1201 = arith.constant 11 : i32
        %get3A_1202 = arith.constant 0 : i32
        %get3A_1203 = arith.index_cast %get3A_1200 : i32 to index
        %get3A_1204 = arith.index_cast %get3A_1201 : i32 to index
        %get3A_1205 = arith.index_cast %get3A_1202 : i32 to index
        %get3A_1206 = arith.index_cast %mul3A_976 : i32 to index
        %get3A_1207 = tpu.vector_load %arg7[%get3A_1203, %get3A_1204, %get3A_1205, %get3A_1206] {strides = array<i32>} : memref<3x16x2x896xf32, #tpu.memory_space<vmem>>, vector<1x1x1x16xf32>,
        %get3A_1208 = vector.shape_cast %get3A_1207 : vector<1x1x1x16xf32> to vector<16xf32>
        %max3A_1209 = arith.maximumf %get3A_1199, %get3A_1208 : vector<16xf32>
        %max3A_1210 = arith.maximumf %max3A_1190, %max3A_1209 : vector<16xf32>
        %swap3A_1211 = arith.constant 1 : i32
        %swap3A_1212 = arith.constant 2 : i32
        %swap3A_1213 = arith.constant 0 : i32
        %swap3A_1214 = arith.index_cast %swap3A_1211 : i32 to index
        %swap3A_1215 = arith.index_cast %swap3A_1212 : i32 to index
        %swap3A_1216 = arith.index_cast %swap3A_1213 : i32 to index
        %swap3A_1217 = arith.index_cast %mul3A_976 : i32 to index
        %swap3A_1218 = tpu.vector_load %arg8[%swap3A_1214, %swap3A_1215, %swap3A_1216, %swap3A_1217] {strides = array<i32>} : memref<3x4x2x896xf32, #tpu.memory_space<vmem>>, vector<1x1x1x16xf32>,
        %swap3A_1219 = vector.shape_cast %swap3A_1218 : vector<1x1x1x16xf32> to vector<16xf32>
        %swap3A_1220 = vector.shape_cast %max3A_1210 : vector<16xf32> to vector<1x1x1x16xf32>
        tpu.vector_store %arg8[%swap3A_1214, %swap3A_1215, %swap3A_1216, %swap3A_1217], %swap3A_1220 {strides = array<i32>} : memref<3x4x2x896xf32, #tpu.memory_space<vmem>>, vector<1x1x1x16xf32>,
        %get3A_1221 = arith.constant 1 : i32
        %get3A_1222 = arith.constant 8 : i32
        %get3A_1223 = arith.constant 1 : i32
        %get3A_1224 = arith.index_cast %get3A_1221 : i32 to index
        %get3A_1225 = arith.index_cast %get3A_1222 : i32 to index
        %get3A_1226 = arith.index_cast %get3A_1223 : i32 to index
        %get3A_1227 = arith.index_cast %mul3A_976 : i32 to index
        %get3A_1228 = tpu.vector_load %arg7[%get3A_1224, %get3A_1225, %get3A_1226, %get3A_1227] {strides = array<i32>} : memref<3x16x2x896xf32, #tpu.memory_space<vmem>>, vector<1x1x1x16xf32>,
        %get3A_1229 = vector.shape_cast %get3A_1228 : vector<1x1x1x16xf32> to vector<16xf32>
        %get3A_1230 = arith.constant 1 : i32
        %get3A_1231 = arith.constant 9 : i32
        %get3A_1232 = arith.constant 1 : i32
        %get3A_1233 = arith.index_cast %get3A_1230 : i32 to index
        %get3A_1234 = arith.index_cast %get3A_1231 : i32 to index
        %get3A_1235 = arith.index_cast %get3A_1232 : i32 to index
        %get3A_1236 = arith.index_cast %mul3A_976 : i32 to index
        %get3A_1237 = tpu.vector_load %arg7[%get3A_1233, %get3A_1234, %get3A_1235, %get3A_1236] {strides = array<i32>} : memref<3x16x2x896xf32, #tpu.memory_space<vmem>>, vector<1x1x1x16xf32>,
        %get3A_1238 = vector.shape_cast %get3A_1237 : vector<1x1x1x16xf32> to vector<16xf32>
        %max3A_1239 = arith.maximumf %get3A_1229, %get3A_1238 : vector<16xf32>
        %get3A_1240 = arith.constant 1 : i32
        %get3A_1241 = arith.constant 10 : i32
        %get3A_1242 = arith.constant 1 : i32
        %get3A_1243 = arith.index_cast %get3A_1240 : i32 to index
        %get3A_1244 = arith.index_cast %get3A_1241 : i32 to index
        %get3A_1245 = arith.index_cast %get3A_1242 : i32 to index
        %get3A_1246 = arith.index_cast %mul3A_976 : i32 to index
        %get3A_1247 = tpu.vector_load %arg7[%get3A_1243, %get3A_1244, %get3A_1245, %get3A_1246] {strides = array<i32>} : memref<3x16x2x896xf32, #tpu.memory_space<vmem>>, vector<1x1x1x16xf32>,
        %get3A_1248 = vector.shape_cast %get3A_1247 : vector<1x1x1x16xf32> to vector<16xf32>
        %get3A_1249 = arith.constant 1 : i32
        %get3A_1250 = arith.constant 11 : i32
        %get3A_1251 = arith.constant 1 : i32
        %get3A_1252 = arith.index_cast %get3A_1249 : i32 to index
        %get3A_1253 = arith.index_cast %get3A_1250 : i32 to index
        %get3A_1254 = arith.index_cast %get3A_1251 : i32 to index
        %get3A_1255 = arith.index_cast %mul3A_976 : i32 to index
        %get3A_1256 = tpu.vector_load %arg7[%get3A_1252, %get3A_1253, %get3A_1254, %get3A_1255] {strides = array<i32>} : memref<3x16x2x896xf32, #tpu.memory_space<vmem>>, vector<1x1x1x16xf32>,
        %get3A_1257 = vector.shape_cast %get3A_1256 : vector<1x1x1x16xf32> to vector<16xf32>
        %max3A_1258 = arith.maximumf %get3A_1248, %get3A_1257 : vector<16xf32>
        %max3A_1259 = arith.maximumf %max3A_1239, %max3A_1258 : vector<16xf32>
        %swap3A_1260 = arith.constant 1 : i32
        %swap3A_1261 = arith.constant 2 : i32
        %swap3A_1262 = arith.constant 1 : i32
        %swap3A_1263 = arith.index_cast %swap3A_1260 : i32 to index
        %swap3A_1264 = arith.index_cast %swap3A_1261 : i32 to index
        %swap3A_1265 = arith.index_cast %swap3A_1262 : i32 to index
        %swap3A_1266 = arith.index_cast %mul3A_976 : i32 to index
        %swap3A_1267 = tpu.vector_load %arg8[%swap3A_1263, %swap3A_1264, %swap3A_1265, %swap3A_1266] {strides = array<i32>} : memref<3x4x2x896xf32, #tpu.memory_space<vmem>>, vector<1x1x1x16xf32>,
        %swap3A_1268 = vector.shape_cast %swap3A_1267 : vector<1x1x1x16xf32> to vector<16xf32>
        %swap3A_1269 = vector.shape_cast %max3A_1259 : vector<16xf32> to vector<1x1x1x16xf32>
        tpu.vector_store %arg8[%swap3A_1263, %swap3A_1264, %swap3A_1265, %swap3A_1266], %swap3A_1269 {strides = array<i32>} : memref<3x4x2x896xf32, #tpu.memory_space<vmem>>, vector<1x1x1x16xf32>,
        %get3A_1270 = arith.constant 1 : i32
        %get3A_1271 = arith.constant 12 : i32
        %get3A_1272 = arith.constant 0 : i32
        %get3A_1273 = arith.index_cast %get3A_1270 : i32 to index
        %get3A_1274 = arith.index_cast %get3A_1271 : i32 to index
        %get3A_1275 = arith.index_cast %get3A_1272 : i32 to index
        %get3A_1276 = arith.index_cast %mul3A_976 : i32 to index
        %get3A_1277 = tpu.vector_load %arg7[%get3A_1273, %get3A_1274, %get3A_1275, %get3A_1276] {strides = array<i32>} : memref<3x16x2x896xf32, #tpu.memory_space<vmem>>, vector<1x1x1x16xf32>,
        %get3A_1278 = vector.shape_cast %get3A_1277 : vector<1x1x1x16xf32> to vector<16xf32>
        %get3A_1279 = arith.constant 1 : i32
        %get3A_1280 = arith.constant 13 : i32
        %get3A_1281 = arith.constant 0 : i32
        %get3A_1282 = arith.index_cast %get3A_1279 : i32 to index
        %get3A_1283 = arith.index_cast %get3A_1280 : i32 to index
        %get3A_1284 = arith.index_cast %get3A_1281 : i32 to index
        %get3A_1285 = arith.index_cast %mul3A_976 : i32 to index
        %get3A_1286 = tpu.vector_load %arg7[%get3A_1282, %get3A_1283, %get3A_1284, %get3A_1285] {strides = array<i32>} : memref<3x16x2x896xf32, #tpu.memory_space<vmem>>, vector<1x1x1x16xf32>,
        %get3A_1287 = vector.shape_cast %get3A_1286 : vector<1x1x1x16xf32> to vector<16xf32>
        %max3A_1288 = arith.maximumf %get3A_1278, %get3A_1287 : vector<16xf32>
        %get3A_1289 = arith.constant 1 : i32
        %get3A_1290 = arith.constant 14 : i32
        %get3A_1291 = arith.constant 0 : i32
        %get3A_1292 = arith.index_cast %get3A_1289 : i32 to index
        %get3A_1293 = arith.index_cast %get3A_1290 : i32 to index
        %get3A_1294 = arith.index_cast %get3A_1291 : i32 to index
        %get3A_1295 = arith.index_cast %mul3A_976 : i32 to index
        %get3A_1296 = tpu.vector_load %arg7[%get3A_1292, %get3A_1293, %get3A_1294, %get3A_1295] {strides = array<i32>} : memref<3x16x2x896xf32, #tpu.memory_space<vmem>>, vector<1x1x1x16xf32>,
        %get3A_1297 = vector.shape_cast %get3A_1296 : vector<1x1x1x16xf32> to vector<16xf32>
        %get3A_1298 = arith.constant 1 : i32
        %get3A_1299 = arith.constant 15 : i32
        %get3A_1300 = arith.constant 0 : i32
        %get3A_1301 = arith.index_cast %get3A_1298 : i32 to index
        %get3A_1302 = arith.index_cast %get3A_1299 : i32 to index
        %get3A_1303 = arith.index_cast %get3A_1300 : i32 to index
        %get3A_1304 = arith.index_cast %mul3A_976 : i32 to index
        %get3A_1305 = tpu.vector_load %arg7[%get3A_1301, %get3A_1302, %get3A_1303, %get3A_1304] {strides = array<i32>} : memref<3x16x2x896xf32, #tpu.memory_space<vmem>>, vector<1x1x1x16xf32>,
        %get3A_1306 = vector.shape_cast %get3A_1305 : vector<1x1x1x16xf32> to vector<16xf32>
        %max3A_1307 = arith.maximumf %get3A_1297, %get3A_1306 : vector<16xf32>
        %max3A_1308 = arith.maximumf %max3A_1288, %max3A_1307 : vector<16xf32>
        %swap3A_1309 = arith.constant 1 : i32
        %swap3A_1310 = arith.constant 3 : i32
        %swap3A_1311 = arith.constant 0 : i32
        %swap3A_1312 = arith.index_cast %swap3A_1309 : i32 to index
        %swap3A_1313 = arith.index_cast %swap3A_1310 : i32 to index
        %swap3A_1314 = arith.index_cast %swap3A_1311 : i32 to index
        %swap3A_1315 = arith.index_cast %mul3A_976 : i32 to index
        %swap3A_1316 = tpu.vector_load %arg8[%swap3A_1312, %swap3A_1313, %swap3A_1314, %swap3A_1315] {strides = array<i32>} : memref<3x4x2x896xf32, #tpu.memory_space<vmem>>, vector<1x1x1x16xf32>,
        %swap3A_1317 = vector.shape_cast %swap3A_1316 : vector<1x1x1x16xf32> to vector<16xf32>
        %swap3A_1318 = vector.shape_cast %max3A_1308 : vector<16xf32> to vector<1x1x1x16xf32>
        tpu.vector_store %arg8[%swap3A_1312, %swap3A_1313, %swap3A_1314, %swap3A_1315], %swap3A_1318 {strides = array<i32>} : memref<3x4x2x896xf32, #tpu.memory_space<vmem>>, vector<1x1x1x16xf32>,
        %get3A_1319 = arith.constant 1 : i32
        %get3A_1320 = arith.constant 12 : i32
        %get3A_1321 = arith.constant 1 : i32
        %get3A_1322 = arith.index_cast %get3A_1319 : i32 to index
        %get3A_1323 = arith.index_cast %get3A_1320 : i32 to index
        %get3A_1324 = arith.index_cast %get3A_1321 : i32 to index
        %get3A_1325 = arith.index_cast %mul3A_976 : i32 to index
        %get3A_1326 = tpu.vector_load %arg7[%get3A_1322, %get3A_1323, %get3A_1324, %get3A_1325] {strides = array<i32>} : memref<3x16x2x896xf32, #tpu.memory_space<vmem>>, vector<1x1x1x16xf32>,
        %get3A_1327 = vector.shape_cast %get3A_1326 : vector<1x1x1x16xf32> to vector<16xf32>
        %get3A_1328 = arith.constant 1 : i32
        %get3A_1329 = arith.constant 13 : i32
        %get3A_1330 = arith.constant 1 : i32
        %get3A_1331 = arith.index_cast %get3A_1328 : i32 to index
        %get3A_1332 = arith.index_cast %get3A_1329 : i32 to index
        %get3A_1333 = arith.index_cast %get3A_1330 : i32 to index
        %get3A_1334 = arith.index_cast %mul3A_976 : i32 to index
        %get3A_1335 = tpu.vector_load %arg7[%get3A_1331, %get3A_1332, %get3A_1333, %get3A_1334] {strides = array<i32>} : memref<3x16x2x896xf32, #tpu.memory_space<vmem>>, vector<1x1x1x16xf32>,
        %get3A_1336 = vector.shape_cast %get3A_1335 : vector<1x1x1x16xf32> to vector<16xf32>
        %max3A_1337 = arith.maximumf %get3A_1327, %get3A_1336 : vector<16xf32>
        %get3A_1338 = arith.constant 1 : i32
        %get3A_1339 = arith.constant 14 : i32
        %get3A_1340 = arith.constant 1 : i32
        %get3A_1341 = arith.index_cast %get3A_1338 : i32 to index
        %get3A_1342 = arith.index_cast %get3A_1339 : i32 to index
        %get3A_1343 = arith.index_cast %get3A_1340 : i32 to index
        %get3A_1344 = arith.index_cast %mul3A_976 : i32 to index
        %get3A_1345 = tpu.vector_load %arg7[%get3A_1341, %get3A_1342, %get3A_1343, %get3A_1344] {strides = array<i32>} : memref<3x16x2x896xf32, #tpu.memory_space<vmem>>, vector<1x1x1x16xf32>,
        %get3A_1346 = vector.shape_cast %get3A_1345 : vector<1x1x1x16xf32> to vector<16xf32>
        %get3A_1347 = arith.constant 1 : i32
        %get3A_1348 = arith.constant 15 : i32
        %get3A_1349 = arith.constant 1 : i32
        %get3A_1350 = arith.index_cast %get3A_1347 : i32 to index
        %get3A_1351 = arith.index_cast %get3A_1348 : i32 to index
        %get3A_1352 = arith.index_cast %get3A_1349 : i32 to index
        %get3A_1353 = arith.index_cast %mul3A_976 : i32 to index
        %get3A_1354 = tpu.vector_load %arg7[%get3A_1350, %get3A_1351, %get3A_1352, %get3A_1353] {strides = array<i32>} : memref<3x16x2x896xf32, #tpu.memory_space<vmem>>, vector<1x1x1x16xf32>,
        %get3A_1355 = vector.shape_cast %get3A_1354 : vector<1x1x1x16xf32> to vector<16xf32>
        %max3A_1356 = arith.maximumf %get3A_1346, %get3A_1355 : vector<16xf32>
        %max3A_1357 = arith.maximumf %max3A_1337, %max3A_1356 : vector<16xf32>
        %swap3A_1358 = arith.constant 1 : i32
        %swap3A_1359 = arith.constant 3 : i32
        %swap3A_1360 = arith.constant 1 : i32
        %swap3A_1361 = arith.index_cast %swap3A_1358 : i32 to index
        %swap3A_1362 = arith.index_cast %swap3A_1359 : i32 to index
        %swap3A_1363 = arith.index_cast %swap3A_1360 : i32 to index
        %swap3A_1364 = arith.index_cast %mul3A_976 : i32 to index
        %swap3A_1365 = tpu.vector_load %arg8[%swap3A_1361, %swap3A_1362, %swap3A_1363, %swap3A_1364] {strides = array<i32>} : memref<3x4x2x896xf32, #tpu.memory_space<vmem>>, vector<1x1x1x16xf32>,
        %swap3A_1366 = vector.shape_cast %swap3A_1365 : vector<1x1x1x16xf32> to vector<16xf32>
        %swap3A_1367 = vector.shape_cast %max3A_1357 : vector<16xf32> to vector<1x1x1x16xf32>
        tpu.vector_store %arg8[%swap3A_1361, %swap3A_1362, %swap3A_1363, %swap3A_1364], %swap3A_1367 {strides = array<i32>} : memref<3x4x2x896xf32, #tpu.memory_space<vmem>>, vector<1x1x1x16xf32>,
        %scan3A_1368 = arith.constant 0 : i32
        scf.yield %scan3A_1368 : i32
      }
      %scan3A_638 = arith.constant 56 : i32
      %mul3A_639 = arith.constant 48 : i32
      %mul3A_640 = arith.muli %select_n3A_613, %mul3A_639 : i32
      %add3A_641 = arith.addi %mul3A_640, %mul3A_631 : i32
      %add3A_642 = arith.constant 0 : i32
      %add3A_643 = arith.addi %add3A_641, %add3A_642 : i32
      %mul3A_644 = arith.constant 28 : i32
      %mul3A_645 = arith.muli %add3A_643, %mul3A_644 : i32
      %add3A_646 = arith.addi %mul3A_645, %select_n3A_589 : i32
      %dma_start3A_647 = arith.constant 1 : i32
      %dma_start3A_648 = arith.constant 0 : i32
      %dma_start3A_649 = arith.constant 0 : i32
      %dma_start3A_650 = arith.constant 0 : i32
      %dma_start3A_651 = tpu.memref_slice %arg8[%dma_start3A_647, %dma_start3A_648, %dma_start3A_649, %dma_start3A_650] : memref<3x4x2x896xf32, #tpu.memory_space<vmem>> -> memref<1x1x2x896xf32, #tpu.memory_space<vmem>>
      %dma_start3A_652 = tpu.memref_squeeze %dma_start3A_651 : memref<1x1x2x896xf32, #tpu.memory_space<vmem>> -> memref<2x896xf32, #tpu.memory_space<vmem>>
      %dma_start3A_653 = arith.constant 0 : i32
      %dma_start3A_654 = arith.constant 0 : i32
      %dma_start3A_655 = tpu.memref_slice %arg4[%add3A_646, %dma_start3A_653, %dma_start3A_654] : memref<5376x2x896xf32, #tpu.memory_space<hbm>> -> memref<1x2x896xf32, #tpu.memory_space<hbm>>
      %dma_start3A_656 = tpu.memref_squeeze %dma_start3A_655 : memref<1x2x896xf32, #tpu.memory_space<hbm>> -> memref<2x896xf32, #tpu.memory_space<hbm>>
      %dma_start3A_657 = arith.constant 0 : i32
      %dma_start3A_658 = arith.constant 0 : i32
      %dma_start3A_659 = tpu.memref_slice %arg4[%add3A_646, %dma_start3A_657, %dma_start3A_658] : memref<5376x2x896xf32, #tpu.memory_space<hbm>> -> memref<1x2x896xf32, #tpu.memory_space<hbm>>
      %dma_start3A_660 = tpu.memref_squeeze %dma_start3A_659 : memref<1x2x896xf32, #tpu.memory_space<hbm>> -> memref<2x896xf32, #tpu.memory_space<hbm>>
      %dma_start3A_661 = arith.constant 0 : i32
      %dma_start3A_662 = arith.constant 0 : i32
      %dma_start3A_663 = tpu.memref_slice %arg8[%dma_start3A_647, %dma_start3A_648, %dma_start3A_661, %dma_start3A_662] : memref<3x4x2x896xf32, #tpu.memory_space<vmem>> -> memref<1x1x2x896xf32, #tpu.memory_space<vmem>>
      %dma_start3A_664 = tpu.memref_squeeze %dma_start3A_663 : memref<1x1x2x896xf32, #tpu.memory_space<vmem>> -> memref<2x896xf32, #tpu.memory_space<vmem>>
      tpu.enqueue_dma source(%dma_start3A_664 : memref<2x896xf32, #tpu.memory_space<vmem>>) target(%dma_start3A_660 : memref<2x896xf32, #tpu.memory_space<hbm>>) target_semaphore(%arg13 : memref<!tpu.dma_semaphore, #tpu.memory_space<semaphore_mem>>)
      %mul3A_665 = arith.constant 48 : i32
      %mul3A_666 = arith.muli %select_n3A_613, %mul3A_665 : i32
      %add3A_667 = arith.addi %mul3A_666, %mul3A_631 : i32
      %add3A_668 = arith.constant 1 : i32
      %add3A_669 = arith.addi %add3A_667, %add3A_668 : i32
      %mul3A_670 = arith.constant 28 : i32
      %mul3A_671 = arith.muli %add3A_669, %mul3A_670 : i32
      %add3A_672 = arith.addi %mul3A_671, %select_n3A_589 : i32
      %dma_start3A_673 = arith.constant 1 : i32
      %dma_start3A_674 = arith.constant 1 : i32
      %dma_start3A_675 = arith.constant 0 : i32
      %dma_start3A_676 = arith.constant 0 : i32
      %dma_start3A_677 = tpu.memref_slice %arg8[%dma_start3A_673, %dma_start3A_674, %dma_start3A_675, %dma_start3A_676] : memref<3x4x2x896xf32, #tpu.memory_space<vmem>> -> memref<1x1x2x896xf32, #tpu.memory_space<vmem>>
      %dma_start3A_678 = tpu.memref_squeeze %dma_start3A_677 : memref<1x1x2x896xf32, #tpu.memory_space<vmem>> -> memref<2x896xf32, #tpu.memory_space<vmem>>
      %dma_start3A_679 = arith.constant 0 : i32
      %dma_start3A_680 = arith.constant 0 : i32
      %dma_start3A_681 = tpu.memref_slice %arg4[%add3A_672, %dma_start3A_679, %dma_start3A_680] : memref<5376x2x896xf32, #tpu.memory_space<hbm>> -> memref<1x2x896xf32, #tpu.memory_space<hbm>>
      %dma_start3A_682 = tpu.memref_squeeze %dma_start3A_681 : memref<1x2x896xf32, #tpu.memory_space<hbm>> -> memref<2x896xf32, #tpu.memory_space<hbm>>
      %dma_start3A_683 = arith.constant 0 : i32
      %dma_start3A_684 = arith.constant 0 : i32
      %dma_start3A_685 = tpu.memref_slice %arg4[%add3A_672, %dma_start3A_683, %dma_start3A_684] : memref<5376x2x896xf32, #tpu.memory_space<hbm>> -> memref<1x2x896xf32, #tpu.memory_space<hbm>>
      %dma_start3A_686 = tpu.memref_squeeze %dma_start3A_685 : memref<1x2x896xf32, #tpu.memory_space<hbm>> -> memref<2x896xf32, #tpu.memory_space<hbm>>
      %dma_start3A_687 = arith.constant 0 : i32
      %dma_start3A_688 = arith.constant 0 : i32
      %dma_start3A_689 = tpu.memref_slice %arg8[%dma_start3A_673, %dma_start3A_674, %dma_start3A_687, %dma_start3A_688] : memref<3x4x2x896xf32, #tpu.memory_space<vmem>> -> memref<1x1x2x896xf32, #tpu.memory_space<vmem>>
      %dma_start3A_690 = tpu.memref_squeeze %dma_start3A_689 : memref<1x1x2x896xf32, #tpu.memory_space<vmem>> -> memref<2x896xf32, #tpu.memory_space<vmem>>
      tpu.enqueue_dma source(%dma_start3A_690 : memref<2x896xf32, #tpu.memory_space<vmem>>) target(%dma_start3A_686 : memref<2x896xf32, #tpu.memory_space<hbm>>) target_semaphore(%arg13 : memref<!tpu.dma_semaphore, #tpu.memory_space<semaphore_mem>>)
      %mul3A_691 = arith.constant 48 : i32
      %mul3A_692 = arith.muli %select_n3A_613, %mul3A_691 : i32
      %add3A_693 = arith.addi %mul3A_692, %mul3A_631 : i32
      %add3A_694 = arith.constant 2 : i32
      %add3A_695 = arith.addi %add3A_693, %add3A_694 : i32
      %mul3A_696 = arith.constant 28 : i32
      %mul3A_697 = arith.muli %add3A_695, %mul3A_696 : i32
      %add3A_698 = arith.addi %mul3A_697, %select_n3A_589 : i32
      %dma_start3A_699 = arith.constant 1 : i32
      %dma_start3A_700 = arith.constant 2 : i32
      %dma_start3A_701 = arith.constant 0 : i32
      %dma_start3A_702 = arith.constant 0 : i32
      %dma_start3A_703 = tpu.memref_slice %arg8[%dma_start3A_699, %dma_start3A_700, %dma_start3A_701, %dma_start3A_702] : memref<3x4x2x896xf32, #tpu.memory_space<vmem>> -> memref<1x1x2x896xf32, #tpu.memory_space<vmem>>
      %dma_start3A_704 = tpu.memref_squeeze %dma_start3A_703 : memref<1x1x2x896xf32, #tpu.memory_space<vmem>> -> memref<2x896xf32, #tpu.memory_space<vmem>>
      %dma_start3A_705 = arith.constant 0 : i32
      %dma_start3A_706 = arith.constant 0 : i32
      %dma_start3A_707 = tpu.memref_slice %arg4[%add3A_698, %dma_start3A_705, %dma_start3A_706] : memref<5376x2x896xf32, #tpu.memory_space<hbm>> -> memref<1x2x896xf32, #tpu.memory_space<hbm>>
      %dma_start3A_708 = tpu.memref_squeeze %dma_start3A_707 : memref<1x2x896xf32, #tpu.memory_space<hbm>> -> memref<2x896xf32, #tpu.memory_space<hbm>>
      %dma_start3A_709 = arith.constant 0 : i32
      %dma_start3A_710 = arith.constant 0 : i32
      %dma_start3A_711 = tpu.memref_slice %arg4[%add3A_698, %dma_start3A_709, %dma_start3A_710] : memref<5376x2x896xf32, #tpu.memory_space<hbm>> -> memref<1x2x896xf32, #tpu.memory_space<hbm>>
      %dma_start3A_712 = tpu.memref_squeeze %dma_start3A_711 : memref<1x2x896xf32, #tpu.memory_space<hbm>> -> memref<2x896xf32, #tpu.memory_space<hbm>>
      %dma_start3A_713 = arith.constant 0 : i32
      %dma_start3A_714 = arith.constant 0 : i32
      %dma_start3A_715 = tpu.memref_slice %arg8[%dma_start3A_699, %dma_start3A_700, %dma_start3A_713, %dma_start3A_714] : memref<3x4x2x896xf32, #tpu.memory_space<vmem>> -> memref<1x1x2x896xf32, #tpu.memory_space<vmem>>
      %dma_start3A_716 = tpu.memref_squeeze %dma_start3A_715 : memref<1x1x2x896xf32, #tpu.memory_space<vmem>> -> memref<2x896xf32, #tpu.memory_space<vmem>>
      tpu.enqueue_dma source(%dma_start3A_716 : memref<2x896xf32, #tpu.memory_space<vmem>>) target(%dma_start3A_712 : memref<2x896xf32, #tpu.memory_space<hbm>>) target_semaphore(%arg13 : memref<!tpu.dma_semaphore, #tpu.memory_space<semaphore_mem>>)
      %mul3A_717 = arith.constant 48 : i32
      %mul3A_718 = arith.muli %select_n3A_613, %mul3A_717 : i32
      %add3A_719 = arith.addi %mul3A_718, %mul3A_631 : i32
      %add3A_720 = arith.constant 3 : i32
      %add3A_721 = arith.addi %add3A_719, %add3A_720 : i32
      %mul3A_722 = arith.constant 28 : i32
      %mul3A_723 = arith.muli %add3A_721, %mul3A_722 : i32
      %add3A_724 = arith.addi %mul3A_723, %select_n3A_589 : i32
      %dma_start3A_725 = arith.constant 1 : i32
      %dma_start3A_726 = arith.constant 3 : i32
      %dma_start3A_727 = arith.constant 0 : i32
      %dma_start3A_728 = arith.constant 0 : i32
      %dma_start3A_729 = tpu.memref_slice %arg8[%dma_start3A_725, %dma_start3A_726, %dma_start3A_727, %dma_start3A_728] : memref<3x4x2x896xf32, #tpu.memory_space<vmem>> -> memref<1x1x2x896xf32, #tpu.memory_space<vmem>>
      %dma_start3A_730 = tpu.memref_squeeze %dma_start3A_729 : memref<1x1x2x896xf32, #tpu.memory_space<vmem>> -> memref<2x896xf32, #tpu.memory_space<vmem>>
      %dma_start3A_731 = arith.constant 0 : i32
      %dma_start3A_732 = arith.constant 0 : i32
      %dma_start3A_733 = tpu.memref_slice %arg4[%add3A_724, %dma_start3A_731, %dma_start3A_732] : memref<5376x2x896xf32, #tpu.memory_space<hbm>> -> memref<1x2x896xf32, #tpu.memory_space<hbm>>
      %dma_start3A_734 = tpu.memref_squeeze %dma_start3A_733 : memref<1x2x896xf32, #tpu.memory_space<hbm>> -> memref<2x896xf32, #tpu.memory_space<hbm>>
      %dma_start3A_735 = arith.constant 0 : i32
      %dma_start3A_736 = arith.constant 0 : i32
      %dma_start3A_737 = tpu.memref_slice %arg4[%add3A_724, %dma_start3A_735, %dma_start3A_736] : memref<5376x2x896xf32, #tpu.memory_space<hbm>> -> memref<1x2x896xf32, #tpu.memory_space<hbm>>
      %dma_start3A_738 = tpu.memref_squeeze %dma_start3A_737 : memref<1x2x896xf32, #tpu.memory_space<hbm>> -> memref<2x896xf32, #tpu.memory_space<hbm>>
      %dma_start3A_739 = arith.constant 0 : i32
      %dma_start3A_740 = arith.constant 0 : i32
      %dma_start3A_741 = tpu.memref_slice %arg8[%dma_start3A_725, %dma_start3A_726, %dma_start3A_739, %dma_start3A_740] : memref<3x4x2x896xf32, #tpu.memory_space<vmem>> -> memref<1x1x2x896xf32, #tpu.memory_space<vmem>>
      %dma_start3A_742 = tpu.memref_squeeze %dma_start3A_741 : memref<1x1x2x896xf32, #tpu.memory_space<vmem>> -> memref<2x896xf32, #tpu.memory_space<vmem>>
      tpu.enqueue_dma source(%dma_start3A_742 : memref<2x896xf32, #tpu.memory_space<vmem>>) target(%dma_start3A_738 : memref<2x896xf32, #tpu.memory_space<hbm>>) target_semaphore(%arg13 : memref<!tpu.dma_semaphore, #tpu.memory_space<semaphore_mem>>)
      %mul3A_743 = arith.constant 3 : i32
      %mul3A_744 = arith.muli %scan3A_286, %mul3A_743 : i32
      %add3A_745 = arith.constant 2 : i32
      %add3A_746 = arith.addi %mul3A_744, %add3A_745 : i32
      %add3A_747 = arith.constant 2 : i32
      %add3A_748 = arith.addi %add3A_746, %add3A_747 : i32
      %lt3A_749 = arith.constant 42 : i32
      %lt3A_750 = arith.cmpi slt, %add3A_748, %lt3A_749 : i32
      %convert_element_type3A_751 = arith.extui %lt3A_750 : i1 to i32
      %cond3A_752 = arith.constant 0 : i32
      %cond3A_753 = arith.cmpi ne, %convert_element_type3A_751, %cond3A_752 : i32
      scf.if %cond3A_753 {
        %add3A_973 = arith.addi %mul3A_2, %add3A_746 : i32
        %add3A_974 = arith.constant 2 : i32
        %add3A_975 = arith.addi %add3A_973, %add3A_974 : i32
        %jit3A_976 = arith.constant 28 : i32
        %div3A_977 = arith.divsi %add3A_975, %jit3A_976 : i32
        %sign3A_978 = arith.constant 0 : i32
        %sign3A_979 = arith.cmpi sgt, %add3A_975, %sign3A_978 : i32
        %sign3A_980 = arith.extui %sign3A_979 : i1 to i32
        %sign3A_981 = arith.constant 0 : i32
        %sign3A_982 = arith.cmpi slt, %add3A_975, %sign3A_981 : i32
        %sign3A_983 = arith.extui %sign3A_982 : i1 to i32
        %sign3A_984 = arith.subi %sign3A_980, %sign3A_983 : i32
        %sign3A_985 = arith.constant 0 : i32
        %sign3A_986 = arith.cmpi sgt, %jit3A_976, %sign3A_985 : i32
        %sign3A_987 = arith.extui %sign3A_986 : i1 to i32
        %sign3A_988 = arith.constant 0 : i32
        %sign3A_989 = arith.cmpi slt, %jit3A_976, %sign3A_988 : i32
        %sign3A_990 = arith.extui %sign3A_989 : i1 to i32
        %sign3A_991 = arith.subi %sign3A_987, %sign3A_990 : i32
        %ne3A_992 = arith.cmpi ne, %sign3A_984, %sign3A_991 : i32
        %rem3A_993 = arith.remsi %add3A_975, %jit3A_976 : i32
        %ne3A_994 = arith.constant 0 : i32
        %ne3A_995 = arith.cmpi ne, %rem3A_993, %ne3A_994 : i32
        %and3A_996 = arith.andi %ne3A_992, %ne3A_995 : i1
        %sub3A_997 = arith.constant 1 : i32
        %sub3A_998 = arith.subi %div3A_977, %sub3A_997 : i32
        %select_n3A_999 = arith.select %and3A_996, %sub3A_998, %div3A_977 : i32
        %jit3A_1000 = arith.constant 28 : i32
        %eq3A_1001 = arith.constant 0 : i32
        %eq3A_1002 = arith.cmpi eq, %jit3A_1000, %eq3A_1001 : i32
        %jit3A_1003 = arith.constant 1 : i32
        %select_n3A_1004 = arith.select %eq3A_1002, %jit3A_1003, %jit3A_1000 : i32
        %rem3A_1005 = arith.remsi %add3A_975, %select_n3A_1004 : i32
        %ne3A_1006 = arith.constant 0 : i32
        %ne3A_1007 = arith.cmpi ne, %rem3A_1005, %ne3A_1006 : i32
        %lt3A_1008 = arith.constant 0 : i32
        %lt3A_1009 = arith.cmpi slt, %rem3A_1005, %lt3A_1008 : i32
        %lt3A_1010 = arith.constant 0 : i32
        %lt3A_1011 = arith.cmpi slt, %select_n3A_1004, %lt3A_1010 : i32
        %ne3A_1012 = arith.xori %lt3A_1009, %lt3A_1011 : i1
        %and3A_1013 = arith.andi %ne3A_1012, %ne3A_1007 : i1
        %add3A_1014 = arith.addi %rem3A_1005, %select_n3A_1004 : i32
        %select_n3A_1015 = arith.select %and3A_1013, %add3A_1014, %rem3A_1005 : i32
        %jit3A_1016 = arith.constant 12 : i32
        %div3A_1017 = arith.divsi %select_n3A_999, %jit3A_1016 : i32
        %sign3A_1018 = arith.constant 0 : i32
        %sign3A_1019 = arith.cmpi sgt, %select_n3A_999, %sign3A_1018 : i32
        %sign3A_1020 = arith.extui %sign3A_1019 : i1 to i32
        %sign3A_1021 = arith.constant 0 : i32
        %sign3A_1022 = arith.cmpi slt, %select_n3A_999, %sign3A_1021 : i32
        %sign3A_1023 = arith.extui %sign3A_1022 : i1 to i32
        %sign3A_1024 = arith.subi %sign3A_1020, %sign3A_1023 : i32
        %sign3A_1025 = arith.constant 0 : i32
        %sign3A_1026 = arith.cmpi sgt, %jit3A_1016, %sign3A_1025 : i32
        %sign3A_1027 = arith.extui %sign3A_1026 : i1 to i32
        %sign3A_1028 = arith.constant 0 : i32
        %sign3A_1029 = arith.cmpi slt, %jit3A_1016, %sign3A_1028 : i32
        %sign3A_1030 = arith.extui %sign3A_1029 : i1 to i32
        %sign3A_1031 = arith.subi %sign3A_1027, %sign3A_1030 : i32
        %ne3A_1032 = arith.cmpi ne, %sign3A_1024, %sign3A_1031 : i32
        %rem3A_1033 = arith.remsi %select_n3A_999, %jit3A_1016 : i32
        %ne3A_1034 = arith.constant 0 : i32
        %ne3A_1035 = arith.cmpi ne, %rem3A_1033, %ne3A_1034 : i32
        %and3A_1036 = arith.andi %ne3A_1032, %ne3A_1035 : i1
        %sub3A_1037 = arith.constant 1 : i32
        %sub3A_1038 = arith.subi %div3A_1017, %sub3A_1037 : i32
        %select_n3A_1039 = arith.select %and3A_1036, %sub3A_1038, %div3A_1017 : i32
        %jit3A_1040 = arith.constant 12 : i32
        %eq3A_1041 = arith.constant 0 : i32
        %eq3A_1042 = arith.cmpi eq, %jit3A_1040, %eq3A_1041 : i32
        %jit3A_1043 = arith.constant 1 : i32
        %select_n3A_1044 = arith.select %eq3A_1042, %jit3A_1043, %jit3A_1040 : i32
        %rem3A_1045 = arith.remsi %select_n3A_999, %select_n3A_1044 : i32
        %ne3A_1046 = arith.constant 0 : i32
        %ne3A_1047 = arith.cmpi ne, %rem3A_1045, %ne3A_1046 : i32
        %lt3A_1048 = arith.constant 0 : i32
        %lt3A_1049 = arith.cmpi slt, %rem3A_1045, %lt3A_1048 : i32
        %lt3A_1050 = arith.constant 0 : i32
        %lt3A_1051 = arith.cmpi slt, %select_n3A_1044, %lt3A_1050 : i32
        %ne3A_1052 = arith.xori %lt3A_1049, %lt3A_1051 : i1
        %and3A_1053 = arith.andi %ne3A_1052, %ne3A_1047 : i1
        %add3A_1054 = arith.addi %rem3A_1045, %select_n3A_1044 : i32
        %select_n3A_1055 = arith.select %and3A_1053, %add3A_1054, %rem3A_1045 : i32
        %mul3A_1056 = arith.constant 4 : i32
        %mul3A_1057 = arith.muli %select_n3A_1055, %mul3A_1056 : i32
        %mul3A_1058 = arith.constant 4 : i32
        %mul3A_1059 = arith.muli %mul3A_1057, %mul3A_1058 : i32
        %get3A_1060 = arith.index_cast %mul3A_1059 : i32 to index
        %get3A_1061 = tpu.vector_load %arg5[%get3A_1060] {strides = array<i32>} : memref<192xi32, #tpu.memory_space<vmem>>, vector<16xi32>,
        %get3A_1062 = vector.shape_cast %get3A_1061 : vector<16xi32> to vector<16xi32>
        %mul3A_1063 = arith.constant 192 : i32
        %mul3A_1064 = arith.muli %select_n3A_1039, %mul3A_1063 : i32
        %add3A_1065 = vector.broadcast %mul3A_1064 : i32 to vector<16xi32>
        %add3A_1066 = arith.addi %add3A_1065, %get3A_1062 : vector<16xi32>
        %mul3A_1067 = arith.constant 28 : i32
        %mul3A_1068 = vector.broadcast %mul3A_1067 : i32 to vector<16xi32>
        %mul3A_1069 = arith.muli %add3A_1066, %mul3A_1068 : vector<16xi32>
        %add3A_1070 = vector.broadcast %select_n3A_1015 : i32 to vector<16xi32>
        %add3A_1071 = arith.addi %mul3A_1069, %add3A_1070 : vector<16xi32>
        %swap3A_1072 = arith.constant 1 : i32
        %swap3A_1073 = arith.index_cast %swap3A_1072 : i32 to index
        %swap3A_1074 = arith.constant 0 : index
        %swap3A_1075 = tpu.vector_load %arg6[%swap3A_1073, %swap3A_1074] {strides = array<i32>} : memref<3x16xi32, #tpu.memory_space<vmem>>, vector<1x16xi32>,
        %swap3A_1076 = vector.shape_cast %swap3A_1075 : vector<1x16xi32> to vector<16xi32>
        %swap3A_1077 = vector.shape_cast %add3A_1071 : vector<16xi32> to vector<1x16xi32>
        tpu.vector_store %arg6[%swap3A_1073, %swap3A_1074], %swap3A_1077 {strides = array<i32>} : memref<3x16xi32, #tpu.memory_space<vmem>>, vector<1x16xi32>,
        %dma_start3A_1078 = arith.constant 1 : i32
        %dma_start3A_1079 = arith.constant 1 : i32
        %dma_start3A_1080 = arith.constant 0 : i32
        %dma_start3A_1081 = arith.constant 0 : i32
        %dma_start3A_1082 = arith.constant 0 : i32
        %dma_start3A_1083 = tpu.memref_slice %arg7[%dma_start3A_1079, %dma_start3A_1080, %dma_start3A_1081, %dma_start3A_1082] : memref<3x16x2x896xf32, #tpu.memory_space<vmem>> -> memref<1x16x2x896xf32, #tpu.memory_space<vmem>>
        %dma_start3A_1084 = tpu.memref_squeeze %dma_start3A_1083 : memref<1x16x2x896xf32, #tpu.memory_space<vmem>> -> memref<16x2x896xf32, #tpu.memory_space<vmem>>
        %dma_start3A_1085 = arith.constant 0 : i32
        %dma_start3A_1086 = tpu.memref_slice %arg6[%dma_start3A_1078, %dma_start3A_1085] : memref<3x16xi32, #tpu.memory_space<vmem>> -> memref<1x16xi32, #tpu.memory_space<vmem>>
        %dma_start3A_1087 = tpu.memref_squeeze %dma_start3A_1086 : memref<1x16xi32, #tpu.memory_space<vmem>> -> memref<16xi32, #tpu.memory_space<vmem>>
        %dma_start3A_1088 = arith.constant 0 : i32
        %dma_start3A_1089 = arith.constant 0 : i32
        %dma_start3A_1090 = arith.constant 0 : i32
        %dma_start3A_1091 = tpu.memref_slice %arg2[%dma_start3A_1088, %dma_start3A_1089, %dma_start3A_1090] : memref<21504x2x896xf32, #tpu.memory_space<hbm>> -> memref<21504x2x896xf32, #tpu.memory_space<hbm>>
        tpu.enqueue_indirect_dma source(%dma_start3A_1091 : memref<21504x2x896xf32, #tpu.memory_space<hbm>>) target(%dma_start3A_1084 : memref<16x2x896xf32, #tpu.memory_space<vmem>>) offsets(%dma_start3A_1087 : memref<16xi32, #tpu.memory_space<vmem>>) semaphore(%arg10 : memref<!tpu.dma_semaphore, #tpu.memory_space<semaphore_mem>>)
      } else {
      }
      %dma_wait3A_754 = arith.constant 2 : i32
      %dma_wait3A_755 = arith.constant 0 : i32
      %dma_wait3A_756 = arith.constant 0 : i32
      %dma_wait3A_757 = arith.constant 0 : i32
      %dma_wait3A_758 = tpu.memref_slice %arg7[%dma_wait3A_754, %dma_wait3A_755, %dma_wait3A_756, %dma_wait3A_757] : memref<3x16x2x896xf32, #tpu.memory_space<vmem>> -> memref<1x16x2x896xf32, #tpu.memory_space<vmem>>
      %dma_wait3A_759 = tpu.memref_squeeze %dma_wait3A_758 : memref<1x16x2x896xf32, #tpu.memory_space<vmem>> -> memref<16x2x896xf32, #tpu.memory_space<vmem>>
      %dma_wait3A_760 = arith.constant 0 : i32
      %dma_wait3A_761 = arith.constant 0 : i32
      %dma_wait3A_762 = arith.constant 0 : i32
      %dma_wait3A_763 = tpu.memref_slice %arg2[%dma_wait3A_760, %dma_wait3A_761, %dma_wait3A_762] : memref<21504x2x896xf32, #tpu.memory_space<hbm>> -> memref<16x2x896xf32, #tpu.memory_space<hbm>>
      %dma_wait3A_764 = arith.constant 0 : i32
      %dma_wait3A_765 = arith.constant 0 : i32
      %dma_wait3A_766 = arith.constant 0 : i32
      %dma_wait3A_767 = tpu.memref_slice %arg7[%dma_wait3A_754, %dma_wait3A_764, %dma_wait3A_765, %dma_wait3A_766] : memref<3x16x2x896xf32, #tpu.memory_space<vmem>> -> memref<1x16x2x896xf32, #tpu.memory_space<vmem>>
      %dma_wait3A_768 = tpu.memref_squeeze %dma_wait3A_767 : memref<1x16x2x896xf32, #tpu.memory_space<vmem>> -> memref<16x2x896xf32, #tpu.memory_space<vmem>>
      %dma_wait3A_769 = arith.constant 0 : i32
      %dma_wait3A_770 = arith.constant 0 : i32
      %dma_wait3A_771 = arith.constant 0 : i32
      %dma_wait3A_772 = tpu.memref_slice %arg2[%dma_wait3A_769, %dma_wait3A_770, %dma_wait3A_771] : memref<21504x2x896xf32, #tpu.memory_space<hbm>> -> memref<16x2x896xf32, #tpu.memory_space<hbm>>
      tpu.wait_dma2 semaphore(%arg11 : memref<!tpu.dma_semaphore, #tpu.memory_space<semaphore_mem>>) src(%dma_wait3A_772 : memref<16x2x896xf32, #tpu.memory_space<hbm>>) dst(%dma_wait3A_768 : memref<16x2x896xf32, #tpu.memory_space<vmem>>)
      %ge3A_773 = arith.constant 3 : i32
      %ge3A_774 = arith.cmpi sge, %add3A_746, %ge3A_773 : i32
      %convert_element_type3A_775 = arith.extui %ge3A_774 : i1 to i32
      %cond3A_776 = arith.constant 0 : i32
      %cond3A_777 = arith.cmpi ne, %convert_element_type3A_775, %cond3A_776 : i32
      scf.if %cond3A_777 {
        %dma_wait3A_973 = arith.constant 2 : i32
        %dma_wait3A_974 = arith.constant 0 : i32
        %dma_wait3A_975 = arith.constant 0 : i32
        %dma_wait3A_976 = arith.constant 0 : i32
        %dma_wait3A_977 = tpu.memref_slice %arg8[%dma_wait3A_973, %dma_wait3A_974, %dma_wait3A_975, %dma_wait3A_976] : memref<3x4x2x896xf32, #tpu.memory_space<vmem>> -> memref<1x4x2x896xf32, #tpu.memory_space<vmem>>
        %dma_wait3A_978 = tpu.memref_squeeze %dma_wait3A_977 : memref<1x4x2x896xf32, #tpu.memory_space<vmem>> -> memref<4x2x896xf32, #tpu.memory_space<vmem>>
        %dma_wait3A_979 = arith.constant 0 : i32
        %dma_wait3A_980 = arith.constant 0 : i32
        %dma_wait3A_981 = arith.constant 0 : i32
        %dma_wait3A_982 = tpu.memref_slice %arg4[%dma_wait3A_979, %dma_wait3A_980, %dma_wait3A_981] : memref<5376x2x896xf32, #tpu.memory_space<hbm>> -> memref<4x2x896xf32, #tpu.memory_space<hbm>>
        %dma_wait3A_983 = arith.constant 0 : i32
        %dma_wait3A_984 = arith.constant 0 : i32
        %dma_wait3A_985 = arith.constant 0 : i32
        %dma_wait3A_986 = tpu.memref_slice %arg4[%dma_wait3A_983, %dma_wait3A_984, %dma_wait3A_985] : memref<5376x2x896xf32, #tpu.memory_space<hbm>> -> memref<4x2x896xf32, #tpu.memory_space<hbm>>
        %dma_wait3A_987 = arith.constant 0 : i32
        %dma_wait3A_988 = arith.constant 0 : i32
        %dma_wait3A_989 = arith.constant 0 : i32
        %dma_wait3A_990 = tpu.memref_slice %arg8[%dma_wait3A_973, %dma_wait3A_987, %dma_wait3A_988, %dma_wait3A_989] : memref<3x4x2x896xf32, #tpu.memory_space<vmem>> -> memref<1x4x2x896xf32, #tpu.memory_space<vmem>>
        %dma_wait3A_991 = tpu.memref_squeeze %dma_wait3A_990 : memref<1x4x2x896xf32, #tpu.memory_space<vmem>> -> memref<4x2x896xf32, #tpu.memory_space<vmem>>
        tpu.wait_dma2 semaphore(%arg14 : memref<!tpu.dma_semaphore, #tpu.memory_space<semaphore_mem>>) src(%dma_wait3A_991 : memref<4x2x896xf32, #tpu.memory_space<vmem>>) dst(%dma_wait3A_986 : memref<4x2x896xf32, #tpu.memory_space<hbm>>)
      } else {
      }
      %add3A_778 = arith.addi %mul3A_2, %add3A_746 : i32
      %jit3A_779 = arith.constant 28 : i32
      %div3A_780 = arith.divsi %add3A_778, %jit3A_779 : i32
      %sign3A_781 = arith.constant 0 : i32
      %sign3A_782 = arith.cmpi sgt, %add3A_778, %sign3A_781 : i32
      %sign3A_783 = arith.extui %sign3A_782 : i1 to i32
      %sign3A_784 = arith.constant 0 : i32
      %sign3A_785 = arith.cmpi slt, %add3A_778, %sign3A_784 : i32
      %sign3A_786 = arith.extui %sign3A_785 : i1 to i32
      %sign3A_787 = arith.subi %sign3A_783, %sign3A_786 : i32
      %sign3A_788 = arith.constant 0 : i32
      %sign3A_789 = arith.cmpi sgt, %jit3A_779, %sign3A_788 : i32
      %sign3A_790 = arith.extui %sign3A_789 : i1 to i32
      %sign3A_791 = arith.constant 0 : i32
      %sign3A_792 = arith.cmpi slt, %jit3A_779, %sign3A_791 : i32
      %sign3A_793 = arith.extui %sign3A_792 : i1 to i32
      %sign3A_794 = arith.subi %sign3A_790, %sign3A_793 : i32
      %ne3A_795 = arith.cmpi ne, %sign3A_787, %sign3A_794 : i32
      %rem3A_796 = arith.remsi %add3A_778, %jit3A_779 : i32
      %ne3A_797 = arith.constant 0 : i32
      %ne3A_798 = arith.cmpi ne, %rem3A_796, %ne3A_797 : i32
      %and3A_799 = arith.andi %ne3A_795, %ne3A_798 : i1
      %sub3A_800 = arith.constant 1 : i32
      %sub3A_801 = arith.subi %div3A_780, %sub3A_800 : i32
      %select_n3A_802 = arith.select %and3A_799, %sub3A_801, %div3A_780 : i32
      %jit3A_803 = arith.constant 28 : i32
      %eq3A_804 = arith.constant 0 : i32
      %eq3A_805 = arith.cmpi eq, %jit3A_803, %eq3A_804 : i32
      %jit3A_806 = arith.constant 1 : i32
      %select_n3A_807 = arith.select %eq3A_805, %jit3A_806, %jit3A_803 : i32
      %rem3A_808 = arith.remsi %add3A_778, %select_n3A_807 : i32
      %ne3A_809 = arith.constant 0 : i32
      %ne3A_810 = arith.cmpi ne, %rem3A_808, %ne3A_809 : i32
      %lt3A_811 = arith.constant 0 : i32
      %lt3A_812 = arith.cmpi slt, %rem3A_808, %lt3A_811 : i32
      %lt3A_813 = arith.constant 0 : i32
      %lt3A_814 = arith.cmpi slt, %select_n3A_807, %lt3A_813 : i32
      %ne3A_815 = arith.xori %lt3A_812, %lt3A_814 : i1
      %and3A_816 = arith.andi %ne3A_815, %ne3A_810 : i1
      %add3A_817 = arith.addi %rem3A_808, %select_n3A_807 : i32
      %select_n3A_818 = arith.select %and3A_816, %add3A_817, %rem3A_808 : i32
      %jit3A_819 = arith.constant 12 : i32
      %div3A_820 = arith.divsi %select_n3A_802, %jit3A_819 : i32
      %sign3A_821 = arith.constant 0 : i32
      %sign3A_822 = arith.cmpi sgt, %select_n3A_802, %sign3A_821 : i32
      %sign3A_823 = arith.extui %sign3A_822 : i1 to i32
      %sign3A_824 = arith.constant 0 : i32
      %sign3A_825 = arith.cmpi slt, %select_n3A_802, %sign3A_824 : i32
      %sign3A_826 = arith.extui %sign3A_825 : i1 to i32
      %sign3A_827 = arith.subi %sign3A_823, %sign3A_826 : i32
      %sign3A_828 = arith.constant 0 : i32
      %sign3A_829 = arith.cmpi sgt, %jit3A_819, %sign3A_828 : i32
      %sign3A_830 = arith.extui %sign3A_829 : i1 to i32
      %sign3A_831 = arith.constant 0 : i32
      %sign3A_832 = arith.cmpi slt, %jit3A_819, %sign3A_831 : i32
      %sign3A_833 = arith.extui %sign3A_832 : i1 to i32
      %sign3A_834 = arith.subi %sign3A_830, %sign3A_833 : i32
      %ne3A_835 = arith.cmpi ne, %sign3A_827, %sign3A_834 : i32
      %rem3A_836 = arith.remsi %select_n3A_802, %jit3A_819 : i32
      %ne3A_837 = arith.constant 0 : i32
      %ne3A_838 = arith.cmpi ne, %rem3A_836, %ne3A_837 : i32
      %and3A_839 = arith.andi %ne3A_835, %ne3A_838 : i1
      %sub3A_840 = arith.constant 1 : i32
      %sub3A_841 = arith.subi %div3A_820, %sub3A_840 : i32
      %select_n3A_842 = arith.select %and3A_839, %sub3A_841, %div3A_820 : i32
      %jit3A_843 = arith.constant 12 : i32
      %eq3A_844 = arith.constant 0 : i32
      %eq3A_845 = arith.cmpi eq, %jit3A_843, %eq3A_844 : i32
      %jit3A_846 = arith.constant 1 : i32
      %select_n3A_847 = arith.select %eq3A_845, %jit3A_846, %jit3A_843 : i32
      %rem3A_848 = arith.remsi %select_n3A_802, %select_n3A_847 : i32
      %ne3A_849 = arith.constant 0 : i32
      %ne3A_850 = arith.cmpi ne, %rem3A_848, %ne3A_849 : i32
      %lt3A_851 = arith.constant 0 : i32
      %lt3A_852 = arith.cmpi slt, %rem3A_848, %lt3A_851 : i32
      %lt3A_853 = arith.constant 0 : i32
      %lt3A_854 = arith.cmpi slt, %select_n3A_847, %lt3A_853 : i32
      %ne3A_855 = arith.xori %lt3A_852, %lt3A_854 : i1
      %and3A_856 = arith.andi %ne3A_855, %ne3A_850 : i1
      %add3A_857 = arith.addi %rem3A_848, %select_n3A_847 : i32
      %select_n3A_858 = arith.select %and3A_856, %add3A_857, %rem3A_848 : i32
      %mul3A_859 = arith.constant 4 : i32
      %mul3A_860 = arith.muli %select_n3A_858, %mul3A_859 : i32
      %scan3A_861 = arith.constant 0 : i32
      %scan3A_862 = arith.constant 0 : i32
      %scan3A_863 = arith.constant 56 : i32
      %scan3A_864 = arith.addi %scan3A_862, %scan3A_863 : i32
      %scan3A_865 = arith.constant 1 : i32
      %scan3A_866 = scf.for %scan3A_973 = %scan3A_862 to %scan3A_864 step %scan3A_865 iter_args(%scan3A_974 = %scan3A_861) -> (i32)  : i32 {
        %mul3A_975 = arith.constant 16 : i32
        %mul3A_976 = arith.muli %scan3A_973, %mul3A_975 : i32
        %get3A_977 = arith.constant 2 : i32
        %get3A_978 = arith.constant 0 : i32
        %get3A_979 = arith.constant 0 : i32
        %get3A_980 = arith.index_cast %get3A_977 : i32 to index
        %get3A_981 = arith.index_cast %get3A_978 : i32 to index
        %get3A_982 = arith.index_cast %get3A_979 : i32 to index
        %get3A_983 = arith.index_cast %mul3A_976 : i32 to index
        %get3A_984 = tpu.vector_load %arg7[%get3A_980, %get3A_981, %get3A_982, %get3A_983] {strides = array<i32>} : memref<3x16x2x896xf32, #tpu.memory_space<vmem>>, vector<1x1x1x16xf32>,
        %get3A_985 = vector.shape_cast %get3A_984 : vector<1x1x1x16xf32> to vector<16xf32>
        %get3A_986 = arith.constant 2 : i32
        %get3A_987 = arith.constant 1 : i32
        %get3A_988 = arith.constant 0 : i32
        %get3A_989 = arith.index_cast %get3A_986 : i32 to index
        %get3A_990 = arith.index_cast %get3A_987 : i32 to index
        %get3A_991 = arith.index_cast %get3A_988 : i32 to index
        %get3A_992 = arith.index_cast %mul3A_976 : i32 to index
        %get3A_993 = tpu.vector_load %arg7[%get3A_989, %get3A_990, %get3A_991, %get3A_992] {strides = array<i32>} : memref<3x16x2x896xf32, #tpu.memory_space<vmem>>, vector<1x1x1x16xf32>,
        %get3A_994 = vector.shape_cast %get3A_993 : vector<1x1x1x16xf32> to vector<16xf32>
        %max3A = arith.maximumf %get3A_985, %get3A_994 : vector<16xf32>
        %get3A_995 = arith.constant 2 : i32
        %get3A_996 = arith.constant 2 : i32
        %get3A_997 = arith.constant 0 : i32
        %get3A_998 = arith.index_cast %get3A_995 : i32 to index
        %get3A_999 = arith.index_cast %get3A_996 : i32 to index
        %get3A_1000 = arith.index_cast %get3A_997 : i32 to index
        %get3A_1001 = arith.index_cast %mul3A_976 : i32 to index
        %get3A_1002 = tpu.vector_load %arg7[%get3A_998, %get3A_999, %get3A_1000, %get3A_1001] {strides = array<i32>} : memref<3x16x2x896xf32, #tpu.memory_space<vmem>>, vector<1x1x1x16xf32>,
        %get3A_1003 = vector.shape_cast %get3A_1002 : vector<1x1x1x16xf32> to vector<16xf32>
        %get3A_1004 = arith.constant 2 : i32
        %get3A_1005 = arith.constant 3 : i32
        %get3A_1006 = arith.constant 0 : i32
        %get3A_1007 = arith.index_cast %get3A_1004 : i32 to index
        %get3A_1008 = arith.index_cast %get3A_1005 : i32 to index
        %get3A_1009 = arith.index_cast %get3A_1006 : i32 to index
        %get3A_1010 = arith.index_cast %mul3A_976 : i32 to index
        %get3A_1011 = tpu.vector_load %arg7[%get3A_1007, %get3A_1008, %get3A_1009, %get3A_1010] {strides = array<i32>} : memref<3x16x2x896xf32, #tpu.memory_space<vmem>>, vector<1x1x1x16xf32>,
        %get3A_1012 = vector.shape_cast %get3A_1011 : vector<1x1x1x16xf32> to vector<16xf32>
        %max3A_1013 = arith.maximumf %get3A_1003, %get3A_1012 : vector<16xf32>
        %max3A_1014 = arith.maximumf %max3A, %max3A_1013 : vector<16xf32>
        %swap3A_1015 = arith.constant 2 : i32
        %swap3A_1016 = arith.constant 0 : i32
        %swap3A_1017 = arith.constant 0 : i32
        %swap3A_1018 = arith.index_cast %swap3A_1015 : i32 to index
        %swap3A_1019 = arith.index_cast %swap3A_1016 : i32 to index
        %swap3A_1020 = arith.index_cast %swap3A_1017 : i32 to index
        %swap3A_1021 = arith.index_cast %mul3A_976 : i32 to index
        %swap3A_1022 = tpu.vector_load %arg8[%swap3A_1018, %swap3A_1019, %swap3A_1020, %swap3A_1021] {strides = array<i32>} : memref<3x4x2x896xf32, #tpu.memory_space<vmem>>, vector<1x1x1x16xf32>,
        %swap3A_1023 = vector.shape_cast %swap3A_1022 : vector<1x1x1x16xf32> to vector<16xf32>
        %swap3A_1024 = vector.shape_cast %max3A_1014 : vector<16xf32> to vector<1x1x1x16xf32>
        tpu.vector_store %arg8[%swap3A_1018, %swap3A_1019, %swap3A_1020, %swap3A_1021], %swap3A_1024 {strides = array<i32>} : memref<3x4x2x896xf32, #tpu.memory_space<vmem>>, vector<1x1x1x16xf32>,
        %get3A_1025 = arith.constant 2 : i32
        %get3A_1026 = arith.constant 0 : i32
        %get3A_1027 = arith.constant 1 : i32
        %get3A_1028 = arith.index_cast %get3A_1025 : i32 to index
        %get3A_1029 = arith.index_cast %get3A_1026 : i32 to index
        %get3A_1030 = arith.index_cast %get3A_1027 : i32 to index
        %get3A_1031 = arith.index_cast %mul3A_976 : i32 to index
        %get3A_1032 = tpu.vector_load %arg7[%get3A_1028, %get3A_1029, %get3A_1030, %get3A_1031] {strides = array<i32>} : memref<3x16x2x896xf32, #tpu.memory_space<vmem>>, vector<1x1x1x16xf32>,
        %get3A_1033 = vector.shape_cast %get3A_1032 : vector<1x1x1x16xf32> to vector<16xf32>
        %get3A_1034 = arith.constant 2 : i32
        %get3A_1035 = arith.constant 1 : i32
        %get3A_1036 = arith.constant 1 : i32
        %get3A_1037 = arith.index_cast %get3A_1034 : i32 to index
        %get3A_1038 = arith.index_cast %get3A_1035 : i32 to index
        %get3A_1039 = arith.index_cast %get3A_1036 : i32 to index
        %get3A_1040 = arith.index_cast %mul3A_976 : i32 to index
        %get3A_1041 = tpu.vector_load %arg7[%get3A_1037, %get3A_1038, %get3A_1039, %get3A_1040] {strides = array<i32>} : memref<3x16x2x896xf32, #tpu.memory_space<vmem>>, vector<1x1x1x16xf32>,
        %get3A_1042 = vector.shape_cast %get3A_1041 : vector<1x1x1x16xf32> to vector<16xf32>
        %max3A_1043 = arith.maximumf %get3A_1033, %get3A_1042 : vector<16xf32>
        %get3A_1044 = arith.constant 2 : i32
        %get3A_1045 = arith.constant 2 : i32
        %get3A_1046 = arith.constant 1 : i32
        %get3A_1047 = arith.index_cast %get3A_1044 : i32 to index
        %get3A_1048 = arith.index_cast %get3A_1045 : i32 to index
        %get3A_1049 = arith.index_cast %get3A_1046 : i32 to index
        %get3A_1050 = arith.index_cast %mul3A_976 : i32 to index
        %get3A_1051 = tpu.vector_load %arg7[%get3A_1047, %get3A_1048, %get3A_1049, %get3A_1050] {strides = array<i32>} : memref<3x16x2x896xf32, #tpu.memory_space<vmem>>, vector<1x1x1x16xf32>,
        %get3A_1052 = vector.shape_cast %get3A_1051 : vector<1x1x1x16xf32> to vector<16xf32>
        %get3A_1053 = arith.constant 2 : i32
        %get3A_1054 = arith.constant 3 : i32
        %get3A_1055 = arith.constant 1 : i32
        %get3A_1056 = arith.index_cast %get3A_1053 : i32 to index
        %get3A_1057 = arith.index_cast %get3A_1054 : i32 to index
        %get3A_1058 = arith.index_cast %get3A_1055 : i32 to index
        %get3A_1059 = arith.index_cast %mul3A_976 : i32 to index
        %get3A_1060 = tpu.vector_load %arg7[%get3A_1056, %get3A_1057, %get3A_1058, %get3A_1059] {strides = array<i32>} : memref<3x16x2x896xf32, #tpu.memory_space<vmem>>, vector<1x1x1x16xf32>,
        %get3A_1061 = vector.shape_cast %get3A_1060 : vector<1x1x1x16xf32> to vector<16xf32>
        %max3A_1062 = arith.maximumf %get3A_1052, %get3A_1061 : vector<16xf32>
        %max3A_1063 = arith.maximumf %max3A_1043, %max3A_1062 : vector<16xf32>
        %swap3A_1064 = arith.constant 2 : i32
        %swap3A_1065 = arith.constant 0 : i32
        %swap3A_1066 = arith.constant 1 : i32
        %swap3A_1067 = arith.index_cast %swap3A_1064 : i32 to index
        %swap3A_1068 = arith.index_cast %swap3A_1065 : i32 to index
        %swap3A_1069 = arith.index_cast %swap3A_1066 : i32 to index
        %swap3A_1070 = arith.index_cast %mul3A_976 : i32 to index
        %swap3A_1071 = tpu.vector_load %arg8[%swap3A_1067, %swap3A_1068, %swap3A_1069, %swap3A_1070] {strides = array<i32>} : memref<3x4x2x896xf32, #tpu.memory_space<vmem>>, vector<1x1x1x16xf32>,
        %swap3A_1072 = vector.shape_cast %swap3A_1071 : vector<1x1x1x16xf32> to vector<16xf32>
        %swap3A_1073 = vector.shape_cast %max3A_1063 : vector<16xf32> to vector<1x1x1x16xf32>
        tpu.vector_store %arg8[%swap3A_1067, %swap3A_1068, %swap3A_1069, %swap3A_1070], %swap3A_1073 {strides = array<i32>} : memref<3x4x2x896xf32, #tpu.memory_space<vmem>>, vector<1x1x1x16xf32>,
        %get3A_1074 = arith.constant 2 : i32
        %get3A_1075 = arith.constant 4 : i32
        %get3A_1076 = arith.constant 0 : i32
        %get3A_1077 = arith.index_cast %get3A_1074 : i32 to index
        %get3A_1078 = arith.index_cast %get3A_1075 : i32 to index
        %get3A_1079 = arith.index_cast %get3A_1076 : i32 to index
        %get3A_1080 = arith.index_cast %mul3A_976 : i32 to index
        %get3A_1081 = tpu.vector_load %arg7[%get3A_1077, %get3A_1078, %get3A_1079, %get3A_1080] {strides = array<i32>} : memref<3x16x2x896xf32, #tpu.memory_space<vmem>>, vector<1x1x1x16xf32>,
        %get3A_1082 = vector.shape_cast %get3A_1081 : vector<1x1x1x16xf32> to vector<16xf32>
        %get3A_1083 = arith.constant 2 : i32
        %get3A_1084 = arith.constant 5 : i32
        %get3A_1085 = arith.constant 0 : i32
        %get3A_1086 = arith.index_cast %get3A_1083 : i32 to index
        %get3A_1087 = arith.index_cast %get3A_1084 : i32 to index
        %get3A_1088 = arith.index_cast %get3A_1085 : i32 to index
        %get3A_1089 = arith.index_cast %mul3A_976 : i32 to index
        %get3A_1090 = tpu.vector_load %arg7[%get3A_1086, %get3A_1087, %get3A_1088, %get3A_1089] {strides = array<i32>} : memref<3x16x2x896xf32, #tpu.memory_space<vmem>>, vector<1x1x1x16xf32>,
        %get3A_1091 = vector.shape_cast %get3A_1090 : vector<1x1x1x16xf32> to vector<16xf32>
        %max3A_1092 = arith.maximumf %get3A_1082, %get3A_1091 : vector<16xf32>
        %get3A_1093 = arith.constant 2 : i32
        %get3A_1094 = arith.constant 6 : i32
        %get3A_1095 = arith.constant 0 : i32
        %get3A_1096 = arith.index_cast %get3A_1093 : i32 to index
        %get3A_1097 = arith.index_cast %get3A_1094 : i32 to index
        %get3A_1098 = arith.index_cast %get3A_1095 : i32 to index
        %get3A_1099 = arith.index_cast %mul3A_976 : i32 to index
        %get3A_1100 = tpu.vector_load %arg7[%get3A_1096, %get3A_1097, %get3A_1098, %get3A_1099] {strides = array<i32>} : memref<3x16x2x896xf32, #tpu.memory_space<vmem>>, vector<1x1x1x16xf32>,
        %get3A_1101 = vector.shape_cast %get3A_1100 : vector<1x1x1x16xf32> to vector<16xf32>
        %get3A_1102 = arith.constant 2 : i32
        %get3A_1103 = arith.constant 7 : i32
        %get3A_1104 = arith.constant 0 : i32
        %get3A_1105 = arith.index_cast %get3A_1102 : i32 to index
        %get3A_1106 = arith.index_cast %get3A_1103 : i32 to index
        %get3A_1107 = arith.index_cast %get3A_1104 : i32 to index
        %get3A_1108 = arith.index_cast %mul3A_976 : i32 to index
        %get3A_1109 = tpu.vector_load %arg7[%get3A_1105, %get3A_1106, %get3A_1107, %get3A_1108] {strides = array<i32>} : memref<3x16x2x896xf32, #tpu.memory_space<vmem>>, vector<1x1x1x16xf32>,
        %get3A_1110 = vector.shape_cast %get3A_1109 : vector<1x1x1x16xf32> to vector<16xf32>
        %max3A_1111 = arith.maximumf %get3A_1101, %get3A_1110 : vector<16xf32>
        %max3A_1112 = arith.maximumf %max3A_1092, %max3A_1111 : vector<16xf32>
        %swap3A_1113 = arith.constant 2 : i32
        %swap3A_1114 = arith.constant 1 : i32
        %swap3A_1115 = arith.constant 0 : i32
        %swap3A_1116 = arith.index_cast %swap3A_1113 : i32 to index
        %swap3A_1117 = arith.index_cast %swap3A_1114 : i32 to index
        %swap3A_1118 = arith.index_cast %swap3A_1115 : i32 to index
        %swap3A_1119 = arith.index_cast %mul3A_976 : i32 to index
        %swap3A_1120 = tpu.vector_load %arg8[%swap3A_1116, %swap3A_1117, %swap3A_1118, %swap3A_1119] {strides = array<i32>} : memref<3x4x2x896xf32, #tpu.memory_space<vmem>>, vector<1x1x1x16xf32>,
        %swap3A_1121 = vector.shape_cast %swap3A_1120 : vector<1x1x1x16xf32> to vector<16xf32>
        %swap3A_1122 = vector.shape_cast %max3A_1112 : vector<16xf32> to vector<1x1x1x16xf32>
        tpu.vector_store %arg8[%swap3A_1116, %swap3A_1117, %swap3A_1118, %swap3A_1119], %swap3A_1122 {strides = array<i32>} : memref<3x4x2x896xf32, #tpu.memory_space<vmem>>, vector<1x1x1x16xf32>,
        %get3A_1123 = arith.constant 2 : i32
        %get3A_1124 = arith.constant 4 : i32
        %get3A_1125 = arith.constant 1 : i32
        %get3A_1126 = arith.index_cast %get3A_1123 : i32 to index
        %get3A_1127 = arith.index_cast %get3A_1124 : i32 to index
        %get3A_1128 = arith.index_cast %get3A_1125 : i32 to index
        %get3A_1129 = arith.index_cast %mul3A_976 : i32 to index
        %get3A_1130 = tpu.vector_load %arg7[%get3A_1126, %get3A_1127, %get3A_1128, %get3A_1129] {strides = array<i32>} : memref<3x16x2x896xf32, #tpu.memory_space<vmem>>, vector<1x1x1x16xf32>,
        %get3A_1131 = vector.shape_cast %get3A_1130 : vector<1x1x1x16xf32> to vector<16xf32>
        %get3A_1132 = arith.constant 2 : i32
        %get3A_1133 = arith.constant 5 : i32
        %get3A_1134 = arith.constant 1 : i32
        %get3A_1135 = arith.index_cast %get3A_1132 : i32 to index
        %get3A_1136 = arith.index_cast %get3A_1133 : i32 to index
        %get3A_1137 = arith.index_cast %get3A_1134 : i32 to index
        %get3A_1138 = arith.index_cast %mul3A_976 : i32 to index
        %get3A_1139 = tpu.vector_load %arg7[%get3A_1135, %get3A_1136, %get3A_1137, %get3A_1138] {strides = array<i32>} : memref<3x16x2x896xf32, #tpu.memory_space<vmem>>, vector<1x1x1x16xf32>,
        %get3A_1140 = vector.shape_cast %get3A_1139 : vector<1x1x1x16xf32> to vector<16xf32>
        %max3A_1141 = arith.maximumf %get3A_1131, %get3A_1140 : vector<16xf32>
        %get3A_1142 = arith.constant 2 : i32
        %get3A_1143 = arith.constant 6 : i32
        %get3A_1144 = arith.constant 1 : i32
        %get3A_1145 = arith.index_cast %get3A_1142 : i32 to index
        %get3A_1146 = arith.index_cast %get3A_1143 : i32 to index
        %get3A_1147 = arith.index_cast %get3A_1144 : i32 to index
        %get3A_1148 = arith.index_cast %mul3A_976 : i32 to index
        %get3A_1149 = tpu.vector_load %arg7[%get3A_1145, %get3A_1146, %get3A_1147, %get3A_1148] {strides = array<i32>} : memref<3x16x2x896xf32, #tpu.memory_space<vmem>>, vector<1x1x1x16xf32>,
        %get3A_1150 = vector.shape_cast %get3A_1149 : vector<1x1x1x16xf32> to vector<16xf32>
        %get3A_1151 = arith.constant 2 : i32
        %get3A_1152 = arith.constant 7 : i32
        %get3A_1153 = arith.constant 1 : i32
        %get3A_1154 = arith.index_cast %get3A_1151 : i32 to index
        %get3A_1155 = arith.index_cast %get3A_1152 : i32 to index
        %get3A_1156 = arith.index_cast %get3A_1153 : i32 to index
        %get3A_1157 = arith.index_cast %mul3A_976 : i32 to index
        %get3A_1158 = tpu.vector_load %arg7[%get3A_1154, %get3A_1155, %get3A_1156, %get3A_1157] {strides = array<i32>} : memref<3x16x2x896xf32, #tpu.memory_space<vmem>>, vector<1x1x1x16xf32>,
        %get3A_1159 = vector.shape_cast %get3A_1158 : vector<1x1x1x16xf32> to vector<16xf32>
        %max3A_1160 = arith.maximumf %get3A_1150, %get3A_1159 : vector<16xf32>
        %max3A_1161 = arith.maximumf %max3A_1141, %max3A_1160 : vector<16xf32>
        %swap3A_1162 = arith.constant 2 : i32
        %swap3A_1163 = arith.constant 1 : i32
        %swap3A_1164 = arith.constant 1 : i32
        %swap3A_1165 = arith.index_cast %swap3A_1162 : i32 to index
        %swap3A_1166 = arith.index_cast %swap3A_1163 : i32 to index
        %swap3A_1167 = arith.index_cast %swap3A_1164 : i32 to index
        %swap3A_1168 = arith.index_cast %mul3A_976 : i32 to index
        %swap3A_1169 = tpu.vector_load %arg8[%swap3A_1165, %swap3A_1166, %swap3A_1167, %swap3A_1168] {strides = array<i32>} : memref<3x4x2x896xf32, #tpu.memory_space<vmem>>, vector<1x1x1x16xf32>,
        %swap3A_1170 = vector.shape_cast %swap3A_1169 : vector<1x1x1x16xf32> to vector<16xf32>
        %swap3A_1171 = vector.shape_cast %max3A_1161 : vector<16xf32> to vector<1x1x1x16xf32>
        tpu.vector_store %arg8[%swap3A_1165, %swap3A_1166, %swap3A_1167, %swap3A_1168], %swap3A_1171 {strides = array<i32>} : memref<3x4x2x896xf32, #tpu.memory_space<vmem>>, vector<1x1x1x16xf32>,
        %get3A_1172 = arith.constant 2 : i32
        %get3A_1173 = arith.constant 8 : i32
        %get3A_1174 = arith.constant 0 : i32
        %get3A_1175 = arith.index_cast %get3A_1172 : i32 to index
        %get3A_1176 = arith.index_cast %get3A_1173 : i32 to index
        %get3A_1177 = arith.index_cast %get3A_1174 : i32 to index
        %get3A_1178 = arith.index_cast %mul3A_976 : i32 to index
        %get3A_1179 = tpu.vector_load %arg7[%get3A_1175, %get3A_1176, %get3A_1177, %get3A_1178] {strides = array<i32>} : memref<3x16x2x896xf32, #tpu.memory_space<vmem>>, vector<1x1x1x16xf32>,
        %get3A_1180 = vector.shape_cast %get3A_1179 : vector<1x1x1x16xf32> to vector<16xf32>
        %get3A_1181 = arith.constant 2 : i32
        %get3A_1182 = arith.constant 9 : i32
        %get3A_1183 = arith.constant 0 : i32
        %get3A_1184 = arith.index_cast %get3A_1181 : i32 to index
        %get3A_1185 = arith.index_cast %get3A_1182 : i32 to index
        %get3A_1186 = arith.index_cast %get3A_1183 : i32 to index
        %get3A_1187 = arith.index_cast %mul3A_976 : i32 to index
        %get3A_1188 = tpu.vector_load %arg7[%get3A_1184, %get3A_1185, %get3A_1186, %get3A_1187] {strides = array<i32>} : memref<3x16x2x896xf32, #tpu.memory_space<vmem>>, vector<1x1x1x16xf32>,
        %get3A_1189 = vector.shape_cast %get3A_1188 : vector<1x1x1x16xf32> to vector<16xf32>
        %max3A_1190 = arith.maximumf %get3A_1180, %get3A_1189 : vector<16xf32>
        %get3A_1191 = arith.constant 2 : i32
        %get3A_1192 = arith.constant 10 : i32
        %get3A_1193 = arith.constant 0 : i32
        %get3A_1194 = arith.index_cast %get3A_1191 : i32 to index
        %get3A_1195 = arith.index_cast %get3A_1192 : i32 to index
        %get3A_1196 = arith.index_cast %get3A_1193 : i32 to index
        %get3A_1197 = arith.index_cast %mul3A_976 : i32 to index
        %get3A_1198 = tpu.vector_load %arg7[%get3A_1194, %get3A_1195, %get3A_1196, %get3A_1197] {strides = array<i32>} : memref<3x16x2x896xf32, #tpu.memory_space<vmem>>, vector<1x1x1x16xf32>,
        %get3A_1199 = vector.shape_cast %get3A_1198 : vector<1x1x1x16xf32> to vector<16xf32>
        %get3A_1200 = arith.constant 2 : i32
        %get3A_1201 = arith.constant 11 : i32
        %get3A_1202 = arith.constant 0 : i32
        %get3A_1203 = arith.index_cast %get3A_1200 : i32 to index
        %get3A_1204 = arith.index_cast %get3A_1201 : i32 to index
        %get3A_1205 = arith.index_cast %get3A_1202 : i32 to index
        %get3A_1206 = arith.index_cast %mul3A_976 : i32 to index
        %get3A_1207 = tpu.vector_load %arg7[%get3A_1203, %get3A_1204, %get3A_1205, %get3A_1206] {strides = array<i32>} : memref<3x16x2x896xf32, #tpu.memory_space<vmem>>, vector<1x1x1x16xf32>,
        %get3A_1208 = vector.shape_cast %get3A_1207 : vector<1x1x1x16xf32> to vector<16xf32>
        %max3A_1209 = arith.maximumf %get3A_1199, %get3A_1208 : vector<16xf32>
        %max3A_1210 = arith.maximumf %max3A_1190, %max3A_1209 : vector<16xf32>
        %swap3A_1211 = arith.constant 2 : i32
        %swap3A_1212 = arith.constant 2 : i32
        %swap3A_1213 = arith.constant 0 : i32
        %swap3A_1214 = arith.index_cast %swap3A_1211 : i32 to index
        %swap3A_1215 = arith.index_cast %swap3A_1212 : i32 to index
        %swap3A_1216 = arith.index_cast %swap3A_1213 : i32 to index
        %swap3A_1217 = arith.index_cast %mul3A_976 : i32 to index
        %swap3A_1218 = tpu.vector_load %arg8[%swap3A_1214, %swap3A_1215, %swap3A_1216, %swap3A_1217] {strides = array<i32>} : memref<3x4x2x896xf32, #tpu.memory_space<vmem>>, vector<1x1x1x16xf32>,
        %swap3A_1219 = vector.shape_cast %swap3A_1218 : vector<1x1x1x16xf32> to vector<16xf32>
        %swap3A_1220 = vector.shape_cast %max3A_1210 : vector<16xf32> to vector<1x1x1x16xf32>
        tpu.vector_store %arg8[%swap3A_1214, %swap3A_1215, %swap3A_1216, %swap3A_1217], %swap3A_1220 {strides = array<i32>} : memref<3x4x2x896xf32, #tpu.memory_space<vmem>>, vector<1x1x1x16xf32>,
        %get3A_1221 = arith.constant 2 : i32
        %get3A_1222 = arith.constant 8 : i32
        %get3A_1223 = arith.constant 1 : i32
        %get3A_1224 = arith.index_cast %get3A_1221 : i32 to index
        %get3A_1225 = arith.index_cast %get3A_1222 : i32 to index
        %get3A_1226 = arith.index_cast %get3A_1223 : i32 to index
        %get3A_1227 = arith.index_cast %mul3A_976 : i32 to index
        %get3A_1228 = tpu.vector_load %arg7[%get3A_1224, %get3A_1225, %get3A_1226, %get3A_1227] {strides = array<i32>} : memref<3x16x2x896xf32, #tpu.memory_space<vmem>>, vector<1x1x1x16xf32>,
        %get3A_1229 = vector.shape_cast %get3A_1228 : vector<1x1x1x16xf32> to vector<16xf32>
        %get3A_1230 = arith.constant 2 : i32
        %get3A_1231 = arith.constant 9 : i32
        %get3A_1232 = arith.constant 1 : i32
        %get3A_1233 = arith.index_cast %get3A_1230 : i32 to index
        %get3A_1234 = arith.index_cast %get3A_1231 : i32 to index
        %get3A_1235 = arith.index_cast %get3A_1232 : i32 to index
        %get3A_1236 = arith.index_cast %mul3A_976 : i32 to index
        %get3A_1237 = tpu.vector_load %arg7[%get3A_1233, %get3A_1234, %get3A_1235, %get3A_1236] {strides = array<i32>} : memref<3x16x2x896xf32, #tpu.memory_space<vmem>>, vector<1x1x1x16xf32>,
        %get3A_1238 = vector.shape_cast %get3A_1237 : vector<1x1x1x16xf32> to vector<16xf32>
        %max3A_1239 = arith.maximumf %get3A_1229, %get3A_1238 : vector<16xf32>
        %get3A_1240 = arith.constant 2 : i32
        %get3A_1241 = arith.constant 10 : i32
        %get3A_1242 = arith.constant 1 : i32
        %get3A_1243 = arith.index_cast %get3A_1240 : i32 to index
        %get3A_1244 = arith.index_cast %get3A_1241 : i32 to index
        %get3A_1245 = arith.index_cast %get3A_1242 : i32 to index
        %get3A_1246 = arith.index_cast %mul3A_976 : i32 to index
        %get3A_1247 = tpu.vector_load %arg7[%get3A_1243, %get3A_1244, %get3A_1245, %get3A_1246] {strides = array<i32>} : memref<3x16x2x896xf32, #tpu.memory_space<vmem>>, vector<1x1x1x16xf32>,
        %get3A_1248 = vector.shape_cast %get3A_1247 : vector<1x1x1x16xf32> to vector<16xf32>
        %get3A_1249 = arith.constant 2 : i32
        %get3A_1250 = arith.constant 11 : i32
        %get3A_1251 = arith.constant 1 : i32
        %get3A_1252 = arith.index_cast %get3A_1249 : i32 to index
        %get3A_1253 = arith.index_cast %get3A_1250 : i32 to index
        %get3A_1254 = arith.index_cast %get3A_1251 : i32 to index
        %get3A_1255 = arith.index_cast %mul3A_976 : i32 to index
        %get3A_1256 = tpu.vector_load %arg7[%get3A_1252, %get3A_1253, %get3A_1254, %get3A_1255] {strides = array<i32>} : memref<3x16x2x896xf32, #tpu.memory_space<vmem>>, vector<1x1x1x16xf32>,
        %get3A_1257 = vector.shape_cast %get3A_1256 : vector<1x1x1x16xf32> to vector<16xf32>
        %max3A_1258 = arith.maximumf %get3A_1248, %get3A_1257 : vector<16xf32>
        %max3A_1259 = arith.maximumf %max3A_1239, %max3A_1258 : vector<16xf32>
        %swap3A_1260 = arith.constant 2 : i32
        %swap3A_1261 = arith.constant 2 : i32
        %swap3A_1262 = arith.constant 1 : i32
        %swap3A_1263 = arith.index_cast %swap3A_1260 : i32 to index
        %swap3A_1264 = arith.index_cast %swap3A_1261 : i32 to index
        %swap3A_1265 = arith.index_cast %swap3A_1262 : i32 to index
        %swap3A_1266 = arith.index_cast %mul3A_976 : i32 to index
        %swap3A_1267 = tpu.vector_load %arg8[%swap3A_1263, %swap3A_1264, %swap3A_1265, %swap3A_1266] {strides = array<i32>} : memref<3x4x2x896xf32, #tpu.memory_space<vmem>>, vector<1x1x1x16xf32>,
        %swap3A_1268 = vector.shape_cast %swap3A_1267 : vector<1x1x1x16xf32> to vector<16xf32>
        %swap3A_1269 = vector.shape_cast %max3A_1259 : vector<16xf32> to vector<1x1x1x16xf32>
        tpu.vector_store %arg8[%swap3A_1263, %swap3A_1264, %swap3A_1265, %swap3A_1266], %swap3A_1269 {strides = array<i32>} : memref<3x4x2x896xf32, #tpu.memory_space<vmem>>, vector<1x1x1x16xf32>,
        %get3A_1270 = arith.constant 2 : i32
        %get3A_1271 = arith.constant 12 : i32
        %get3A_1272 = arith.constant 0 : i32
        %get3A_1273 = arith.index_cast %get3A_1270 : i32 to index
        %get3A_1274 = arith.index_cast %get3A_1271 : i32 to index
        %get3A_1275 = arith.index_cast %get3A_1272 : i32 to index
        %get3A_1276 = arith.index_cast %mul3A_976 : i32 to index
        %get3A_1277 = tpu.vector_load %arg7[%get3A_1273, %get3A_1274, %get3A_1275, %get3A_1276] {strides = array<i32>} : memref<3x16x2x896xf32, #tpu.memory_space<vmem>>, vector<1x1x1x16xf32>,
        %get3A_1278 = vector.shape_cast %get3A_1277 : vector<1x1x1x16xf32> to vector<16xf32>
        %get3A_1279 = arith.constant 2 : i32
        %get3A_1280 = arith.constant 13 : i32
        %get3A_1281 = arith.constant 0 : i32
        %get3A_1282 = arith.index_cast %get3A_1279 : i32 to index
        %get3A_1283 = arith.index_cast %get3A_1280 : i32 to index
        %get3A_1284 = arith.index_cast %get3A_1281 : i32 to index
        %get3A_1285 = arith.index_cast %mul3A_976 : i32 to index
        %get3A_1286 = tpu.vector_load %arg7[%get3A_1282, %get3A_1283, %get3A_1284, %get3A_1285] {strides = array<i32>} : memref<3x16x2x896xf32, #tpu.memory_space<vmem>>, vector<1x1x1x16xf32>,
        %get3A_1287 = vector.shape_cast %get3A_1286 : vector<1x1x1x16xf32> to vector<16xf32>
        %max3A_1288 = arith.maximumf %get3A_1278, %get3A_1287 : vector<16xf32>
        %get3A_1289 = arith.constant 2 : i32
        %get3A_1290 = arith.constant 14 : i32
        %get3A_1291 = arith.constant 0 : i32
        %get3A_1292 = arith.index_cast %get3A_1289 : i32 to index
        %get3A_1293 = arith.index_cast %get3A_1290 : i32 to index
        %get3A_1294 = arith.index_cast %get3A_1291 : i32 to index
        %get3A_1295 = arith.index_cast %mul3A_976 : i32 to index
        %get3A_1296 = tpu.vector_load %arg7[%get3A_1292, %get3A_1293, %get3A_1294, %get3A_1295] {strides = array<i32>} : memref<3x16x2x896xf32, #tpu.memory_space<vmem>>, vector<1x1x1x16xf32>,
        %get3A_1297 = vector.shape_cast %get3A_1296 : vector<1x1x1x16xf32> to vector<16xf32>
        %get3A_1298 = arith.constant 2 : i32
        %get3A_1299 = arith.constant 15 : i32
        %get3A_1300 = arith.constant 0 : i32
        %get3A_1301 = arith.index_cast %get3A_1298 : i32 to index
        %get3A_1302 = arith.index_cast %get3A_1299 : i32 to index
        %get3A_1303 = arith.index_cast %get3A_1300 : i32 to index
        %get3A_1304 = arith.index_cast %mul3A_976 : i32 to index
        %get3A_1305 = tpu.vector_load %arg7[%get3A_1301, %get3A_1302, %get3A_1303, %get3A_1304] {strides = array<i32>} : memref<3x16x2x896xf32, #tpu.memory_space<vmem>>, vector<1x1x1x16xf32>,
        %get3A_1306 = vector.shape_cast %get3A_1305 : vector<1x1x1x16xf32> to vector<16xf32>
        %max3A_1307 = arith.maximumf %get3A_1297, %get3A_1306 : vector<16xf32>
        %max3A_1308 = arith.maximumf %max3A_1288, %max3A_1307 : vector<16xf32>
        %swap3A_1309 = arith.constant 2 : i32
        %swap3A_1310 = arith.constant 3 : i32
        %swap3A_1311 = arith.constant 0 : i32
        %swap3A_1312 = arith.index_cast %swap3A_1309 : i32 to index
        %swap3A_1313 = arith.index_cast %swap3A_1310 : i32 to index
        %swap3A_1314 = arith.index_cast %swap3A_1311 : i32 to index
        %swap3A_1315 = arith.index_cast %mul3A_976 : i32 to index
        %swap3A_1316 = tpu.vector_load %arg8[%swap3A_1312, %swap3A_1313, %swap3A_1314, %swap3A_1315] {strides = array<i32>} : memref<3x4x2x896xf32, #tpu.memory_space<vmem>>, vector<1x1x1x16xf32>,
        %swap3A_1317 = vector.shape_cast %swap3A_1316 : vector<1x1x1x16xf32> to vector<16xf32>
        %swap3A_1318 = vector.shape_cast %max3A_1308 : vector<16xf32> to vector<1x1x1x16xf32>
        tpu.vector_store %arg8[%swap3A_1312, %swap3A_1313, %swap3A_1314, %swap3A_1315], %swap3A_1318 {strides = array<i32>} : memref<3x4x2x896xf32, #tpu.memory_space<vmem>>, vector<1x1x1x16xf32>,
        %get3A_1319 = arith.constant 2 : i32
        %get3A_1320 = arith.constant 12 : i32
        %get3A_1321 = arith.constant 1 : i32
        %get3A_1322 = arith.index_cast %get3A_1319 : i32 to index
        %get3A_1323 = arith.index_cast %get3A_1320 : i32 to index
        %get3A_1324 = arith.index_cast %get3A_1321 : i32 to index
        %get3A_1325 = arith.index_cast %mul3A_976 : i32 to index
        %get3A_1326 = tpu.vector_load %arg7[%get3A_1322, %get3A_1323, %get3A_1324, %get3A_1325] {strides = array<i32>} : memref<3x16x2x896xf32, #tpu.memory_space<vmem>>, vector<1x1x1x16xf32>,
        %get3A_1327 = vector.shape_cast %get3A_1326 : vector<1x1x1x16xf32> to vector<16xf32>
        %get3A_1328 = arith.constant 2 : i32
        %get3A_1329 = arith.constant 13 : i32
        %get3A_1330 = arith.constant 1 : i32
        %get3A_1331 = arith.index_cast %get3A_1328 : i32 to index
        %get3A_1332 = arith.index_cast %get3A_1329 : i32 to index
        %get3A_1333 = arith.index_cast %get3A_1330 : i32 to index
        %get3A_1334 = arith.index_cast %mul3A_976 : i32 to index
        %get3A_1335 = tpu.vector_load %arg7[%get3A_1331, %get3A_1332, %get3A_1333, %get3A_1334] {strides = array<i32>} : memref<3x16x2x896xf32, #tpu.memory_space<vmem>>, vector<1x1x1x16xf32>,
        %get3A_1336 = vector.shape_cast %get3A_1335 : vector<1x1x1x16xf32> to vector<16xf32>
        %max3A_1337 = arith.maximumf %get3A_1327, %get3A_1336 : vector<16xf32>
        %get3A_1338 = arith.constant 2 : i32
        %get3A_1339 = arith.constant 14 : i32
        %get3A_1340 = arith.constant 1 : i32
        %get3A_1341 = arith.index_cast %get3A_1338 : i32 to index
        %get3A_1342 = arith.index_cast %get3A_1339 : i32 to index
        %get3A_1343 = arith.index_cast %get3A_1340 : i32 to index
        %get3A_1344 = arith.index_cast %mul3A_976 : i32 to index
        %get3A_1345 = tpu.vector_load %arg7[%get3A_1341, %get3A_1342, %get3A_1343, %get3A_1344] {strides = array<i32>} : memref<3x16x2x896xf32, #tpu.memory_space<vmem>>, vector<1x1x1x16xf32>,
        %get3A_1346 = vector.shape_cast %get3A_1345 : vector<1x1x1x16xf32> to vector<16xf32>
        %get3A_1347 = arith.constant 2 : i32
        %get3A_1348 = arith.constant 15 : i32
        %get3A_1349 = arith.constant 1 : i32
        %get3A_1350 = arith.index_cast %get3A_1347 : i32 to index
        %get3A_1351 = arith.index_cast %get3A_1348 : i32 to index
        %get3A_1352 = arith.index_cast %get3A_1349 : i32 to index
        %get3A_1353 = arith.index_cast %mul3A_976 : i32 to index
        %get3A_1354 = tpu.vector_load %arg7[%get3A_1350, %get3A_1351, %get3A_1352, %get3A_1353] {strides = array<i32>} : memref<3x16x2x896xf32, #tpu.memory_space<vmem>>, vector<1x1x1x16xf32>,
        %get3A_1355 = vector.shape_cast %get3A_1354 : vector<1x1x1x16xf32> to vector<16xf32>
        %max3A_1356 = arith.maximumf %get3A_1346, %get3A_1355 : vector<16xf32>
        %max3A_1357 = arith.maximumf %max3A_1337, %max3A_1356 : vector<16xf32>
        %swap3A_1358 = arith.constant 2 : i32
        %swap3A_1359 = arith.constant 3 : i32
        %swap3A_1360 = arith.constant 1 : i32
        %swap3A_1361 = arith.index_cast %swap3A_1358 : i32 to index
        %swap3A_1362 = arith.index_cast %swap3A_1359 : i32 to index
        %swap3A_1363 = arith.index_cast %swap3A_1360 : i32 to index
        %swap3A_1364 = arith.index_cast %mul3A_976 : i32 to index
        %swap3A_1365 = tpu.vector_load %arg8[%swap3A_1361, %swap3A_1362, %swap3A_1363, %swap3A_1364] {strides = array<i32>} : memref<3x4x2x896xf32, #tpu.memory_space<vmem>>, vector<1x1x1x16xf32>,
        %swap3A_1366 = vector.shape_cast %swap3A_1365 : vector<1x1x1x16xf32> to vector<16xf32>
        %swap3A_1367 = vector.shape_cast %max3A_1357 : vector<16xf32> to vector<1x1x1x16xf32>
        tpu.vector_store %arg8[%swap3A_1361, %swap3A_1362, %swap3A_1363, %swap3A_1364], %swap3A_1367 {strides = array<i32>} : memref<3x4x2x896xf32, #tpu.memory_space<vmem>>, vector<1x1x1x16xf32>,
        %scan3A_1368 = arith.constant 0 : i32
        scf.yield %scan3A_1368 : i32
      }
      %scan3A_867 = arith.constant 56 : i32
      %mul3A_868 = arith.constant 48 : i32
      %mul3A_869 = arith.muli %select_n3A_842, %mul3A_868 : i32
      %add3A_870 = arith.addi %mul3A_869, %mul3A_860 : i32
      %add3A_871 = arith.constant 0 : i32
      %add3A_872 = arith.addi %add3A_870, %add3A_871 : i32
      %mul3A_873 = arith.constant 28 : i32
      %mul3A_874 = arith.muli %add3A_872, %mul3A_873 : i32
      %add3A_875 = arith.addi %mul3A_874, %select_n3A_818 : i32
      %dma_start3A_876 = arith.constant 2 : i32
      %dma_start3A_877 = arith.constant 0 : i32
      %dma_start3A_878 = arith.constant 0 : i32
      %dma_start3A_879 = arith.constant 0 : i32
      %dma_start3A_880 = tpu.memref_slice %arg8[%dma_start3A_876, %dma_start3A_877, %dma_start3A_878, %dma_start3A_879] : memref<3x4x2x896xf32, #tpu.memory_space<vmem>> -> memref<1x1x2x896xf32, #tpu.memory_space<vmem>>
      %dma_start3A_881 = tpu.memref_squeeze %dma_start3A_880 : memref<1x1x2x896xf32, #tpu.memory_space<vmem>> -> memref<2x896xf32, #tpu.memory_space<vmem>>
      %dma_start3A_882 = arith.constant 0 : i32
      %dma_start3A_883 = arith.constant 0 : i32
      %dma_start3A_884 = tpu.memref_slice %arg4[%add3A_875, %dma_start3A_882, %dma_start3A_883] : memref<5376x2x896xf32, #tpu.memory_space<hbm>> -> memref<1x2x896xf32, #tpu.memory_space<hbm>>
      %dma_start3A_885 = tpu.memref_squeeze %dma_start3A_884 : memref<1x2x896xf32, #tpu.memory_space<hbm>> -> memref<2x896xf32, #tpu.memory_space<hbm>>
      %dma_start3A_886 = arith.constant 0 : i32
      %dma_start3A_887 = arith.constant 0 : i32
      %dma_start3A_888 = tpu.memref_slice %arg4[%add3A_875, %dma_start3A_886, %dma_start3A_887] : memref<5376x2x896xf32, #tpu.memory_space<hbm>> -> memref<1x2x896xf32, #tpu.memory_space<hbm>>
      %dma_start3A_889 = tpu.memref_squeeze %dma_start3A_888 : memref<1x2x896xf32, #tpu.memory_space<hbm>> -> memref<2x896xf32, #tpu.memory_space<hbm>>
      %dma_start3A_890 = arith.constant 0 : i32
      %dma_start3A_891 = arith.constant 0 : i32
      %dma_start3A_892 = tpu.memref_slice %arg8[%dma_start3A_876, %dma_start3A_877, %dma_start3A_890, %dma_start3A_891] : memref<3x4x2x896xf32, #tpu.memory_space<vmem>> -> memref<1x1x2x896xf32, #tpu.memory_space<vmem>>
      %dma_start3A_893 = tpu.memref_squeeze %dma_start3A_892 : memref<1x1x2x896xf32, #tpu.memory_space<vmem>> -> memref<2x896xf32, #tpu.memory_space<vmem>>
      tpu.enqueue_dma source(%dma_start3A_893 : memref<2x896xf32, #tpu.memory_space<vmem>>) target(%dma_start3A_889 : memref<2x896xf32, #tpu.memory_space<hbm>>) target_semaphore(%arg14 : memref<!tpu.dma_semaphore, #tpu.memory_space<semaphore_mem>>)
      %mul3A_894 = arith.constant 48 : i32
      %mul3A_895 = arith.muli %select_n3A_842, %mul3A_894 : i32
      %add3A_896 = arith.addi %mul3A_895, %mul3A_860 : i32
      %add3A_897 = arith.constant 1 : i32
      %add3A_898 = arith.addi %add3A_896, %add3A_897 : i32
      %mul3A_899 = arith.constant 28 : i32
      %mul3A_900 = arith.muli %add3A_898, %mul3A_899 : i32
      %add3A_901 = arith.addi %mul3A_900, %select_n3A_818 : i32
      %dma_start3A_902 = arith.constant 2 : i32
      %dma_start3A_903 = arith.constant 1 : i32
      %dma_start3A_904 = arith.constant 0 : i32
      %dma_start3A_905 = arith.constant 0 : i32
      %dma_start3A_906 = tpu.memref_slice %arg8[%dma_start3A_902, %dma_start3A_903, %dma_start3A_904, %dma_start3A_905] : memref<3x4x2x896xf32, #tpu.memory_space<vmem>> -> memref<1x1x2x896xf32, #tpu.memory_space<vmem>>
      %dma_start3A_907 = tpu.memref_squeeze %dma_start3A_906 : memref<1x1x2x896xf32, #tpu.memory_space<vmem>> -> memref<2x896xf32, #tpu.memory_space<vmem>>
      %dma_start3A_908 = arith.constant 0 : i32
      %dma_start3A_909 = arith.constant 0 : i32
      %dma_start3A_910 = tpu.memref_slice %arg4[%add3A_901, %dma_start3A_908, %dma_start3A_909] : memref<5376x2x896xf32, #tpu.memory_space<hbm>> -> memref<1x2x896xf32, #tpu.memory_space<hbm>>
      %dma_start3A_911 = tpu.memref_squeeze %dma_start3A_910 : memref<1x2x896xf32, #tpu.memory_space<hbm>> -> memref<2x896xf32, #tpu.memory_space<hbm>>
      %dma_start3A_912 = arith.constant 0 : i32
      %dma_start3A_913 = arith.constant 0 : i32
      %dma_start3A_914 = tpu.memref_slice %arg4[%add3A_901, %dma_start3A_912, %dma_start3A_913] : memref<5376x2x896xf32, #tpu.memory_space<hbm>> -> memref<1x2x896xf32, #tpu.memory_space<hbm>>
      %dma_start3A_915 = tpu.memref_squeeze %dma_start3A_914 : memref<1x2x896xf32, #tpu.memory_space<hbm>> -> memref<2x896xf32, #tpu.memory_space<hbm>>
      %dma_start3A_916 = arith.constant 0 : i32
      %dma_start3A_917 = arith.constant 0 : i32
      %dma_start3A_918 = tpu.memref_slice %arg8[%dma_start3A_902, %dma_start3A_903, %dma_start3A_916, %dma_start3A_917] : memref<3x4x2x896xf32, #tpu.memory_space<vmem>> -> memref<1x1x2x896xf32, #tpu.memory_space<vmem>>
      %dma_start3A_919 = tpu.memref_squeeze %dma_start3A_918 : memref<1x1x2x896xf32, #tpu.memory_space<vmem>> -> memref<2x896xf32, #tpu.memory_space<vmem>>
      tpu.enqueue_dma source(%dma_start3A_919 : memref<2x896xf32, #tpu.memory_space<vmem>>) target(%dma_start3A_915 : memref<2x896xf32, #tpu.memory_space<hbm>>) target_semaphore(%arg14 : memref<!tpu.dma_semaphore, #tpu.memory_space<semaphore_mem>>)
      %mul3A_920 = arith.constant 48 : i32
      %mul3A_921 = arith.muli %select_n3A_842, %mul3A_920 : i32
      %add3A_922 = arith.addi %mul3A_921, %mul3A_860 : i32
      %add3A_923 = arith.constant 2 : i32
      %add3A_924 = arith.addi %add3A_922, %add3A_923 : i32
      %mul3A_925 = arith.constant 28 : i32
      %mul3A_926 = arith.muli %add3A_924, %mul3A_925 : i32
      %add3A_927 = arith.addi %mul3A_926, %select_n3A_818 : i32
      %dma_start3A_928 = arith.constant 2 : i32
      %dma_start3A_929 = arith.constant 2 : i32
      %dma_start3A_930 = arith.constant 0 : i32
      %dma_start3A_931 = arith.constant 0 : i32
      %dma_start3A_932 = tpu.memref_slice %arg8[%dma_start3A_928, %dma_start3A_929, %dma_start3A_930, %dma_start3A_931] : memref<3x4x2x896xf32, #tpu.memory_space<vmem>> -> memref<1x1x2x896xf32, #tpu.memory_space<vmem>>
      %dma_start3A_933 = tpu.memref_squeeze %dma_start3A_932 : memref<1x1x2x896xf32, #tpu.memory_space<vmem>> -> memref<2x896xf32, #tpu.memory_space<vmem>>
      %dma_start3A_934 = arith.constant 0 : i32
      %dma_start3A_935 = arith.constant 0 : i32
      %dma_start3A_936 = tpu.memref_slice %arg4[%add3A_927, %dma_start3A_934, %dma_start3A_935] : memref<5376x2x896xf32, #tpu.memory_space<hbm>> -> memref<1x2x896xf32, #tpu.memory_space<hbm>>
      %dma_start3A_937 = tpu.memref_squeeze %dma_start3A_936 : memref<1x2x896xf32, #tpu.memory_space<hbm>> -> memref<2x896xf32, #tpu.memory_space<hbm>>
      %dma_start3A_938 = arith.constant 0 : i32
      %dma_start3A_939 = arith.constant 0 : i32
      %dma_start3A_940 = tpu.memref_slice %arg4[%add3A_927, %dma_start3A_938, %dma_start3A_939] : memref<5376x2x896xf32, #tpu.memory_space<hbm>> -> memref<1x2x896xf32, #tpu.memory_space<hbm>>
      %dma_start3A_941 = tpu.memref_squeeze %dma_start3A_940 : memref<1x2x896xf32, #tpu.memory_space<hbm>> -> memref<2x896xf32, #tpu.memory_space<hbm>>
      %dma_start3A_942 = arith.constant 0 : i32
      %dma_start3A_943 = arith.constant 0 : i32
      %dma_start3A_944 = tpu.memref_slice %arg8[%dma_start3A_928, %dma_start3A_929, %dma_start3A_942, %dma_start3A_943] : memref<3x4x2x896xf32, #tpu.memory_space<vmem>> -> memref<1x1x2x896xf32, #tpu.memory_space<vmem>>
      %dma_start3A_945 = tpu.memref_squeeze %dma_start3A_944 : memref<1x1x2x896xf32, #tpu.memory_space<vmem>> -> memref<2x896xf32, #tpu.memory_space<vmem>>
      tpu.enqueue_dma source(%dma_start3A_945 : memref<2x896xf32, #tpu.memory_space<vmem>>) target(%dma_start3A_941 : memref<2x896xf32, #tpu.memory_space<hbm>>) target_semaphore(%arg14 : memref<!tpu.dma_semaphore, #tpu.memory_space<semaphore_mem>>)
      %mul3A_946 = arith.constant 48 : i32
      %mul3A_947 = arith.muli %select_n3A_842, %mul3A_946 : i32
      %add3A_948 = arith.addi %mul3A_947, %mul3A_860 : i32
      %add3A_949 = arith.constant 3 : i32
      %add3A_950 = arith.addi %add3A_948, %add3A_949 : i32
      %mul3A_951 = arith.constant 28 : i32
      %mul3A_952 = arith.muli %add3A_950, %mul3A_951 : i32
      %add3A_953 = arith.addi %mul3A_952, %select_n3A_818 : i32
      %dma_start3A_954 = arith.constant 2 : i32
      %dma_start3A_955 = arith.constant 3 : i32
      %dma_start3A_956 = arith.constant 0 : i32
      %dma_start3A_957 = arith.constant 0 : i32
      %dma_start3A_958 = tpu.memref_slice %arg8[%dma_start3A_954, %dma_start3A_955, %dma_start3A_956, %dma_start3A_957] : memref<3x4x2x896xf32, #tpu.memory_space<vmem>> -> memref<1x1x2x896xf32, #tpu.memory_space<vmem>>
      %dma_start3A_959 = tpu.memref_squeeze %dma_start3A_958 : memref<1x1x2x896xf32, #tpu.memory_space<vmem>> -> memref<2x896xf32, #tpu.memory_space<vmem>>
      %dma_start3A_960 = arith.constant 0 : i32
      %dma_start3A_961 = arith.constant 0 : i32
      %dma_start3A_962 = tpu.memref_slice %arg4[%add3A_953, %dma_start3A_960, %dma_start3A_961] : memref<5376x2x896xf32, #tpu.memory_space<hbm>> -> memref<1x2x896xf32, #tpu.memory_space<hbm>>
      %dma_start3A_963 = tpu.memref_squeeze %dma_start3A_962 : memref<1x2x896xf32, #tpu.memory_space<hbm>> -> memref<2x896xf32, #tpu.memory_space<hbm>>
      %dma_start3A_964 = arith.constant 0 : i32
      %dma_start3A_965 = arith.constant 0 : i32
      %dma_start3A_966 = tpu.memref_slice %arg4[%add3A_953, %dma_start3A_964, %dma_start3A_965] : memref<5376x2x896xf32, #tpu.memory_space<hbm>> -> memref<1x2x896xf32, #tpu.memory_space<hbm>>
      %dma_start3A_967 = tpu.memref_squeeze %dma_start3A_966 : memref<1x2x896xf32, #tpu.memory_space<hbm>> -> memref<2x896xf32, #tpu.memory_space<hbm>>
      %dma_start3A_968 = arith.constant 0 : i32
      %dma_start3A_969 = arith.constant 0 : i32
      %dma_start3A_970 = tpu.memref_slice %arg8[%dma_start3A_954, %dma_start3A_955, %dma_start3A_968, %dma_start3A_969] : memref<3x4x2x896xf32, #tpu.memory_space<vmem>> -> memref<1x1x2x896xf32, #tpu.memory_space<vmem>>
      %dma_start3A_971 = tpu.memref_squeeze %dma_start3A_970 : memref<1x1x2x896xf32, #tpu.memory_space<vmem>> -> memref<2x896xf32, #tpu.memory_space<vmem>>
      tpu.enqueue_dma source(%dma_start3A_971 : memref<2x896xf32, #tpu.memory_space<vmem>>) target(%dma_start3A_967 : memref<2x896xf32, #tpu.memory_space<hbm>>) target_semaphore(%arg14 : memref<!tpu.dma_semaphore, #tpu.memory_space<semaphore_mem>>)
      %scan3A_972 = arith.constant 0 : i32
      scf.yield %scan3A_972 : i32
    }
    %scan3A_229 = arith.constant 14 : i32
    %dma_wait3A = arith.constant 0 : i32
    %dma_wait3A_230 = arith.constant 0 : i32
    %dma_wait3A_231 = arith.constant 0 : i32
    %dma_wait3A_232 = arith.constant 0 : i32
    %dma_wait3A_233 = tpu.memref_slice %arg8[%dma_wait3A, %dma_wait3A_230, %dma_wait3A_231, %dma_wait3A_232] : memref<3x4x2x896xf32, #tpu.memory_space<vmem>> -> memref<1x4x2x896xf32, #tpu.memory_space<vmem>>
    %dma_wait3A_234 = tpu.memref_squeeze %dma_wait3A_233 : memref<1x4x2x896xf32, #tpu.memory_space<vmem>> -> memref<4x2x896xf32, #tpu.memory_space<vmem>>
    %dma_wait3A_235 = arith.constant 0 : i32
    %dma_wait3A_236 = arith.constant 0 : i32
    %dma_wait3A_237 = arith.constant 0 : i32
    %dma_wait3A_238 = tpu.memref_slice %arg4[%dma_wait3A_235, %dma_wait3A_236, %dma_wait3A_237] : memref<5376x2x896xf32, #tpu.memory_space<hbm>> -> memref<4x2x896xf32, #tpu.memory_space<hbm>>
    %dma_wait3A_239 = arith.constant 0 : i32
    %dma_wait3A_240 = arith.constant 0 : i32
    %dma_wait3A_241 = arith.constant 0 : i32
    %dma_wait3A_242 = tpu.memref_slice %arg4[%dma_wait3A_239, %dma_wait3A_240, %dma_wait3A_241] : memref<5376x2x896xf32, #tpu.memory_space<hbm>> -> memref<4x2x896xf32, #tpu.memory_space<hbm>>
    %dma_wait3A_243 = arith.constant 0 : i32
    %dma_wait3A_244 = arith.constant 0 : i32
    %dma_wait3A_245 = arith.constant 0 : i32
    %dma_wait3A_246 = tpu.memref_slice %arg8[%dma_wait3A, %dma_wait3A_243, %dma_wait3A_244, %dma_wait3A_245] : memref<3x4x2x896xf32, #tpu.memory_space<vmem>> -> memref<1x4x2x896xf32, #tpu.memory_space<vmem>>
    %dma_wait3A_247 = tpu.memref_squeeze %dma_wait3A_246 : memref<1x4x2x896xf32, #tpu.memory_space<vmem>> -> memref<4x2x896xf32, #tpu.memory_space<vmem>>
    tpu.wait_dma2 semaphore(%arg12 : memref<!tpu.dma_semaphore, #tpu.memory_space<semaphore_mem>>) src(%dma_wait3A_247 : memref<4x2x896xf32, #tpu.memory_space<vmem>>) dst(%dma_wait3A_242 : memref<4x2x896xf32, #tpu.memory_space<hbm>>)
    %dma_wait3A_248 = arith.constant 1 : i32
    %dma_wait3A_249 = arith.constant 0 : i32
    %dma_wait3A_250 = arith.constant 0 : i32
    %dma_wait3A_251 = arith.constant 0 : i32
    %dma_wait3A_252 = tpu.memref_slice %arg8[%dma_wait3A_248, %dma_wait3A_249, %dma_wait3A_250, %dma_wait3A_251] : memref<3x4x2x896xf32, #tpu.memory_space<vmem>> -> memref<1x4x2x896xf32, #tpu.memory_space<vmem>>
    %dma_wait3A_253 = tpu.memref_squeeze %dma_wait3A_252 : memref<1x4x2x896xf32, #tpu.memory_space<vmem>> -> memref<4x2x896xf32, #tpu.memory_space<vmem>>
    %dma_wait3A_254 = arith.constant 0 : i32
    %dma_wait3A_255 = arith.constant 0 : i32
    %dma_wait3A_256 = arith.constant 0 : i32
    %dma_wait3A_257 = tpu.memref_slice %arg4[%dma_wait3A_254, %dma_wait3A_255, %dma_wait3A_256] : memref<5376x2x896xf32, #tpu.memory_space<hbm>> -> memref<4x2x896xf32, #tpu.memory_space<hbm>>
    %dma_wait3A_258 = arith.constant 0 : i32
    %dma_wait3A_259 = arith.constant 0 : i32
    %dma_wait3A_260 = arith.constant 0 : i32
    %dma_wait3A_261 = tpu.memref_slice %arg4[%dma_wait3A_258, %dma_wait3A_259, %dma_wait3A_260] : memref<5376x2x896xf32, #tpu.memory_space<hbm>> -> memref<4x2x896xf32, #tpu.memory_space<hbm>>
    %dma_wait3A_262 = arith.constant 0 : i32
    %dma_wait3A_263 = arith.constant 0 : i32
    %dma_wait3A_264 = arith.constant 0 : i32
    %dma_wait3A_265 = tpu.memref_slice %arg8[%dma_wait3A_248, %dma_wait3A_262, %dma_wait3A_263, %dma_wait3A_264] : memref<3x4x2x896xf32, #tpu.memory_space<vmem>> -> memref<1x4x2x896xf32, #tpu.memory_space<vmem>>
    %dma_wait3A_266 = tpu.memref_squeeze %dma_wait3A_265 : memref<1x4x2x896xf32, #tpu.memory_space<vmem>> -> memref<4x2x896xf32, #tpu.memory_space<vmem>>
    tpu.wait_dma2 semaphore(%arg13 : memref<!tpu.dma_semaphore, #tpu.memory_space<semaphore_mem>>) src(%dma_wait3A_266 : memref<4x2x896xf32, #tpu.memory_space<vmem>>) dst(%dma_wait3A_261 : memref<4x2x896xf32, #tpu.memory_space<hbm>>)
    %dma_wait3A_267 = arith.constant 2 : i32
    %dma_wait3A_268 = arith.constant 0 : i32
    %dma_wait3A_269 = arith.constant 0 : i32
    %dma_wait3A_270 = arith.constant 0 : i32
    %dma_wait3A_271 = tpu.memref_slice %arg8[%dma_wait3A_267, %dma_wait3A_268, %dma_wait3A_269, %dma_wait3A_270] : memref<3x4x2x896xf32, #tpu.memory_space<vmem>> -> memref<1x4x2x896xf32, #tpu.memory_space<vmem>>
    %dma_wait3A_272 = tpu.memref_squeeze %dma_wait3A_271 : memref<1x4x2x896xf32, #tpu.memory_space<vmem>> -> memref<4x2x896xf32, #tpu.memory_space<vmem>>
    %dma_wait3A_273 = arith.constant 0 : i32
    %dma_wait3A_274 = arith.constant 0 : i32
    %dma_wait3A_275 = arith.constant 0 : i32
    %dma_wait3A_276 = tpu.memref_slice %arg4[%dma_wait3A_273, %dma_wait3A_274, %dma_wait3A_275] : memref<5376x2x896xf32, #tpu.memory_space<hbm>> -> memref<4x2x896xf32, #tpu.memory_space<hbm>>
    %dma_wait3A_277 = arith.constant 0 : i32
    %dma_wait3A_278 = arith.constant 0 : i32
    %dma_wait3A_279 = arith.constant 0 : i32
    %dma_wait3A_280 = tpu.memref_slice %arg4[%dma_wait3A_277, %dma_wait3A_278, %dma_wait3A_279] : memref<5376x2x896xf32, #tpu.memory_space<hbm>> -> memref<4x2x896xf32, #tpu.memory_space<hbm>>
    %dma_wait3A_281 = arith.constant 0 : i32
    %dma_wait3A_282 = arith.constant 0 : i32
    %dma_wait3A_283 = arith.constant 0 : i32
    %dma_wait3A_284 = tpu.memref_slice %arg8[%dma_wait3A_267, %dma_wait3A_281, %dma_wait3A_282, %dma_wait3A_283] : memref<3x4x2x896xf32, #tpu.memory_space<vmem>> -> memref<1x4x2x896xf32, #tpu.memory_space<vmem>>
    %dma_wait3A_285 = tpu.memref_squeeze %dma_wait3A_284 : memref<1x4x2x896xf32, #tpu.memory_space<vmem>> -> memref<4x2x896xf32, #tpu.memory_space<vmem>>
    tpu.wait_dma2 semaphore(%arg14 : memref<!tpu.dma_semaphore, #tpu.memory_space<semaphore_mem>>) src(%dma_wait3A_285 : memref<4x2x896xf32, #tpu.memory_space<vmem>>) dst(%dma_wait3A_280 : memref<4x2x896xf32, #tpu.memory_space<hbm>>)
    return
  }
}

</mosaic_0001>

<sc_bundles>
// kernel: _fused_multi_pool.3.cloned.1.call-start
scs
__scs_entry_jumppad:
0x0: {  	(pc) =	sbr.rel $0x88, $3  }
0x1: {  	(tag) =	ssettag $0x0;
	lr =	simm.s32 $0x1  }
0x2: {  	[smem:$0x3F9F] =	sst lr;
	_ =	strace $0xD0000000  }
0x3: {  	_ = 	snop  }
0x4: {  	_ = 	snop  }
0x5: {  	_ = 	snop  }
0x6: {  	_ = 	snop  }
0x7: {  	_ = 	snop  }
__scs_overlays_trampoline_lowered:
0x8: {  	[smem:$0x3FAE] =	sst s0  }
0x9: {  	[smem:$0x3FAF] =	sst s1  }
0xa: {  	[smem:$0x3FB0] =	sst s2  }
0xb: {  	[smem:$0x3FB1] =	sst s3  }
0xc: {  	[smem:$0x3FB2] =	sst s4  }
0xd: {  	[smem:$0x3FB3] =	sst s5  }
0xe: {  	[smem:$0x3FB4] =	sst s6  }
0xf: {  	[smem:$0x3FB5] =	sst s7  }
0x10: {  	[smem:$0x3FB6] =	sst s8  }
0x11: {  	[smem:$0x3FB7] =	sst s9;
	s0 =	simm.s32 @!p0 $0x0  }
0x12: {  	s1 =	sld [smem:$0x3F9D];
	s0 =	simm.s32 @p0 $0x1  }
0x13: {  	[smem:$0x3FB8] =	sst s0;
	s0 =	simm.s32 @!p1 $0x0  }
0x14: {  	s2 =	sld [smem:$0x3F9C];
	s0 =	simm.s32 @p1 $0x1  }
0x15: {  	[smem:$0x3FB9] =	sst s0;
	s0 =	simm.s32 @!p2 $0x0  }
0x16: {  	s3 =	sld [smem:$0x3FDB];
	s0 =	simm.s32 @p2 $0x1  }
0x17: {  	s4 =	simm.s32 $0x1BF5;
	[smem:$0x3FBB] =	sst s0  }
0x18: {  	s0 =	sld [smem:$0x3F9E];
	_ =	swait.ge [sflag:s4], $0x0  }
0x19: {  	s7 =	sld [smem:$0x3F9F]  }
0x1a: {  	s8 =	sadd.s32 $0xFFFFE003, lr  }
0x1b: {  	s9 =	sadd.s32 $0xFFFFFEF7, lr;
	s5 =	simm.s32 $0xFFFFFFFF;
	p2 =	slt.u32 s8, $0xFFFFF086  }
0x1c: {  	p1 =	slt.u32 s9, $0xF7A;
	s5 =	simm.s32 @!p2 $0x0  }
0x1d: {  	s5 =	simm.s32 @p1 $0x1;
	p0 =	seq.s32 s7, s2  }
0x1e: {  	s7 =	smul.u32 @!p0 $0xF7A, s2;
	p2 =	seq.s32 @!p0 s5, $0x0  }
0x1f: {  	s9 =	smul.u32 $0xF7A, s1;
	s8 =	simm.s32 @!p0 $0x1BF5;
	p2 =	por !p2, p0  }
0x20: {  	[sflag:s8] =	ssyncset.s32 @!p0 $0xFFFFF086;
	s6 =	sadd.s32 @!p0 s3, s7;
	s7 =	simm.s32 @!p0 $0x108  }
0x21: {  	s3 =	sadd.s32 s3, s9;
	s6 =	sadd.s32 @!p0 $0x88, s6;
	s7 =	simm.s32 @p2 $0x1082  }
0x22: {  	[simem:s7], [sflag:s8] =	dma.local @!p0 [hbm:s6], $0xF7A  }
0x23: {  	s9 =	sor.u32 $0xD0000000, s2;
	s6 =	simm.s32 $0x108;
	_ =	swait.ge @!p0 [sflag:s8], $0x0  }
0x24: {  	s3 =	sadd.s32 $0x88, s3;
	s6 =	simm.s32 @!p1 $0x1082;
	[sflag:s4] =	ssyncset.s32 $0xFFFFF086  }
0x25: {  	[simem:s6], [sflag:s4] =	dma.local [hbm:s3], $0xF7A  }
0x26: {  	[smem:$0x3F9F] =	sst s1;
	(tag) =	ssettag s2;
	_ =	strace s9  }
0x27: {  	s1 =	sld [smem:$0x3FAF]  }
0x28: {  	s2 =	sld [smem:$0x3FB0]  }
0x29: {  	s4 =	sld [smem:$0x3FB2]  }
0x2a: {  	p0 =	seq.s32 s5, $0x0;
	s5 =	sld [smem:$0x3FB3]  }
0x2b: {  	s6 =	sld [smem:$0x3FB4]  }
0x2c: {  	s7 =	sld [smem:$0x3FB5]  }
0x2d: {  	s3 =	simm.s32 $0x108;
	s8 =	sld [smem:$0x3FB6]  }
0x2e: {  	s3 =	simm.s32 @!p0 $0x1082;
	s9 =	sld [smem:$0x3FB7]  }
0x2f: {  	lr =	sadd.s32 s0, s3;
	s0 =	sld [smem:$0x3FAE]  }
0x30: {  	s3 =	sld [smem:$0x3FB1]  }
0x31: {  	[smem:$0x3FBA] =	sst s10  }
0x32: {  	s10 =	sld [smem:$0x3FB8];
	_ =	sdelay $0x3  }
0x33: {  	p0 =	seq.s32 s10, $0x1;
	s10 =	sld [smem:$0x3FBA];
	_ =	sdelay $0x3  }
0x34: {  	[smem:$0x3FBA] =	sst s10  }
0x35: {  	s10 =	sld [smem:$0x3FB9];
	_ =	sdelay $0x3  }
0x36: {  	p1 =	seq.s32 s10, $0x1;
	s10 =	sld [smem:$0x3FBA];
	_ =	sdelay $0x3  }
0x37: {  	[smem:$0x3FBA] =	sst s10  }
0x38: {  	s10 =	sld [smem:$0x3FBB]  }
0x39: {  	_ = 	snop;
	(pc) =	sbr.ind lr, $3  }
0x3a: {  	_ = 	snop  }
0x3b: {  	_ = 	snop  }
0x3c: {  	p2 =	seq.s32 s10, $0x1;
	s10 =	sld [smem:$0x3FBA]  }
0x3d: {  	_ =	shalt  }
0x3e: {  	_ =	shalt  }
0x3f: {  	_ =	shalt  }
0x40: {  	_ =	shalt  }
0x41: {  	_ =	shalt  }
0x42: {  	_ =	shalt  }
0x43: {  	_ =	shalt  }
0x44: {  	_ =	shalt  }
0x45: {  	_ =	shalt  }
0x46: {  	_ =	shalt  }
0x47: {  	_ =	shalt  }
0x48: {  	_ =	shalt  }
0x49: {  	_ =	shalt  }
0x4a: {  	_ =	shalt  }
0x4b: {  	_ =	shalt  }
0x4c: {  	_ =	shalt  }
0x4d: {  	_ =	shalt  }
0x4e: {  	_ =	shalt  }
0x4f: {  	_ =	shalt  }
0x50: {  	_ =	shalt  }
0x51: {  	_ =	shalt  }
0x52: {  	_ =	shalt  }
0x53: {  	_ =	shalt  }
0x54: {  	_ =	shalt  }
0x55: {  	_ =	shalt  }
0x56: {  	_ =	shalt  }
0x57: {  	_ =	shalt  }
0x58: {  	_ =	shalt  }
0x59: {  	_ =	shalt  }
0x5a: {  	_ =	shalt  }
0x5b: {  	_ =	shalt  }
0x5c: {  	_ =	shalt  }
0x5d: {  	_ =	shalt  }
0x5e: {  	_ =	shalt  }
0x5f: {  	_ =	shalt  }
0x60: {  	_ =	shalt  }
0x61: {  	_ =	shalt  }
0x62: {  	_ =	shalt  }
0x63: {  	_ =	shalt  }
0x64: {  	_ =	shalt  }
0x65: {  	_ =	shalt  }
0x66: {  	_ =	shalt  }
0x67: {  	_ =	shalt  }
0x68: {  	_ =	shalt  }
0x69: {  	_ =	shalt  }
0x6a: {  	_ =	shalt  }
0x6b: {  	_ =	shalt  }
0x6c: {  	_ =	shalt  }
0x6d: {  	_ =	shalt  }
0x6e: {  	_ =	shalt  }
0x6f: {  	_ =	shalt  }
0x70: {  	_ =	shalt  }
0x71: {  	_ =	shalt  }
0x72: {  	_ =	shalt  }
0x73: {  	_ =	shalt  }
0x74: {  	_ =	shalt  }
0x75: {  	_ =	shalt  }
0x76: {  	_ =	shalt  }
0x77: {  	_ =	shalt  }
0x78: {  	_ =	shalt  }
0x79: {  	_ =	shalt  }
0x7a: {  	_ =	shalt  }
0x7b: {  	_ =	shalt  }
0x7c: {  	_ =	shalt  }
0x7d: {  	_ =	shalt  }
0x7e: {  	_ =	shalt  }
0x7f: {  	_ =	shalt  }
0x80: {  	_ =	shalt  }
0x81: {  	_ =	shalt  }
0x82: {  	_ =	shalt  }
0x83: {  	_ =	shalt  }
0x84: {  	_ =	shalt  }
0x85: {  	_ =	shalt  }
0x86: {  	_ =	shalt  }
0x87: {  	_ =	shalt  }
.Lfunc_end0:
.L_simem_size_0:
called_computation_lowered:
.L_overlay_start_0:
0x88: {  	s2 =	sld [smem:$0x3FD9]  }
0x89: {  	s3 =	sld [smem:$0x3FFE];
	_ =	sdelay $0x1  }
0x8a: {  	s1 =	srdreg.scid  }
0x8b: {  	s0 =	sand.u32 $0x1, s1  }
0x8c: {  	s18 =	sshll.u32 s0, $0xA;
	s2 =	sadd.s32 s3, s2  }
0x8d: {  	s2 =	sadd.s32 s2, s18  }
0x8e: {  	[smem:$0x3FC6] =	sst s2  }
0x8f: {  	_ = 	snop  }
0x90: {  	s2 =	sld [smem:$0x3FC9]  }
0x91: {  	s19 =	sld [smem:$0x3FC8]  }
0x92: {  	s4 =	sld [smem:$0x3FD0];
	(tm) =	ssettm $0x1  }
0x93: {  	s5 =	sld [smem:$0x3FFB];
	_ =	sdelay $0x3  }
0x94: {  	_ =	strace s5  }
0x95: {  	s5 =	sld [smem:$0x3FFC];
	_ =	sdelay $0x3  }
0x96: {  	_ =	strace s5  }
0x97: {  	s5 =	sld [smem:$0x3FFD];
	_ =	sdelay $0x3  }
0x98: {  	_ =	strace s5  }
0x99: {  	_ =	strace $0x8FFFFFFF  }
0x9a: {  	s20 =	sld [smem:$0x3FDB];
	_ =	sdelay $0x1  }
0x9b: {  	s6 =	simm.s32 $_scs_section_size  }
0x9c: {  	s7 =	simm.s32 $_size__tile_overlayer_lowered;
	s8 =	simm.s32 $_tile_overlayer_lowered  }
0x9d: {  	s23 =	simm.s32 $0x1BFF;
	s22 =	sshll.u32 s8, $0x1;
	s5 =	sadd.s32 s6, s20  }
0x9e: {  	s9 =	simm.s32 $0x0;
	s21 =	sshll.u32 s7, $0x1;
	s7 =	sadd.s32 s22, s5  }
0x9f: {  	[timem:s9], [sflag:s23] =	dma.local [hbm:s7], s21  }
0xa0: {  	_ =	swait.ge [sflag:s23], s21  }
0xa1: {  	s6 =	ssub.s32 $0x0, s21;
	[sflag:s23] =	ssyncset.done $0x0  }
0xa2: {  	[sflag:s23] =	ssyncadd.s32 s6;
	_ =	sdelay $0x1  }
0xa3: {  	s24 =	simm.s32 $0x1B8B  }
0xa4: {  	_ =	swait.ge [sflag:s24], $0x1  }
0xa5: {  	[sflag:s24] =	ssyncset.done $0x0  }
0xa6: {  	s25 =	simm.s32 $0x1B8E;
	[sflag:s24] =	ssyncadd.s32 $0xFFFFFFFF  }
0xa7: {  	s26 =	simm.s32 $execute0_lowered;
	[smem:$0x3FD2] =	sst s25  }
0xa8: {  	s6 =	sshll.u32 s26, $0x1;
	_ =	strace $0x80000046;
	[dreg:$0x1] =	wrdreg $0xFFFFFFFF  }
0xa9: {  	s28 =	simm.s32 $_size_execute0_lowered;
	s5 =	sadd.s32 s5, s6;
	[dreg:$0x0] =	wrdreg $0x0  }
0xaa: {  	s6 =	sshll.u32 s28, $0x1;
	[dreg:$0x2] =	wrdreg s5  }
0xab: {  	[dreg:$0x3] =	wrdreg s6  }
0xac: {  	[dreg:$0x4] =	wrdreg $0xC0  }
0xad: {  	_ =	task [dreg:s9], $0x5FFFF  }
0xae: {  	[dreg:$0x1] =	wrdreg $0xFFFFFFFF  }
0xaf: {  	[dreg:$0x0] =	wrdreg $0x60  }
0xb0: {  	[dreg:$0x2] =	wrdreg s2  }
0xb1: {  	[dreg:$0x3] =	wrdreg s19  }
0xb2: {  	[dreg:$0x4] =	wrdreg s4  }
0xb3: {  	[dreg:$0x5] =	wrdreg $0x9  }
0xb4: {  	_ =	task.clear_ibuf [dreg:s9], $0x6FFFF;
	_ =	strace $0x90000046  }
0xb5: {  	s29 =	simm.s32 $0x9;
	_ =	strace $0x80000048  }
0xb6: {  	_ =	swait.ge [sflag:s29], $0x1  }
0xb7: {  	[sflag:s29] =	ssyncadd.s32 $0xFFFFFFFF  }
0xb8: {  	_ =	strace $0x90000048  }
0xb9: {  	_ =	sfence  }
0xba: {  	s30 =	sld [smem:$0x0];
	_ =	sdelay $0x2  }
0xbb: {  	s31 =	sshll.u32 s1, $0xD;
	s1 =	sshrl.u32 s1, $0x2  }
0xbc: {  	s3 =	sand.u32 $0x4000, s31;
	s1 =	sadd.s32 s1, s30  }
0xbd: {  	s0 =	sor.u32 s3, s0;
	s1 =	sshll.u32 s1, $0x11  }
0xbe: {  	s0 =	sor.u32 s1, s0  }
0xbf: {  	s0 =	sadd.s32 $0x8F2B, s0  }
0xc0: {  	[sflag:s0] =	ssyncadd.remote.s32 $0x1  }
0xc1: {  	_ =	sfence.sel $0xFFFF  }
0xc2: {  	[dreg:$0x0] =	wrdreg $0xFFFFFFFF;
	(pc) =	sbr.abs _section_cstart, $3  }
0xc3: {  	[dreg:$0x1] =	wrdreg $0xFFFFFFFF  }
0xc4: {  	_ =	task.clear_ibuf [dreg:s9], $0x2FFFF;
	_ =	strace $0x9FFFFFFF  }
0xc5: {  	(tm) =	ssettm $0x7FFFFFFF  }
tec
execute0_lowered:
.L_overlay_start_1:
0x0: {  	(tag) =	ssettag $0x1  }
0x1: {  	s0 =	srdreg.scid  }
0x2: {  	s11 =	stileid.u32;
	s2 =	rddreg [dreg:$0x0]  }
0x3: {  	s5 =	rddreg [dreg:$0x2];
	s6 =	simm.s32 $0x0;
	s12 =	simm.s32 $0x1  }
0x4: {  	s13 =	simm.s32 $0xE300;
	s14 =	simm.s32 $0x15300;
	s15 =	simm.s32 $0x15A00  }
0x5: {  	s16 =	simm.s32 $0x16100;
	s0 =	sand.u32 $0x1, s0;
	s1 =	sshll.u32 s11, $0x1  }
0x6: {  	s17 =	simm.s32 $0x16800;
	s18 =	simm.s32 $0x2;
	s1 =	sor.u32 s0, s1  }
0x7: {  	s19 =	simm.s32 $0x5;
	s20 =	simm.s32 $0x16F00;
	s3 =	smul.u32 $0x18012, s1  }
0x8: {  	s21 =	simm.s32 $0x17600;
	s22 =	simm.s32 $0x17D00;
	s28 =	simm.s32 $0x19200  }
0x9: {  	s29 =	simm.s32 $0x19900;
	s4 =	smul.u32 $0x2A, s1;
	s23 =	sshrl.u32 s3, $0x10  }
0xa: {  	s30 =	simm.s32 $0x1A000;
	[smem:$0x7FF] =	sst s6;
	s3 =	smul.u32 $0xAB, s23  }
0xb: {  	s25 =	sshrl.u32 s11, $0x2;
	s0 =	ssub.s32 $0x2, s0;
	_ =	strace $0x80000047  }
0xc: {  	s26 =	smul.u32 $0xC0, s25;
	s8 =	sor.u32 $0x1, s4;
	s3 =	sshrl.u32 s3, $0xB  }
0xd: {  	s10 =	sshrl.u32 s0, $0x1;
	s9 =	smul.u32 $0x925, s8;
	s3 =	sand.u32 $0x1F, s3  }
0xe: {  	s25 =	simm.s32 $0x6;
	s0 =	ssub.s32 s0, s10;
	s3 =	smul.u32 $0xC, s3  }
0xf: {  	v0 =	vmov s26;
	s26 =	simm.s32 $0x18B00;
	s7 =	smul.u32 $0x1C, s23;
	s9 =	sshrl.u32 s9, $0x10  }
0x10: {  	s0 =	smax.u32 s0, $0x1;
	s24 =	smul.u32 $0x1C, s9;
	s1 =	ssub.s32 s23, s3  }
0x11: {  	[dreg:$0x4] =	wrdreg s0;
	s7 =	ssub.s32 s4, s7;
	s1 =	sand.u32 $0xFF, s1  }
0x12: {  	s7 =	sand.u32 $0xFFFE, s7;
	s3 =	ssub.s32 s8, s24;
	s1 =	sshll.u32 s1, $0x6  }
0x13: {  	v3 =	vlaneseq.u32;
	s23 =	simm.s32 $0x18400;
	s3 =	sand.u32 $0xFFFF, s3;
	s31 =	sshrl.u32 s1, $0x2  }
0x14: {  	vm0 =	vmmov $0xffff;
	v1 =	vmov s7;
	s24 =	simm.s32 $0x3;
	v2 =	vmov s3;
	s1 =	simm.s32 $0x0;
	[dreg:$0x5] =	wrdreg s31  }
.LBB2_1:
0x15: {  	[dreg:$0x6] =	wrdreg s1  }
0x16: {  	s0 =	rddreg [dreg:$0x1];
	s9 =	simm.s32 $0x7  }
0x17: {  	[tilespmem:s6], [sflag:$0x7] =	stream.linear.gather [hbm4b:s0+s6], $0x100, $0x38;
	[tilespmem:$0x1A700] =	vst v63  }
0x18: {  	_ =	swait.ge [sflag:s9], $0x100  }
0x19: {  	[sflag:s9] =	ssyncset.done $0x0  }
0x1a: {  	s10 =	rddreg [dreg:$0x5];
	[sflag:s9] =	ssyncadd.s32 $0xFFFFFF00  }
0x1b: {  	v4 =	vld [tilespmem:s10+$0x0];
	_ =	sdelay $0x4  }
0x1c: {  	v4 =	vadd.s32 v0, v4  }
0x1d: {  	v4 =	vmul.u32 $0x1C, v4;
	_ =	sdelay $0x1  }
0x1e: {  	v4 =	vadd.s32 v1, v4  }
0x1f: {  	v5 =	vmul.u32 $0x700, v4;
	_ =	sdelay $0x1  }
0x20: {  	v5 =	vperm.xlane v5, v3;
	_ =	sdelay $0x4  }
0x21: {  	s11 =	simm.s32 $0x300;
	[tilespmem:$0x100] =	vst v4  }
0x22: {  	[tilespmem:s11], [sflag:$0x1] =	stream.indirect_vreg.gather [hbm4b:s2+s6], $0x700, v5, vm0, $0x38;
	[tilespmem:$0x1A700] =	vst v63  }
0x23: {  	v4 =	vld [tilespmem:s10+$0x0];
	_ =	sdelay $0x4  }
0x24: {  	v4 =	vadd.s32 v0, v4  }
0x25: {  	v4 =	vmul.u32 $0x1C, v4;
	_ =	sdelay $0x1  }
0x26: {  	v4 =	vadd.s32 v2, v4  }
0x27: {  	v5 =	vmul.u32 $0x700, v4;
	_ =	sdelay $0x1  }
0x28: {  	v5 =	vperm.xlane v5, v3;
	_ =	sdelay $0x4  }
0x29: {  	s31 =	simm.s32 $0x7300;
	s0 =	simm.s32 $0x0;
	[tilespmem:$0x180] =	vst v4  }
0x2a: {  	[tilespmem:s31], [sflag:$0x2] =	stream.indirect_vreg.gather [hbm4b:s2+s6], $0x700, v5, vm0, $0x38;
	[tilespmem:$0x1A700] =	vst v63  }
.LBB2_2:
0x2b: {  	s7 =	smul.u32 $0x3, s0;
	_ =	sdelay $0x1  }
0x2c: {  	s8 =	sadd.s32 s4, s7  }
0x2d: {  	s1 =	sadd.s32 $0x2, s8  }
0x2e: {  	s3 =	sshrl.u32 s1, $0x2  }
0x2f: {  	s3 =	smulhi.u32 $0x24924925, s3;
	_ =	sdelay $0x1  }
0x30: {  	s9 =	smulhi.u32 $0x15555556, s3;
	_ =	sdelay $0x1  }
0x31: {  	s9 =	smul.u32 $0xC, s9;
	_ =	sdelay $0x1  }
0x32: {  	s9 =	ssub.s32 s3, s9  }
0x33: {  	p0 =	slt.u32 s8, $0x1A;
	s10 =	sshrl.u32 s1, $0x4;
	p1 =	sne.s32 s9, $0x0  }
0x34: {  	s10 =	smulhi.u32 $0x18618619, s10;
	s9 =	sshll.u32 s9, $0x4;
	p0 =	por !p0, !p1  }
0x35: {  	s31 =	simm.s32 $0x1;
	v4 =	vld [tilespmem:s9+$0x0];
	p0 =	por !p0, !p0  }
0x36: {  	s11 =	sshrl.u32 s10, $0x1;
	s31 =	simm.s32 @!p0 $0x0  }
0x37: {  	s9 =	ssub.s32 s11, s31  }
0x38: {  	s9 =	smul.u32 $0xC0, s9;
	_ =	sdelay $0x1  }
0x39: {  	s3 =	smul.u32 $0x1C, s3;
	v4 =	vadd.s32 s9, v4  }
0x3a: {  	v4 =	vmul.u32 $0x1C, v4  }
0x3b: {  	s1 =	ssub.s32 s1, s3  }
0x3c: {  	v4 =	vadd.s32 s1, v4  }
0x3d: {  	v5 =	vmul.u32 $0x700, v4;
	_ =	sdelay $0x1  }
0x3e: {  	v5 =	vperm.xlane v5, v3;
	_ =	sdelay $0x4  }
0x3f: {  	[tilespmem:$0x200] =	vst v4  }
0x40: {  	[tilespmem:s13], [sflag:$0x3] =	stream.indirect_vreg.gather [hbm4b:s2+s6], $0x700, v5, vm0, $0x38;
	[tilespmem:$0x1A700] =	vst v63  }
0x41: {  	_ =	swait.ge [sflag:s12], $0x7000  }
0x42: {  	p0 =	seq.s32 s0, $0x0;
	[sflag:s12] =	ssyncset.done $0x0  }
0x43: {  	s1 =	simm.s32 @!p0 $0x4;
	[sflag:s12] =	ssyncadd.s32 $0xFFFF9000  }
0x44: {  	s10 =	simm.s32 $0x0;
	_ =	swait.ge @!p0 [sflag:s1], $0x1C00  }
0x45: {  	s3 =	sand.u32 $0x700, s10;
	s11 =	sand.u32 $0x70, s10;
	[sflag:s1] =	ssyncset.done @!p0 $0x0  }
0x46: {  	s31 =	sor.u32 s11, s3;
	[sflag:s1] =	ssyncadd.s32 @!p0 $0xFFFFE400  }
0x47: {  	v4 =	vld [tilespmem:s31+$0x5780]  }
0x48: {  	v5 =	vld [tilespmem:s31+$0x5E80]  }
0x49: {  	v6 =	vld [tilespmem:s31+$0x6580]  }
0x4a: {  	v7 =	vld [tilespmem:s31+$0x6C80]  }
0x4b: {  	v8 =	vld [tilespmem:s31+$0x300]  }
0x4c: {  	v9 =	vld [tilespmem:s31+$0xA00]  }
0x4d: {  	v10 =	vld [tilespmem:s31+$0x1100]  }
0x4e: {  	v11 =	vld [tilespmem:s31+$0x1800];
	_ =	sdelay $0x1  }
0x4f: {  	v12 =	vld [tilespmem:s31+$0x380]  }
0x50: {  	v4 =	vmax.f32 v4, v5;
	v5 =	vmax.f32 v6, v7;
	v6 =	vld [tilespmem:s31+$0xA80]  }
0x51: {  	v7 =	vmax.f32 v8, v9;
	v9 =	vld [tilespmem:s31+$0x1F00]  }
0x52: {  	v8 =	vmax.f32 v10, v11;
	v10 =	vld [tilespmem:s31+$0x3400]  }
0x53: {  	v4 =	vmax.f32 v4, v5;
	v5 =	vld [tilespmem:s31+$0x1180]  }
0x54: {  	v7 =	vmax.f32 v7, v8;
	v8 =	vld [tilespmem:s31+$0x2600]  }
0x55: {  	[tilespmem:s31+$0x16880] =	vst v4;
	v4 =	vld [tilespmem:s31+$0x1880]  }
0x56: {  	[tilespmem:s31+$0x15300] =	vst v7;
	v7 =	vld [tilespmem:s31+$0x2D00];
	_ =	sdelay $0x1  }
0x57: {  	v11 =	vld [tilespmem:s31+$0x3480]  }
0x58: {  	v8 =	vmax.f32 v9, v8;
	v9 =	vld [tilespmem:s31+$0x3B00]  }
0x59: {  	v4 =	vmax.f32 v5, v4;
	v5 =	vld [tilespmem:s31+$0x1F80]  }
0x5a: {  	v6 =	vmax.f32 v12, v6;
	v7 =	vmax.f32 v7, v10;
	v10 =	vld [tilespmem:s31+$0x5000]  }
0x5b: {  	v4 =	vmax.f32 v6, v4;
	v6 =	vld [tilespmem:s31+$0x2680]  }
0x5c: {  	v7 =	vmax.f32 v8, v7;
	v8 =	vld [tilespmem:s31+$0x4200]  }
0x5d: {  	[tilespmem:s31+$0x15380] =	vst v4;
	v4 =	vld [tilespmem:s31+$0x2D80]  }
0x5e: {  	[tilespmem:s31+$0x15A00] =	vst v7;
	v7 =	vld [tilespmem:s31+$0x4900];
	_ =	sdelay $0x1  }
0x5f: {  	v63 =	vld [tilespmem:s31+$0x4980]  }
0x60: {  	v13 =	vld [tilespmem:s31+$0x5080]  }
0x61: {  	v5 =	vmax.f32 v5, v6;
	v4 =	vmax.f32 v4, v11;
	v11 =	vld [tilespmem:s31+$0x3B80]  }
0x62: {  	v6 =	vmax.f32 v9, v8;
	v7 =	vmax.f32 v7, v10;
	v4 =	vmax.f32 v5, v4;
	v5 =	vld [tilespmem:s31+$0x4280]  }
0x63: {  	v7 =	vmax.f32 v6, v7;
	v6 =	vld [tilespmem:s31+$0x5E00]  }
0x64: {  	s10 =	simm.s32 $0x10;
	s1 =	simm.s32 $0x20;
	[tilespmem:s31+$0x15A80] =	vst v4;
	v4 =	vld [tilespmem:s31+$0x5700]  }
0x65: {  	s3 =	sand.u32 $0x70, s10;
	s11 =	sand.u32 $0x700, s1;
	v8 =	vld [tilespmem:s31+$0x6500]  }
0x66: {  	s9 =	sor.u32 s3, s11;
	v9 =	vld [tilespmem:s31+$0x6C00];
	[tilespmem:s31+$0x16100] =	vst v7  }
0x67: {  	v7 =	vld [tilespmem:s9+$0x5E80];
	v10 =	vmax.f32 v11, v5;
	v11 =	vmax.f32 v63, v13  }
0x68: {  	s10 =	simm.s32 $0x20;
	s3 =	sadd.s32 $0x2, s7;
	v5 =	vld [tilespmem:s9+$0x5780];
	v10 =	vmax.f32 v10, v11  }
.LBB2_3:
0x69: {  	p1 =	sne.s32 s10, $0x370;
	v11 =	vld [tilespmem:s9+$0x6580];
	[tilespmem:s31+$0x16180] =	vst v10;
	v4 =	vmax.f32 v4, v6  }
0x6a: {  	v6 =	vld [tilespmem:s9+$0x6C80]  }
0x6b: {  	v10 =	vld [tilespmem:s9+$0x300];
	v8 =	vmax.f32 v8, v9  }
0x6c: {  	v9 =	vld [tilespmem:s9+$0xA00];
	v4 =	vmax.f32 v4, v8  }
0x6d: {  	v8 =	vld [tilespmem:s9+$0x1100];
	[tilespmem:s31+$0x16800] =	vst v4;
	s31 =	smov.u32 s9  }
0x6e: {  	v4 =	vld [tilespmem:s31+$0x1800]  }
0x6f: {  	v5 =	vmax.f32 v5, v7;
	v12 =	vld [tilespmem:s31+$0x380];
	v6 =	vmax.f32 v11, v6  }
0x70: {  	v7 =	vld [tilespmem:s31+$0xA80];
	v5 =	vmax.f32 v5, v6  }
0x71: {  	v6 =	vmax.f32 v10, v9;
	v9 =	vld [tilespmem:s31+$0x1180];
	[tilespmem:s31+$0x16880] =	vst v5  }
0x72: {  	v5 =	vld [tilespmem:s31+$0x1880]  }
0x73: {  	v4 =	vmax.f32 v8, v4;
	v8 =	vld [tilespmem:s31+$0x1F00]  }
0x74: {  	v4 =	vmax.f32 v6, v4;
	v6 =	vld [tilespmem:s31+$0x2600]  }
0x75: {  	[tilespmem:s31+$0x15300] =	vst v4;
	v4 =	vmax.f32 v12, v7;
	v7 =	vld [tilespmem:s31+$0x2D00]  }
0x76: {  	v10 =	vld [tilespmem:s31+$0x3400]  }
0x77: {  	v5 =	vmax.f32 v9, v5;
	v9 =	vld [tilespmem:s31+$0x1F80]  }
0x78: {  	v4 =	vmax.f32 v4, v5;
	v5 =	vld [tilespmem:s31+$0x2680]  }
0x79: {  	[tilespmem:s31+$0x15380] =	vst v4;
	v4 =	vmax.f32 v8, v6;
	v6 =	vld [tilespmem:s31+$0x2D80]  }
0x7a: {  	v8 =	vld [tilespmem:s31+$0x3480]  }
0x7b: {  	v7 =	vmax.f32 v7, v10;
	v10 =	vld [tilespmem:s31+$0x3B00]  }
0x7c: {  	v4 =	vmax.f32 v4, v7;
	v7 =	vld [tilespmem:s31+$0x4200]  }
0x7d: {  	[tilespmem:s31+$0x15A00] =	vst v4;
	v4 =	vmax.f32 v9, v5;
	v5 =	vld [tilespmem:s31+$0x4900]  }
0x7e: {  	v9 =	vld [tilespmem:s31+$0x5000]  }
0x7f: {  	v6 =	vmax.f32 v6, v8;
	v8 =	vld [tilespmem:s31+$0x3B80]  }
0x80: {  	v4 =	vmax.f32 v4, v6;
	v11 =	vld [tilespmem:s31+$0x4280]  }
0x81: {  	[tilespmem:s31+$0x15A80] =	vst v4;
	v6 =	vmax.f32 v10, v7;
	v7 =	vld [tilespmem:s31+$0x4980]  }
0x82: {  	v10 =	vld [tilespmem:s31+$0x5080]  }
0x83: {  	v5 =	vmax.f32 v5, v9;
	v4 =	vld [tilespmem:s31+$0x5700]  }
.Ltmp0:
0x84: {  	s1 =	sadd.s32 $0x20, s1;
	v5 =	vmax.f32 v6, v5;
	v6 =	vld [tilespmem:s31+$0x5E00];
	(pc) =	sbr.rel @p1 .LBB2_3-.Ltmp0, $4  }
0x85: {  	s11 =	sand.u32 $0x700, s1;
	s9 =	sand.u32 $0x70, s10;
	[tilespmem:s31+$0x16100] =	vst v5;
	v11 =	vmax.f32 v8, v11;
	v8 =	vld [tilespmem:s31+$0x6500]  }
0x86: {  	s9 =	sor.u32 s9, s11;
	v9 =	vld [tilespmem:s31+$0x6C00]  }
0x87: {  	v5 =	vld [tilespmem:s9+$0x5780];
	v10 =	vmax.f32 v7, v10  }
0x88: {  	s10 =	sadd.s32 $0x10, s10;
	v7 =	vld [tilespmem:s9+$0x5E80];
	v10 =	vmax.f32 v11, v10  }
0x89: {  	v11 =	vld [tilespmem:s9+$0x6580];
	[tilespmem:s31+$0x16180] =	vst v10  }
0x8a: {  	v10 =	vld [tilespmem:s9+$0x6C80]  }
0x8b: {  	v4 =	vmax.f32 v4, v6;
	v12 =	vld [tilespmem:s9+$0x300];
	v42 =	vmax.f32 v8, v9  }
0x8c: {  	v43 =	vld [tilespmem:s9+$0xA00];
	v4 =	vmax.f32 v4, v42  }
0x8d: {  	v44 =	vld [tilespmem:s9+$0x1100];
	[tilespmem:s31+$0x16800] =	vst v4  }
0x8e: {  	v4 =	vld [tilespmem:s9+$0x1800]  }
0x8f: {  	v45 =	vld [tilespmem:s9+$0x380]  }
0x90: {  	v47 =	vld [tilespmem:s9+$0xA80]  }
0x91: {  	v48 =	vld [tilespmem:s9+$0x1180]  }
0x92: {  	v49 =	vld [tilespmem:s9+$0x1F00]  }
0x93: {  	v50 =	vld [tilespmem:s9+$0x2600]  }
0x94: {  	v51 =	vld [tilespmem:s9+$0x3400]  }
0x95: {  	v5 =	vmax.f32 v5, v7;
	v52 =	vld [tilespmem:s9+$0x1F80];
	v46 =	vmax.f32 v11, v10  }
0x96: {  	v53 =	vld [tilespmem:s9+$0x2680];
	v8 =	vmax.f32 v12, v43;
	v5 =	vmax.f32 v5, v46;
	v4 =	vmax.f32 v44, v4  }
0x97: {  	[tilespmem:s9+$0x16880] =	vst v5;
	v5 =	vld [tilespmem:s9+$0x1880];
	v4 =	vmax.f32 v8, v4  }
0x98: {  	[tilespmem:s9+$0x15300] =	vst v4;
	v4 =	vld [tilespmem:s9+$0x2D00]  }
0x99: {  	s1 =	sshrl.u32 s8, $0x2;
	v54 =	vld [tilespmem:s9+$0x3480]  }
0x9a: {  	s1 =	smulhi.u32 $0x24924925, s1;
	v55 =	vld [tilespmem:s9+$0x3B00]  }
0x9b: {  	v56 =	vld [tilespmem:s9+$0x4200]  }
0x9c: {  	s10 =	smulhi.u32 $0x15555556, s1;
	v57 =	vld [tilespmem:s9+$0x5000];
	v9 =	vmax.f32 v45, v47;
	v5 =	vmax.f32 v48, v5  }
0x9d: {  	v58 =	vld [tilespmem:s9+$0x3B80];
	v6 =	vmax.f32 v49, v50;
	v5 =	vmax.f32 v9, v5;
	v4 =	vmax.f32 v4, v51  }
0x9e: {  	s10 =	smul.u32 $0xC, s10;
	[tilespmem:s9+$0x15380] =	vst v5;
	v5 =	vld [tilespmem:s9+$0x2D80];
	v4 =	vmax.f32 v6, v4  }
0x9f: {  	[tilespmem:s9+$0x15A00] =	vst v4;
	v4 =	vld [tilespmem:s9+$0x4900]  }
0xa0: {  	v59 =	vld [tilespmem:s9+$0x4280];
	s10 =	ssub.s32 s1, s10  }
0xa1: {  	s11 =	sshrl.u32 s8, $0x4;
	p1 =	slt.u32 s8, $0x1C;
	v60 =	vld [tilespmem:s9+$0x5080];
	p2 =	sne.s32 s10, $0x0  }
0xa2: {  	s11 =	smulhi.u32 $0x18618619, s11;
	v61 =	vld [tilespmem:s9+$0x5700];
	p1 =	por !p1, !p2  }
0xa3: {  	s31 =	simm.s32 $0x1;
	v62 =	vld [tilespmem:s9+$0x5E00];
	v7 =	vmax.f32 v52, v53;
	p1 =	por !p1, !p1;
	v5 =	vmax.f32 v5, v54  }
0xa4: {  	s11 =	sshrl.u32 s11, $0x1;
	v63 =	vld [tilespmem:s9+$0x6C00];
	s1 =	smul.u32 $0x1C, s1;
	s31 =	simm.s32 @!p1 $0x0;
	v6 =	vmax.f32 v55, v56;
	v5 =	vmax.f32 v7, v5;
	v4 =	vmax.f32 v4, v57  }
0xa5: {  	s10 =	smul.u32 $0x70, s10;
	s11 =	ssub.s32 s11, s31;
	[tilespmem:s9+$0x15A80] =	vst v5;
	v5 =	vld [tilespmem:s9+$0x4980];
	v4 =	vmax.f32 v6, v4  }
0xa6: {  	s11 =	smul.u32 $0x540, s11;
	[tilespmem:s9+$0x16100] =	vst v4;
	v4 =	vld [tilespmem:s9+$0x6500];
	_ =	sdelay $0x1  }
0xa7: {  	s1 =	ssub.s32 s8, s1;
	s31 =	sadd.s32 s10, s11  }
0xa8: {  	s1 =	sadd.s32 s1, s31  }
0xa9: {  	s1 =	smul.u32 $0x700, s1;
	v7 =	vmax.f32 v58, v59;
	v5 =	vmax.f32 v5, v60  }
0xaa: {  	v6 =	vmax.f32 v61, v62;
	v5 =	vmax.f32 v7, v5;
	v4 =	vmax.f32 v4, v63  }
0xab: {  	s10 =	sshrl.u32 s1, $0x3;
	[tilespmem:s9+$0x16180] =	vst v5;
	v4 =	vmax.f32 v6, v4  }
0xac: {  	s11 =	sadd.s32 $0xC400, s1;
	s8 =	sadd.s32 s5, s10;
	[tilespmem:s9+$0x16800] =	vst v4  }
0xad: {  	[hbm4b:s8+s6] =	stream.linear.scatter [tilespmem:s14], [sflag:$0x4], $0x700, $0x38;
	[tilespmem:$0x1A700] =	vst v63  }
0xae: {  	s8 =	sshrl.u32 s11, $0x3  }
0xaf: {  	p1 =	sne.s32 s0, $0xD;
	s31 =	sadd.s32 $0x18800, s1;
	s8 =	sadd.s32 s5, s8  }
0xb0: {  	[hbm4b:s8+s6] =	stream.linear.scatter [tilespmem:s15], [sflag:$0x4], $0x700, $0x38;
	[tilespmem:$0x1A700] =	vst v63  }
.Ltmp1:
0xb1: {  	s1 =	sadd.s32 $0x24C00, s1;
	s8 =	sshrl.u32 s31, $0x3;
	(pc) =	sbr.rel @p1 .LBB2_6-.Ltmp1, $4  }
0xb2: {  	s1 =	sshrl.u32 s1, $0x3;
	s8 =	sadd.s32 s5, s8  }
0xb3: {  	[hbm4b:s8+s6] =	stream.linear.scatter [tilespmem:s16], [sflag:$0x4], $0x700, $0x38;
	[tilespmem:$0x1A700] =	vst v63  }
0xb4: {  	s7 =	sadd.s32 $0x1, s7;
	s1 =	sadd.s32 s5, s1  }
0xb5: {  	[hbm4b:s1+s6] =	stream.linear.scatter [tilespmem:s17], [sflag:$0x4], $0x700, $0x38;
	[tilespmem:$0x1A700] =	vst v63  }
.Ltmp2:
0xb6: {  	(pc) =	sbr.rel .LBB2_7-.Ltmp2, $4  }
0xb7: {  	_ = 	snop  }
0xb8: {  	_ =	swait.ge [sflag:s18], $0x7000  }
0xb9: {  	[sflag:s18] =	ssyncset.done $0x0  }
0xba: {  	[sflag:s18] =	ssyncadd.s32 $0xFFFF9000  }
.LBB2_6:
0xbb: {  	s1 =	sadd.s32 s4, s7  }
0xbc: {  	s8 =	sadd.s32 $0x2, s1  }
0xbd: {  	s9 =	sshrl.u32 s8, $0x2  }
0xbe: {  	s9 =	smulhi.u32 $0x24924925, s9;
	_ =	sdelay $0x1  }
0xbf: {  	s10 =	smulhi.u32 $0x15555556, s9;
	_ =	sdelay $0x1  }
0xc0: {  	s10 =	smul.u32 $0xC, s10;
	_ =	sdelay $0x1  }
0xc1: {  	s10 =	ssub.s32 s9, s10  }
0xc2: {  	p2 =	slt.u32 s1, $0x1A;
	s31 =	sshrl.u32 s8, $0x4;
	p3 =	sne.s32 s10, $0x0  }
0xc3: {  	s1 =	smulhi.u32 $0x18618619, s31;
	s10 =	sshll.u32 s10, $0x4;
	p2 =	por !p2, !p3  }
0xc4: {  	v4 =	vld [tilespmem:s10+$0x0];
	s10 =	simm.s32 $0x1;
	p2 =	por !p2, !p2  }
0xc5: {  	s1 =	sshrl.u32 s1, $0x1;
	s10 =	simm.s32 @!p2 $0x0  }
0xc6: {  	s1 =	ssub.s32 s1, s10  }
0xc7: {  	s1 =	smul.u32 $0xC0, s1;
	_ =	sdelay $0x1  }
0xc8: {  	s9 =	smul.u32 $0x1C, s9;
	v4 =	vadd.s32 s1, v4  }
0xc9: {  	v4 =	vmul.u32 $0x1C, v4  }
0xca: {  	s11 =	ssub.s32 s8, s9  }
0xcb: {  	v4 =	vadd.s32 s11, v4  }
0xcc: {  	v5 =	vmul.u32 $0x700, v4;
	_ =	sdelay $0x1  }
0xcd: {  	v5 =	vperm.xlane v5, v3;
	_ =	sdelay $0x4  }
.Ltmp3:
0xce: {  	s31 =	simm.s32 $0x300;
	[tilespmem:$0x100] =	vst v4;
	(pc) =	sbr.rel @p0 .LBB2_8-.Ltmp3, $4  }
0xcf: {  	[tilespmem:s31], [sflag:$0x1] =	stream.indirect_vreg.gather [hbm4b:s2+s6], $0x700, v5, vm0, $0x38;
	[tilespmem:$0x1A700] =	vst v63  }
0xd0: {  	_ =	swait.ge [sflag:s18], $0x7000  }
0xd1: {  	[sflag:s18] =	ssyncset.done $0x0  }
0xd2: {  	[sflag:s18] =	ssyncadd.s32 $0xFFFF9000  }
.LBB2_7:
0xd3: {  	_ =	swait.ge [sflag:s19], $0x1C00  }
0xd4: {  	[sflag:s19] =	ssyncset.done $0x0  }
0xd5: {  	[sflag:s19] =	ssyncadd.s32 $0xFFFFE400  }
.LBB2_8:
0xd6: {  	s1 =	simm.s32 $0x0  }
0xd7: {  	s8 =	sand.u32 $0x70, s1;
	s1 =	sand.u32 $0x700, s1  }
0xd8: {  	s8 =	sor.u32 s8, s1  }
0xd9: {  	v4 =	vld [tilespmem:s8+$0xC780]  }
0xda: {  	v5 =	vld [tilespmem:s8+$0xCE80]  }
0xdb: {  	v6 =	vld [tilespmem:s8+$0xD580]  }
0xdc: {  	v7 =	vld [tilespmem:s8+$0xDC80]  }
0xdd: {  	v8 =	vld [tilespmem:s8+$0x7300]  }
0xde: {  	v9 =	vld [tilespmem:s8+$0x7A00]  }
0xdf: {  	v10 =	vld [tilespmem:s8+$0x8100]  }
0xe0: {  	v11 =	vld [tilespmem:s8+$0x8800];
	_ =	sdelay $0x1  }
0xe1: {  	v12 =	vld [tilespmem:s8+$0x7380]  }
0xe2: {  	v4 =	vmax.f32 v4, v5;
	v5 =	vmax.f32 v6, v7;
	v6 =	vld [tilespmem:s8+$0x7A80]  }
0xe3: {  	v7 =	vmax.f32 v8, v9;
	v9 =	vld [tilespmem:s8+$0x8F00]  }
0xe4: {  	v8 =	vmax.f32 v10, v11;
	v10 =	vld [tilespmem:s8+$0xA400]  }
0xe5: {  	v4 =	vmax.f32 v4, v5;
	v5 =	vld [tilespmem:s8+$0x8180]  }
0xe6: {  	v7 =	vmax.f32 v7, v8;
	v8 =	vld [tilespmem:s8+$0x9600]  }
0xe7: {  	[tilespmem:s8+$0x18480] =	vst v4;
	v4 =	vld [tilespmem:s8+$0x8880]  }
0xe8: {  	[tilespmem:s8+$0x16F00] =	vst v7;
	v7 =	vld [tilespmem:s8+$0x9D00];
	_ =	sdelay $0x1  }
0xe9: {  	v11 =	vld [tilespmem:s8+$0xA480]  }
0xea: {  	v8 =	vmax.f32 v9, v8;
	v9 =	vld [tilespmem:s8+$0xAB00]  }
0xeb: {  	v4 =	vmax.f32 v5, v4;
	v5 =	vld [tilespmem:s8+$0x8F80]  }
0xec: {  	v6 =	vmax.f32 v12, v6;
	v7 =	vmax.f32 v7, v10;
	v10 =	vld [tilespmem:s8+$0xC000]  }
0xed: {  	v4 =	vmax.f32 v6, v4;
	v6 =	vld [tilespmem:s8+$0x9680]  }
0xee: {  	v7 =	vmax.f32 v8, v7;
	v8 =	vld [tilespmem:s8+$0xB200]  }
0xef: {  	[tilespmem:s8+$0x16F80] =	vst v4;
	v4 =	vld [tilespmem:s8+$0x9D80]  }
0xf0: {  	[tilespmem:s8+$0x17600] =	vst v7;
	v7 =	vld [tilespmem:s8+$0xB900];
	_ =	sdelay $0x1  }
0xf1: {  	v63 =	vld [tilespmem:s8+$0xB980]  }
0xf2: {  	v13 =	vld [tilespmem:s8+$0xC080]  }
0xf3: {  	v5 =	vmax.f32 v5, v6;
	v4 =	vmax.f32 v4, v11;
	v11 =	vld [tilespmem:s8+$0xAB80]  }
0xf4: {  	v6 =	vmax.f32 v9, v8;
	v7 =	vmax.f32 v7, v10;
	v4 =	vmax.f32 v5, v4;
	v5 =	vld [tilespmem:s8+$0xB280]  }
0xf5: {  	v7 =	vmax.f32 v6, v7;
	v6 =	vld [tilespmem:s8+$0xCE00]  }
0xf6: {  	s9 =	simm.s32 $0x10;
	s1 =	simm.s32 $0x20;
	[tilespmem:s8+$0x17680] =	vst v4;
	v4 =	vld [tilespmem:s8+$0xC700]  }
0xf7: {  	s9 =	sand.u32 $0x70, s9;
	s10 =	sand.u32 $0x700, s1;
	v8 =	vld [tilespmem:s8+$0xD500]  }
0xf8: {  	s9 =	sor.u32 s9, s10;
	v9 =	vld [tilespmem:s8+$0xDC00];
	[tilespmem:s8+$0x17D00] =	vst v7  }
0xf9: {  	v7 =	vld [tilespmem:s9+$0xCE80];
	v10 =	vmax.f32 v11, v5;
	v11 =	vmax.f32 v63, v13  }
0xfa: {  	s10 =	simm.s32 $0x20;
	v5 =	vld [tilespmem:s9+$0xC780];
	v10 =	vmax.f32 v10, v11  }
.LBB2_9:
0xfb: {  	p2 =	sne.s32 s10, $0x370;
	v11 =	vld [tilespmem:s9+$0xD580];
	[tilespmem:s8+$0x17D80] =	vst v10;
	v4 =	vmax.f32 v4, v6  }
0xfc: {  	v6 =	vld [tilespmem:s9+$0xDC80]  }
0xfd: {  	v10 =	vld [tilespmem:s9+$0x7300];
	v8 =	vmax.f32 v8, v9  }
0xfe: {  	v9 =	vld [tilespmem:s9+$0x7A00];
	v4 =	vmax.f32 v4, v8  }
0xff: {  	v8 =	vld [tilespmem:s9+$0x8100];
	[tilespmem:s8+$0x18400] =	vst v4;
	s8 =	smov.u32 s9  }
0x100: {  	v4 =	vld [tilespmem:s8+$0x8800]  }
0x101: {  	v5 =	vmax.f32 v5, v7;
	v12 =	vld [tilespmem:s8+$0x7380];
	v6 =	vmax.f32 v11, v6  }
0x102: {  	v7 =	vld [tilespmem:s8+$0x7A80];
	v5 =	vmax.f32 v5, v6  }
0x103: {  	v6 =	vmax.f32 v10, v9;
	v9 =	vld [tilespmem:s8+$0x8180];
	[tilespmem:s8+$0x18480] =	vst v5  }
0x104: {  	v5 =	vld [tilespmem:s8+$0x8880]  }
0x105: {  	v4 =	vmax.f32 v8, v4;
	v8 =	vld [tilespmem:s8+$0x8F00]  }
0x106: {  	v4 =	vmax.f32 v6, v4;
	v6 =	vld [tilespmem:s8+$0x9600]  }
0x107: {  	[tilespmem:s8+$0x16F00] =	vst v4;
	v4 =	vmax.f32 v12, v7;
	v7 =	vld [tilespmem:s8+$0x9D00]  }
0x108: {  	v10 =	vld [tilespmem:s8+$0xA400]  }
0x109: {  	v5 =	vmax.f32 v9, v5;
	v9 =	vld [tilespmem:s8+$0x8F80]  }
0x10a: {  	v4 =	vmax.f32 v4, v5;
	v5 =	vld [tilespmem:s8+$0x9680]  }
0x10b: {  	[tilespmem:s8+$0x16F80] =	vst v4;
	v4 =	vmax.f32 v8, v6;
	v6 =	vld [tilespmem:s8+$0x9D80]  }
0x10c: {  	v8 =	vld [tilespmem:s8+$0xA480]  }
0x10d: {  	v7 =	vmax.f32 v7, v10;
	v10 =	vld [tilespmem:s8+$0xAB00]  }
0x10e: {  	v4 =	vmax.f32 v4, v7;
	v7 =	vld [tilespmem:s8+$0xB200]  }
0x10f: {  	[tilespmem:s8+$0x17600] =	vst v4;
	v4 =	vmax.f32 v9, v5;
	v5 =	vld [tilespmem:s8+$0xB900]  }
0x110: {  	v9 =	vld [tilespmem:s8+$0xC000]  }
0x111: {  	v6 =	vmax.f32 v6, v8;
	v8 =	vld [tilespmem:s8+$0xAB80]  }
0x112: {  	v4 =	vmax.f32 v4, v6;
	v11 =	vld [tilespmem:s8+$0xB280]  }
0x113: {  	[tilespmem:s8+$0x17680] =	vst v4;
	v6 =	vmax.f32 v10, v7;
	v7 =	vld [tilespmem:s8+$0xB980]  }
0x114: {  	v10 =	vld [tilespmem:s8+$0xC080]  }
0x115: {  	v5 =	vmax.f32 v5, v9;
	v4 =	vld [tilespmem:s8+$0xC700]  }
.Ltmp4:
0x116: {  	s1 =	sadd.s32 $0x20, s1;
	v5 =	vmax.f32 v6, v5;
	v6 =	vld [tilespmem:s8+$0xCE00];
	(pc) =	sbr.rel @p2 .LBB2_9-.Ltmp4, $4  }
0x117: {  	s11 =	sand.u32 $0x700, s1;
	s9 =	sand.u32 $0x70, s10;
	[tilespmem:s8+$0x17D00] =	vst v5;
	v11 =	vmax.f32 v8, v11;
	v8 =	vld [tilespmem:s8+$0xD500]  }
0x118: {  	s9 =	sor.u32 s9, s11;
	v9 =	vld [tilespmem:s8+$0xDC00]  }
0x119: {  	v5 =	vld [tilespmem:s9+$0xC780];
	v10 =	vmax.f32 v7, v10  }
0x11a: {  	s10 =	sadd.s32 $0x10, s10;
	v7 =	vld [tilespmem:s9+$0xCE80];
	v10 =	vmax.f32 v11, v10  }
0x11b: {  	v11 =	vld [tilespmem:s9+$0xD580];
	[tilespmem:s8+$0x17D80] =	vst v10  }
0x11c: {  	v10 =	vld [tilespmem:s9+$0xDC80]  }
0x11d: {  	v4 =	vmax.f32 v4, v6;
	v12 =	vld [tilespmem:s9+$0x7300];
	v42 =	vmax.f32 v8, v9  }
0x11e: {  	v43 =	vld [tilespmem:s9+$0x7A00];
	v4 =	vmax.f32 v4, v42  }
0x11f: {  	v44 =	vld [tilespmem:s9+$0x8100];
	[tilespmem:s8+$0x18400] =	vst v4  }
0x120: {  	v4 =	vld [tilespmem:s9+$0x8800]  }
0x121: {  	v45 =	vld [tilespmem:s9+$0x7380]  }
0x122: {  	v47 =	vld [tilespmem:s9+$0x7A80]  }
0x123: {  	v48 =	vld [tilespmem:s9+$0x8180]  }
0x124: {  	v49 =	vld [tilespmem:s9+$0x8F00]  }
0x125: {  	v50 =	vld [tilespmem:s9+$0x9600]  }
0x126: {  	v51 =	vld [tilespmem:s9+$0xA400]  }
0x127: {  	v5 =	vmax.f32 v5, v7;
	v52 =	vld [tilespmem:s9+$0x8F80];
	v46 =	vmax.f32 v11, v10  }
0x128: {  	v53 =	vld [tilespmem:s9+$0x9680];
	v8 =	vmax.f32 v12, v43;
	v5 =	vmax.f32 v5, v46;
	v4 =	vmax.f32 v44, v4  }
0x129: {  	[tilespmem:s9+$0x18480] =	vst v5;
	v5 =	vld [tilespmem:s9+$0x8880];
	v4 =	vmax.f32 v8, v4  }
0x12a: {  	s1 =	sadd.s32 s4, s7;
	[tilespmem:s9+$0x16F00] =	vst v4;
	v4 =	vld [tilespmem:s9+$0x9D00]  }
0x12b: {  	s7 =	sshrl.u32 s1, $0x2;
	v54 =	vld [tilespmem:s9+$0xA480]  }
0x12c: {  	s7 =	smulhi.u32 $0x24924925, s7;
	v55 =	vld [tilespmem:s9+$0xAB00]  }
0x12d: {  	v56 =	vld [tilespmem:s9+$0xB200]  }
0x12e: {  	s31 =	smulhi.u32 $0x15555556, s7;
	v57 =	vld [tilespmem:s9+$0xC000];
	v9 =	vmax.f32 v45, v47;
	v5 =	vmax.f32 v48, v5  }
0x12f: {  	v58 =	vld [tilespmem:s9+$0xAB80];
	v6 =	vmax.f32 v49, v50;
	v5 =	vmax.f32 v9, v5;
	v4 =	vmax.f32 v4, v51  }
0x130: {  	s8 =	smul.u32 $0xC, s31;
	[tilespmem:s9+$0x16F80] =	vst v5;
	v5 =	vld [tilespmem:s9+$0x9D80];
	v4 =	vmax.f32 v6, v4  }
0x131: {  	[tilespmem:s9+$0x17600] =	vst v4;
	v4 =	vld [tilespmem:s9+$0xB900]  }
0x132: {  	v59 =	vld [tilespmem:s9+$0xB280];
	s8 =	ssub.s32 s7, s8  }
0x133: {  	s10 =	sshrl.u32 s1, $0x4;
	p2 =	slt.u32 s1, $0x1C;
	v60 =	vld [tilespmem:s9+$0xC080];
	p3 =	sne.s32 s8, $0x0  }
0x134: {  	s10 =	smulhi.u32 $0x18618619, s10;
	v61 =	vld [tilespmem:s9+$0xC700];
	p2 =	por !p2, !p3  }
0x135: {  	s11 =	simm.s32 $0x1;
	v62 =	vld [tilespmem:s9+$0xCE00];
	v7 =	vmax.f32 v52, v53;
	p2 =	por !p2, !p2;
	v5 =	vmax.f32 v5, v54  }
0x136: {  	s10 =	sshrl.u32 s10, $0x1;
	v63 =	vld [tilespmem:s9+$0xDC00];
	s7 =	smul.u32 $0x1C, s7;
	s11 =	simm.s32 @!p2 $0x0;
	v6 =	vmax.f32 v55, v56;
	v5 =	vmax.f32 v7, v5;
	v4 =	vmax.f32 v4, v57  }
0x137: {  	s8 =	smul.u32 $0x70, s8;
	s10 =	ssub.s32 s10, s11;
	[tilespmem:s9+$0x17680] =	vst v5;
	v5 =	vld [tilespmem:s9+$0xB980];
	v4 =	vmax.f32 v6, v4  }
0x138: {  	s10 =	smul.u32 $0x540, s10;
	[tilespmem:s9+$0x17D00] =	vst v4;
	v4 =	vld [tilespmem:s9+$0xD500];
	_ =	sdelay $0x1  }
0x139: {  	s1 =	ssub.s32 s1, s7;
	s8 =	sadd.s32 s8, s10  }
0x13a: {  	s1 =	sadd.s32 s1, s8  }
0x13b: {  	s1 =	smul.u32 $0x700, s1;
	v7 =	vmax.f32 v58, v59;
	v5 =	vmax.f32 v5, v60  }
0x13c: {  	v6 =	vmax.f32 v61, v62;
	v5 =	vmax.f32 v7, v5;
	v4 =	vmax.f32 v4, v63  }
0x13d: {  	s10 =	sshrl.u32 s1, $0x3;
	[tilespmem:s9+$0x17D80] =	vst v5;
	v4 =	vmax.f32 v6, v4  }
0x13e: {  	s11 =	sadd.s32 $0xC400, s1;
	s7 =	sadd.s32 s5, s10;
	[tilespmem:s9+$0x18400] =	vst v4  }
0x13f: {  	[hbm4b:s7+s6] =	stream.linear.scatter [tilespmem:s20], [sflag:$0x5], $0x700, $0x38;
	[tilespmem:$0x1A700] =	vst v63  }
0x140: {  	s7 =	sshrl.u32 s11, $0x3  }
0x141: {  	s31 =	sadd.s32 $0x18800, s1;
	s7 =	sadd.s32 s5, s7  }
0x142: {  	[hbm4b:s7+s6] =	stream.linear.scatter [tilespmem:s21], [sflag:$0x5], $0x700, $0x38;
	[tilespmem:$0x1A700] =	vst v63  }
.Ltmp5:
0x143: {  	s1 =	sadd.s32 $0x24C00, s1;
	s7 =	sshrl.u32 s31, $0x3;
	(pc) =	sbr.rel @p1 .LBB2_12-.Ltmp5, $4  }
0x144: {  	s1 =	sshrl.u32 s1, $0x3;
	s7 =	sadd.s32 s5, s7  }
0x145: {  	[hbm4b:s7+s6] =	stream.linear.scatter [tilespmem:s22], [sflag:$0x5], $0x700, $0x38;
	[tilespmem:$0x1A700] =	vst v63  }
0x146: {  	s1 =	sadd.s32 s5, s1  }
0x147: {  	[hbm4b:s1+s6] =	stream.linear.scatter [tilespmem:s23], [sflag:$0x5], $0x700, $0x38;
	[tilespmem:$0x1A700] =	vst v63  }
.Ltmp6:
0x148: {  	(pc) =	sbr.rel .LBB2_13-.Ltmp6, $4  }
0x149: {  	_ = 	snop  }
0x14a: {  	_ =	swait.ge [sflag:s24], $0x7000  }
0x14b: {  	[sflag:s24] =	ssyncset.done $0x0  }
0x14c: {  	[sflag:s24] =	ssyncadd.s32 $0xFFFF9000  }
.LBB2_12:
0x14d: {  	s1 =	sadd.s32 s4, s3  }
0x14e: {  	s7 =	sadd.s32 $0x2, s1  }
0x14f: {  	s8 =	sshrl.u32 s7, $0x2  }
0x150: {  	s8 =	smulhi.u32 $0x24924925, s8;
	_ =	sdelay $0x1  }
0x151: {  	s9 =	smulhi.u32 $0x15555556, s8;
	_ =	sdelay $0x1  }
0x152: {  	s9 =	smul.u32 $0xC, s9;
	_ =	sdelay $0x1  }
0x153: {  	s9 =	ssub.s32 s8, s9  }
0x154: {  	p1 =	slt.u32 s1, $0x1A;
	s10 =	sshrl.u32 s7, $0x4;
	p2 =	sne.s32 s9, $0x0  }
0x155: {  	s1 =	smulhi.u32 $0x18618619, s10;
	s9 =	sshll.u32 s9, $0x4;
	p1 =	por !p1, !p2  }
0x156: {  	v4 =	vld [tilespmem:s9+$0x0];
	s9 =	simm.s32 $0x1;
	p1 =	por !p1, !p1  }
0x157: {  	s1 =	sshrl.u32 s1, $0x1;
	s9 =	simm.s32 @!p1 $0x0  }
0x158: {  	s1 =	ssub.s32 s1, s9  }
0x159: {  	s1 =	smul.u32 $0xC0, s1;
	_ =	sdelay $0x1  }
0x15a: {  	s8 =	smul.u32 $0x1C, s8;
	v4 =	vadd.s32 s1, v4  }
0x15b: {  	v4 =	vmul.u32 $0x1C, v4  }
0x15c: {  	s11 =	ssub.s32 s7, s8  }
0x15d: {  	v4 =	vadd.s32 s11, v4  }
0x15e: {  	v5 =	vmul.u32 $0x700, v4;
	_ =	sdelay $0x1  }
0x15f: {  	v5 =	vperm.xlane v5, v3;
	_ =	sdelay $0x4  }
.Ltmp7:
0x160: {  	s31 =	simm.s32 $0x7300;
	[tilespmem:$0x180] =	vst v4;
	(pc) =	sbr.rel @p0 .LBB2_14-.Ltmp7, $4  }
0x161: {  	[tilespmem:s31], [sflag:$0x2] =	stream.indirect_vreg.gather [hbm4b:s2+s6], $0x700, v5, vm0, $0x38;
	[tilespmem:$0x1A700] =	vst v63  }
0x162: {  	_ =	swait.ge [sflag:s24], $0x7000  }
0x163: {  	[sflag:s24] =	ssyncset.done $0x0  }
0x164: {  	[sflag:s24] =	ssyncadd.s32 $0xFFFF9000  }
.LBB2_13:
0x165: {  	_ =	swait.ge [sflag:s25], $0x1C00  }
0x166: {  	[sflag:s25] =	ssyncset.done $0x0  }
0x167: {  	[sflag:s25] =	ssyncadd.s32 $0xFFFFE400  }
.LBB2_14:
0x168: {  	s1 =	simm.s32 $0x0  }
0x169: {  	s7 =	sand.u32 $0x70, s1;
	s1 =	sand.u32 $0x700, s1  }
0x16a: {  	s7 =	sor.u32 s7, s1  }
0x16b: {  	v4 =	vld [tilespmem:s7+$0x13780]  }
0x16c: {  	v5 =	vld [tilespmem:s7+$0x13E80]  }
0x16d: {  	v6 =	vld [tilespmem:s7+$0x14580]  }
0x16e: {  	v7 =	vld [tilespmem:s7+$0x14C80]  }
0x16f: {  	v8 =	vld [tilespmem:s7+$0xE300]  }
0x170: {  	v9 =	vld [tilespmem:s7+$0xEA00]  }
0x171: {  	v10 =	vld [tilespmem:s7+$0xF100]  }
0x172: {  	v11 =	vld [tilespmem:s7+$0xF800];
	_ =	sdelay $0x1  }
0x173: {  	v12 =	vld [tilespmem:s7+$0xE380]  }
0x174: {  	v4 =	vmax.f32 v4, v5;
	v5 =	vmax.f32 v6, v7;
	v6 =	vld [tilespmem:s7+$0xEA80]  }
0x175: {  	v7 =	vmax.f32 v8, v9;
	v9 =	vld [tilespmem:s7+$0xFF00]  }
0x176: {  	v8 =	vmax.f32 v10, v11;
	v10 =	vld [tilespmem:s7+$0x11400]  }
0x177: {  	v4 =	vmax.f32 v4, v5;
	v5 =	vld [tilespmem:s7+$0xF180]  }
0x178: {  	v7 =	vmax.f32 v7, v8;
	v8 =	vld [tilespmem:s7+$0x10600]  }
0x179: {  	[tilespmem:s7+$0x1A080] =	vst v4;
	v4 =	vld [tilespmem:s7+$0xF880]  }
0x17a: {  	[tilespmem:s7+$0x18B00] =	vst v7;
	v7 =	vld [tilespmem:s7+$0x10D00];
	_ =	sdelay $0x1  }
0x17b: {  	v11 =	vld [tilespmem:s7+$0x11480]  }
0x17c: {  	v8 =	vmax.f32 v9, v8;
	v9 =	vld [tilespmem:s7+$0x11B00]  }
0x17d: {  	v4 =	vmax.f32 v5, v4;
	v5 =	vld [tilespmem:s7+$0xFF80]  }
0x17e: {  	v6 =	vmax.f32 v12, v6;
	v7 =	vmax.f32 v7, v10;
	v10 =	vld [tilespmem:s7+$0x13000]  }
0x17f: {  	v4 =	vmax.f32 v6, v4;
	v6 =	vld [tilespmem:s7+$0x10680]  }
0x180: {  	v7 =	vmax.f32 v8, v7;
	v8 =	vld [tilespmem:s7+$0x12200]  }
0x181: {  	[tilespmem:s7+$0x18B80] =	vst v4;
	v4 =	vld [tilespmem:s7+$0x10D80]  }
0x182: {  	[tilespmem:s7+$0x19200] =	vst v7;
	v7 =	vld [tilespmem:s7+$0x12900];
	_ =	sdelay $0x1  }
0x183: {  	v63 =	vld [tilespmem:s7+$0x12980]  }
0x184: {  	v13 =	vld [tilespmem:s7+$0x13080]  }
0x185: {  	v5 =	vmax.f32 v5, v6;
	v4 =	vmax.f32 v4, v11;
	v11 =	vld [tilespmem:s7+$0x11B80]  }
0x186: {  	v6 =	vmax.f32 v9, v8;
	v7 =	vmax.f32 v7, v10;
	v4 =	vmax.f32 v5, v4;
	v5 =	vld [tilespmem:s7+$0x12280]  }
0x187: {  	v7 =	vmax.f32 v6, v7;
	v6 =	vld [tilespmem:s7+$0x13E00]  }
0x188: {  	s8 =	simm.s32 $0x10;
	s1 =	simm.s32 $0x20;
	[tilespmem:s7+$0x19280] =	vst v4;
	v4 =	vld [tilespmem:s7+$0x13700]  }
0x189: {  	s8 =	sand.u32 $0x70, s8;
	s9 =	sand.u32 $0x700, s1;
	v8 =	vld [tilespmem:s7+$0x14500]  }
0x18a: {  	s8 =	sor.u32 s8, s9;
	v9 =	vld [tilespmem:s7+$0x14C00];
	[tilespmem:s7+$0x19900] =	vst v7  }
0x18b: {  	v7 =	vld [tilespmem:s8+$0x13E80];
	v10 =	vmax.f32 v11, v5;
	v11 =	vmax.f32 v63, v13  }
0x18c: {  	s9 =	simm.s32 $0x20;
	v5 =	vld [tilespmem:s8+$0x13780];
	v10 =	vmax.f32 v10, v11  }
.LBB2_15:
0x18d: {  	p0 =	sne.s32 s9, $0x370;
	v11 =	vld [tilespmem:s8+$0x14580];
	[tilespmem:s7+$0x19980] =	vst v10;
	v4 =	vmax.f32 v4, v6  }
0x18e: {  	v6 =	vld [tilespmem:s8+$0x14C80]  }
0x18f: {  	v10 =	vld [tilespmem:s8+$0xE300];
	v8 =	vmax.f32 v8, v9  }
0x190: {  	v9 =	vld [tilespmem:s8+$0xEA00];
	v4 =	vmax.f32 v4, v8  }
0x191: {  	v8 =	vld [tilespmem:s8+$0xF100];
	[tilespmem:s7+$0x1A000] =	vst v4;
	s7 =	smov.u32 s8  }
0x192: {  	v4 =	vld [tilespmem:s7+$0xF800]  }
0x193: {  	v5 =	vmax.f32 v5, v7;
	v12 =	vld [tilespmem:s7+$0xE380];
	v6 =	vmax.f32 v11, v6  }
0x194: {  	v7 =	vld [tilespmem:s7+$0xEA80];
	v5 =	vmax.f32 v5, v6  }
0x195: {  	v6 =	vmax.f32 v10, v9;
	v9 =	vld [tilespmem:s7+$0xF180];
	[tilespmem:s7+$0x1A080] =	vst v5  }
0x196: {  	v5 =	vld [tilespmem:s7+$0xF880]  }
0x197: {  	v4 =	vmax.f32 v8, v4;
	v8 =	vld [tilespmem:s7+$0xFF00]  }
0x198: {  	v4 =	vmax.f32 v6, v4;
	v6 =	vld [tilespmem:s7+$0x10600]  }
0x199: {  	[tilespmem:s7+$0x18B00] =	vst v4;
	v4 =	vmax.f32 v12, v7;
	v7 =	vld [tilespmem:s7+$0x10D00]  }
0x19a: {  	v10 =	vld [tilespmem:s7+$0x11400]  }
0x19b: {  	v5 =	vmax.f32 v9, v5;
	v9 =	vld [tilespmem:s7+$0xFF80]  }
0x19c: {  	v4 =	vmax.f32 v4, v5;
	v5 =	vld [tilespmem:s7+$0x10680]  }
0x19d: {  	[tilespmem:s7+$0x18B80] =	vst v4;
	v4 =	vmax.f32 v8, v6;
	v6 =	vld [tilespmem:s7+$0x10D80]  }
0x19e: {  	v8 =	vld [tilespmem:s7+$0x11480]  }
0x19f: {  	v7 =	vmax.f32 v7, v10;
	v10 =	vld [tilespmem:s7+$0x11B00]  }
0x1a0: {  	v4 =	vmax.f32 v4, v7;
	v7 =	vld [tilespmem:s7+$0x12200]  }
0x1a1: {  	[tilespmem:s7+$0x19200] =	vst v4;
	v4 =	vmax.f32 v9, v5;
	v5 =	vld [tilespmem:s7+$0x12900]  }
0x1a2: {  	v9 =	vld [tilespmem:s7+$0x13000]  }
0x1a3: {  	v6 =	vmax.f32 v6, v8;
	v8 =	vld [tilespmem:s7+$0x11B80]  }
0x1a4: {  	v4 =	vmax.f32 v4, v6;
	v11 =	vld [tilespmem:s7+$0x12280]  }
0x1a5: {  	[tilespmem:s7+$0x19280] =	vst v4;
	v6 =	vmax.f32 v10, v7;
	v7 =	vld [tilespmem:s7+$0x12980]  }
0x1a6: {  	v10 =	vld [tilespmem:s7+$0x13080]  }
0x1a7: {  	v5 =	vmax.f32 v5, v9;
	v4 =	vld [tilespmem:s7+$0x13700]  }
.Ltmp8:
0x1a8: {  	s1 =	sadd.s32 $0x20, s1;
	v5 =	vmax.f32 v6, v5;
	v6 =	vld [tilespmem:s7+$0x13E00];
	(pc) =	sbr.rel @p0 .LBB2_15-.Ltmp8, $4  }
0x1a9: {  	s10 =	sand.u32 $0x700, s1;
	s8 =	sand.u32 $0x70, s9;
	[tilespmem:s7+$0x19900] =	vst v5;
	v11 =	vmax.f32 v8, v11;
	v8 =	vld [tilespmem:s7+$0x14500]  }
0x1aa: {  	s8 =	sor.u32 s8, s10;
	v9 =	vld [tilespmem:s7+$0x14C00]  }
0x1ab: {  	v5 =	vld [tilespmem:s8+$0x13780];
	v10 =	vmax.f32 v7, v10  }
0x1ac: {  	s9 =	sadd.s32 $0x10, s9;
	v7 =	vld [tilespmem:s8+$0x13E80];
	v10 =	vmax.f32 v11, v10  }
0x1ad: {  	v11 =	vld [tilespmem:s8+$0x14580];
	[tilespmem:s7+$0x19980] =	vst v10  }
0x1ae: {  	v10 =	vld [tilespmem:s8+$0x14C80]  }
0x1af: {  	v4 =	vmax.f32 v4, v6;
	v12 =	vld [tilespmem:s8+$0xE300];
	v42 =	vmax.f32 v8, v9  }
0x1b0: {  	v43 =	vld [tilespmem:s8+$0xEA00];
	v4 =	vmax.f32 v4, v42  }
0x1b1: {  	v44 =	vld [tilespmem:s8+$0xF100];
	[tilespmem:s7+$0x1A000] =	vst v4  }
0x1b2: {  	v4 =	vld [tilespmem:s8+$0xF800]  }
0x1b3: {  	v45 =	vld [tilespmem:s8+$0xE380]  }
0x1b4: {  	v47 =	vld [tilespmem:s8+$0xEA80]  }
0x1b5: {  	v48 =	vld [tilespmem:s8+$0xF180]  }
0x1b6: {  	v49 =	vld [tilespmem:s8+$0xFF00]  }
0x1b7: {  	v50 =	vld [tilespmem:s8+$0x10600]  }
0x1b8: {  	v51 =	vld [tilespmem:s8+$0x11400]  }
0x1b9: {  	v5 =	vmax.f32 v5, v7;
	v52 =	vld [tilespmem:s8+$0xFF80];
	v46 =	vmax.f32 v11, v10  }
0x1ba: {  	v53 =	vld [tilespmem:s8+$0x10680];
	v8 =	vmax.f32 v12, v43;
	v5 =	vmax.f32 v5, v46;
	v4 =	vmax.f32 v44, v4  }
0x1bb: {  	[tilespmem:s8+$0x1A080] =	vst v5;
	v5 =	vld [tilespmem:s8+$0xF880];
	v4 =	vmax.f32 v8, v4  }
0x1bc: {  	s1 =	sadd.s32 s4, s3;
	[tilespmem:s8+$0x18B00] =	vst v4;
	v4 =	vld [tilespmem:s8+$0x10D00]  }
0x1bd: {  	s3 =	sshrl.u32 s1, $0x2;
	v54 =	vld [tilespmem:s8+$0x11480]  }
0x1be: {  	s3 =	smulhi.u32 $0x24924925, s3;
	v55 =	vld [tilespmem:s8+$0x11B00]  }
0x1bf: {  	v56 =	vld [tilespmem:s8+$0x12200]  }
0x1c0: {  	s31 =	smulhi.u32 $0x15555556, s3;
	v57 =	vld [tilespmem:s8+$0x13000];
	v9 =	vmax.f32 v45, v47;
	v5 =	vmax.f32 v48, v5  }
0x1c1: {  	v58 =	vld [tilespmem:s8+$0x11B80];
	v6 =	vmax.f32 v49, v50;
	v5 =	vmax.f32 v9, v5;
	v4 =	vmax.f32 v4, v51  }
0x1c2: {  	s7 =	smul.u32 $0xC, s31;
	[tilespmem:s8+$0x18B80] =	vst v5;
	v5 =	vld [tilespmem:s8+$0x10D80];
	v4 =	vmax.f32 v6, v4  }
0x1c3: {  	[tilespmem:s8+$0x19200] =	vst v4;
	v4 =	vld [tilespmem:s8+$0x12900]  }
0x1c4: {  	v59 =	vld [tilespmem:s8+$0x12280];
	s7 =	ssub.s32 s3, s7  }
0x1c5: {  	s9 =	sshrl.u32 s1, $0x4;
	p0 =	slt.u32 s1, $0x1C;
	v60 =	vld [tilespmem:s8+$0x13080];
	p1 =	sne.s32 s7, $0x0  }
0x1c6: {  	s9 =	smulhi.u32 $0x18618619, s9;
	v61 =	vld [tilespmem:s8+$0x13700];
	p0 =	por !p0, !p1  }
0x1c7: {  	s10 =	simm.s32 $0x1;
	v62 =	vld [tilespmem:s8+$0x13E00];
	v7 =	vmax.f32 v52, v53;
	p0 =	por !p0, !p0;
	v5 =	vmax.f32 v5, v54  }
0x1c8: {  	s9 =	sshrl.u32 s9, $0x1;
	v63 =	vld [tilespmem:s8+$0x14C00];
	s3 =	smul.u32 $0x1C, s3;
	s10 =	simm.s32 @!p0 $0x0;
	v6 =	vmax.f32 v55, v56;
	v5 =	vmax.f32 v7, v5;
	v4 =	vmax.f32 v4, v57  }
0x1c9: {  	s7 =	smul.u32 $0x70, s7;
	s9 =	ssub.s32 s9, s10;
	[tilespmem:s8+$0x19280] =	vst v5;
	v5 =	vld [tilespmem:s8+$0x12980];
	v4 =	vmax.f32 v6, v4  }
0x1ca: {  	s9 =	smul.u32 $0x540, s9;
	[tilespmem:s8+$0x19900] =	vst v4;
	v4 =	vld [tilespmem:s8+$0x14500];
	_ =	sdelay $0x1  }
0x1cb: {  	s1 =	ssub.s32 s1, s3;
	s9 =	sadd.s32 s7, s9  }
0x1cc: {  	s1 =	sadd.s32 s1, s9  }
0x1cd: {  	s1 =	smul.u32 $0x700, s1;
	v7 =	vmax.f32 v58, v59;
	v5 =	vmax.f32 v5, v60  }
0x1ce: {  	v6 =	vmax.f32 v61, v62;
	v5 =	vmax.f32 v7, v5;
	v4 =	vmax.f32 v4, v63  }
0x1cf: {  	s10 =	sshrl.u32 s1, $0x3;
	[tilespmem:s8+$0x19980] =	vst v5;
	v4 =	vmax.f32 v6, v4  }
0x1d0: {  	s11 =	sadd.s32 $0xC400, s1;
	s3 =	sadd.s32 s5, s10;
	[tilespmem:s8+$0x1A000] =	vst v4  }
0x1d1: {  	[hbm4b:s3+s6] =	stream.linear.scatter [tilespmem:s26], [sflag:$0x6], $0x700, $0x38;
	[tilespmem:$0x1A700] =	vst v63  }
0x1d2: {  	s0 =	sadd.s32 $0x1, s0;
	s3 =	sshrl.u32 s11, $0x3  }
0x1d3: {  	p0 =	sne.s32 s0, $0xE;
	s31 =	sadd.s32 $0x18800, s1;
	s3 =	sadd.s32 s5, s3  }
0x1d4: {  	[hbm4b:s3+s6] =	stream.linear.scatter [tilespmem:s28], [sflag:$0x6], $0x700, $0x38;
	[tilespmem:$0x1A700] =	vst v63  }
.Ltmp9:
0x1d5: {  	s1 =	sadd.s32 $0x24C00, s1;
	s3 =	sshrl.u32 s31, $0x3;
	(pc) =	sbr.rel @p0 .LBB2_2-.Ltmp9, $4  }
0x1d6: {  	s1 =	sshrl.u32 s1, $0x3;
	s3 =	sadd.s32 s5, s3  }
0x1d7: {  	[hbm4b:s3+s6] =	stream.linear.scatter [tilespmem:s29], [sflag:$0x6], $0x700, $0x38;
	[tilespmem:$0x1A700] =	vst v63  }
0x1d8: {  	s1 =	sadd.s32 s5, s1  }
0x1d9: {  	[hbm4b:s1+s6] =	stream.linear.scatter [tilespmem:s30], [sflag:$0x6], $0x700, $0x38;
	[tilespmem:$0x1A700] =	vst v63  }
0x1da: {  	s0 =	simm.s32 $0x4  }
0x1db: {  	_ =	swait.ge [sflag:s0], $0x1C00  }
0x1dc: {  	[sflag:s0] =	ssyncset.done $0x0  }
0x1dd: {  	[sflag:s0] =	ssyncadd.s32 $0xFFFFE400  }
0x1de: {  	_ =	swait.ge [sflag:s19], $0x1C00  }
0x1df: {  	[sflag:s19] =	ssyncset.done $0x0  }
0x1e0: {  	[sflag:s19] =	ssyncadd.s32 $0xFFFFE400  }
0x1e1: {  	_ =	swait.ge [sflag:s25], $0x1C00  }
0x1e2: {  	s1 =	rddreg [dreg:$0x6]  }
0x1e3: {  	s31 =	rddreg [dreg:$0x4];
	s1 =	sadd.s32 $0x1, s1  }
0x1e4: {  	p0 =	sne.s32 s1, s31  }
.Ltmp10:
0x1e5: {  	_ = 	snop;
	(pc) =	sbr.rel @p0 .LBB2_1-.Ltmp10, $3  }
0x1e6: {  	_ =	sdelay $0x1  }
0x1e7: {  	[sflag:s25] =	ssyncset.done $0x0  }
0x1e8: {  	[sflag:s25] =	ssyncadd.s32 $0xFFFFE400  }
0x1e9: {  	_ =	sfence.sel $0x180000  }
0x1ea: {  	[bflag:$0x0] =	sbarrier.arrive $0xFFFF  }
0x1eb: {  	_ =	strace $0x90000047  }
0x1ec: {  	s0 =	stileid.u32;
	[bflag:$0x2] =	sbarrier.arrive $0xFFFF  }
0x1ed: {  	p0 =	sne.s32 s0, $0x0;
	s0 =	rddreg [dreg:$0x3]  }
0x1ee: {  	s0 =	sadd.s32 @!p0 $0x100000, s0  }
0x1ef: {  	[sflag:s0] =	ssyncadd.tile.s32 @!p0 $0x1;
	_ =	shalt  }
.Lfunc_end2:
_tile_overlayer_lowered:
.L_overlay_start_2:
0x1f0: {  	(tag) =	ssettag $0x2  }
0x1f1: {  	s0 =	rddreg [dreg:$0x0];
	s2 =	stileid.u32  }
0x1f2: {  	s1 =	rddreg [dreg:$0x1];
	p0 =	sne.s32 s2, $0x0  }
0x1f3: {  	s3 =	rddreg [dreg:$0x2];
	[bflag:$0x3] =	sbarrier.arrive $0xFFFF;
	s2 =	simm.s32 @!p0 $0x1C07  }
0x1f4: {  	[timem:s3], [sflag:s2] =	dma.local @!p0 [hbm:s0], s1  }
0x1f5: {  	s0 =	simm.s32 @!p0 $0x7  }
0x1f6: {  	_ =	swait.ge @!p0 [sflag:s0], s1  }
0x1f7: {  	s1 =	ssub.s32 @!p0 $0x0, s1;
	[sflag:s0] =	ssyncset.done @!p0 $0x0  }
0x1f8: {  	[sflag:s0] =	ssyncadd.s32 @!p0 s1  }
0x1f9: {  	[bflag:$0x3] =	sbarrier.arrive $0xFFFF  }
0x1fa: {  	_ =	shalt  }

</sc_bundles>
